<compile_context>
chip_gen: v7x
topology: tpu7x:2x2x1
jax: 0.10.2.dev20260603
libtpu: 0.0.44.dev20260713+nightly
codegen_flags: <defaults>
</compile_context>

<pallas_src>
import functools

import jax
import jax.numpy as jnp
from jax import lax
from jax.experimental import pallas as pl
from jax.experimental.pallas import tpu as pltpu
from jax.experimental.pallas import tpu_sc as plsc

_N = 10000
_E = 320000
_D = 128
_HD = 64
_ED = 16

_NC = 2
_NS = 16
_NW = _NC * _NS
_EPT = _E // _NS
_CHUNK = 80
_NCH = _EPT // _CHUNK
_NB = 5
_NP = 10240
_RPT = _NP // _NS

_mesh = plsc.VectorSubcoreMesh(core_axis_name="c", subcore_axis_name="s")
_sc_params = pltpu.CompilerParams(use_tc_tiling_on_sc=False)


def _sc_scatter_td(dst_hbm, ep_hbm, ones_hbm, z16_hbm,
                   td_out,
                   dst_v, ep_v, esems, acc_td):
    c = lax.axis_index("c")
    s = lax.axis_index("s")
    w = c * _NS + s
    r0 = s * _RPT
    pltpu.sync_copy(dst_hbm.at[s], dst_v)

    @pl.when(c == 0)
    def _():
        for b in range(_NB):
            pltpu.async_copy(ep_hbm.at[s * _NCH + b], ep_v.at[b], esems[b])

    @pl.when(c == 1)
    def _():
        for b in range(_NB):
            pltpu.sync_copy(ones_hbm, ep_v.at[b])

    pltpu.sync_copy(z16_hbm.at[pl.ds(r0, _RPT)], acc_td.at[pl.ds(r0, _RPT)])
    plsc.subcore_barrier()

    @pl.loop(0, _NCH, step=_NB)
    def _(j0):
        for b in range(_NB):
            j = j0 + b
            jn = j + _NB

            @pl.when(c == 0)
            def _():
                pltpu.make_async_copy(ep_hbm.at[0], ep_v.at[b],
                                      esems[b]).wait()

            pltpu.sync_copy(ep_v.at[b], acc_td.at[dst_v.at[j]], add=True)

            @pl.when((c == 0) & (jn < _NCH))
            def _():
                pltpu.async_copy(ep_hbm.at[s * _NCH + jn], ep_v.at[b],
                                 esems[b])

    plsc.subcore_barrier()
    pltpu.sync_copy(acc_td.at[pl.ds(r0, _RPT)], td_out.at[w])


def _sc_scatter2(h2_hbm, gsrc_hbm, dst_hbm, z64_hbm,
                 s_out,
                 src_v, dst_v, rows_v, gsems, acc_s):
    c = lax.axis_index("c")
    s = lax.axis_index("s")
    w = c * _NS + s
    r0 = s * _RPT
    pltpu.sync_copy(gsrc_hbm.at[w], src_v)
    pltpu.sync_copy(dst_hbm.at[s], dst_v)
    for b in range(_NB):
        pltpu.async_copy(h2_hbm.at[src_v.at[b]], rows_v.at[b], gsems[b])
    pltpu.sync_copy(z64_hbm.at[pl.ds(r0, _RPT)], acc_s.at[pl.ds(r0, _RPT)])
    plsc.subcore_barrier()

    @pl.loop(0, _NCH, step=_NB)
    def _(j0):
        for b in range(_NB):
            j = j0 + b
            jn = j + _NB
            pltpu.make_async_copy(h2_hbm.at[pl.ds(0, _CHUNK)], rows_v.at[b],
                                  gsems[b]).wait()
            pltpu.sync_copy(rows_v.at[b], acc_s.at[dst_v.at[j]], add=True)

            @pl.when(jn < _NCH)
            def _():
                pltpu.async_copy(h2_hbm.at[src_v.at[jn]], rows_v.at[b],
                                 gsems[b])

    plsc.subcore_barrier()
    pltpu.sync_copy(acc_s.at[pl.ds(r0, _RPT)],
                    s_out.at[pl.ds(r0, _RPT), pl.ds(c * _HD, _HD)])


_scatter_td = functools.partial(
    pl.kernel,
    out_type=jax.ShapeDtypeStruct((_NW, _RPT, _ED), jnp.float32),
    mesh=_mesh,
    compiler_params=_sc_params,
    scratch_types=(
        pltpu.VMEM((_NCH, _CHUNK), jnp.int32),
        pltpu.VMEM((_NB, _CHUNK, _ED), jnp.float32),
        tuple(pltpu.SemaphoreType.DMA for _ in range(_NB)),
        pltpu.VMEM_SHARED((_NP, _ED), jnp.float32),
    ),
)(_sc_scatter_td)

_scatter2 = functools.partial(
    pl.kernel,
    out_type=jax.ShapeDtypeStruct((_NP, _D), jnp.float32),
    mesh=_mesh,
    compiler_params=_sc_params,
    scratch_types=(
        pltpu.VMEM((_NCH, _CHUNK), jnp.int32),
        pltpu.VMEM((_NCH, _CHUNK), jnp.int32),
        pltpu.VMEM((_NB, _CHUNK, _HD), jnp.float32),
        tuple(pltpu.SemaphoreType.DMA for _ in range(_NB)),
        pltpu.VMEM_SHARED((_NP, _HD), jnp.float32),
    ),
)(_sc_scatter2)


def _tc_apply_body(s_ref, tdp_ref, h_ref, wm_ref, bm_ref, wa_ref, ba_ref,
                   out_ref):
    t = tdp_ref[0]
    deg = tdp_ref[1][:, 0:1]
    agg = (jnp.dot(s_ref[...], wm_ref[:_D, :],
                   preferred_element_type=jnp.float32)
           + jnp.dot(t, wm_ref[_D:, :], preferred_element_type=jnp.float32)
           + deg * bm_ref[...])
    h_neigh = agg / jnp.maximum(deg, 1.0)
    out = (jnp.dot(h_ref[...], wa_ref[:_D, :],
                   preferred_element_type=jnp.float32)
           + jnp.dot(h_neigh, wa_ref[_D:, :],
                     preferred_element_type=jnp.float32)
           + ba_ref[...])
    out_ref[...] = jnp.maximum(out, 0.0)


_TC_B = 2000


def _tc_apply(s, td_part, h, wm, bm, wa, ba):
    grid = (_N // _TC_B,)
    return pl.pallas_call(
        _tc_apply_body,
        grid=grid,
        in_specs=[
            pl.BlockSpec((_TC_B, _D), lambda i: (i, 0)),
            pl.BlockSpec((_NC, _TC_B, _ED), lambda i: (0, i, 0)),
            pl.BlockSpec((_TC_B, _D), lambda i: (i, 0)),
            pl.BlockSpec((_D + _ED, _D), lambda i: (0, 0)),
            pl.BlockSpec((1, _D), lambda i: (0, 0)),
            pl.BlockSpec((2 * _D, _D), lambda i: (0, 0)),
            pl.BlockSpec((1, _D), lambda i: (0, 0)),
        ],
        out_specs=pl.BlockSpec((_TC_B, _D), lambda i: (i, 0)),
        out_shape=jax.ShapeDtypeStruct((_N, _D), jnp.float32),
    )(s, td_part, h, wm, bm, wa, ba)


def kernel(nfeats, edge_index, efeats, Wm1, bm1, Wa1, ba1, Wm2, bm2, Wa2, ba2):
    h0 = nfeats.reshape(_N, _D)
    src = edge_index[0].astype(jnp.int32)
    dst = edge_index[1].astype(jnp.int32)
    gsrc = (2 * src[None, :] + jnp.arange(_NC, dtype=jnp.int32)[:, None]
            ).reshape(_NW, _NCH, _CHUNK)
    dst3 = dst.reshape(_NS, _NCH, _CHUNK)
    ep = efeats.reshape(_NS * _NCH, _CHUNK, _ED)
    ones = jnp.ones((_CHUNK, _ED), jnp.float32)
    z64 = jnp.zeros((_NP, _HD), jnp.float32)
    z16 = jnp.zeros((_NP, _ED), jnp.float32)

    h0r = h0.reshape(2 * _N, _HD)
    s1 = _scatter2(h0r, gsrc, dst3, z64)
    z16d = z16 + s1[0:1, 0:1] * 0.0
    td = _scatter_td(dst3, ep, ones, z16d).reshape(_NC, _NP, _ED)
    h1 = _tc_apply(s1, td, h0, Wm1, bm1.reshape(1, _D), Wa1,
                   ba1.reshape(1, _D))
    s2 = _scatter2(h1.reshape(2 * _N, _HD), gsrc, dst3, z64)
    h2 = _tc_apply(s2, td, h1, Wm2, bm2.reshape(1, _D), Wa2,
                   ba2.reshape(1, _D))
    return h2

# --- scband reference (transcript-rebuilt; emitter-appended) ---
"""Pipeline reference for scband-gcn-5403068859072 (READ-ONLY COPY).

The authoritative reference and input builder live on the scoring server;
editing this copy changes nothing except your own understanding.
"""

import jax, jax.numpy as jnp
import numpy as np

N = 10000
E = 320000
NDIM_IN = 128
EDIM = 16
HIDDEN = 128
NDIM_OUT = 128

def setup_inputs(seed: int = 0) -> dict:
    key = jax.random.key(seed)
    ks = jax.random.split(key, 12)
    nfeats = jax.random.normal(ks[0], (N, 1, NDIM_IN), dtype=jnp.float32)
    edge_index = jax.random.randint(ks[1], (2, E), 0, N, dtype=jnp.int64)
    efeats = jax.random.normal(ks[2], (E, 1, EDIM), dtype=jnp.float32)
    s1 = 1.0 / np.sqrt(NDIM_IN + EDIM)
    s2 = 1.0 / np.sqrt(NDIM_IN + HIDDEN)
    s3 = 1.0 / np.sqrt(HIDDEN + EDIM)
    s4 = 1.0 / np.sqrt(HIDDEN + HIDDEN)
    Wm1 = jax.random.uniform(ks[3], (NDIM_IN + EDIM, HIDDEN), jnp.float32, -s1, s1)
    bm1 = jax.random.uniform(ks[4], (HIDDEN,), jnp.float32, -s1, s1)
    Wa1 = jax.random.uniform(ks[5], (NDIM_IN + HIDDEN, HIDDEN), jnp.float32, -s2, s2)
    ba1 = jax.random.uniform(ks[6], (HIDDEN,), jnp.float32, -s2, s2)
    Wm2 = jax.random.uniform(ks[7], (HIDDEN + EDIM, NDIM_OUT), jnp.float32, -s3, s3)
    bm2 = jax.random.uniform(ks[8], (NDIM_OUT,), jnp.float32, -s3, s3)
    Wa2 = jax.random.uniform(ks[9], (HIDDEN + NDIM_OUT, NDIM_OUT), jnp.float32, -s4, s4)
    ba2 = jax.random.uniform(ks[10], (NDIM_OUT,), jnp.float32, -s4, s4)
    return {"nfeats": nfeats, "edge_index": edge_index, "efeats": efeats,
            "Wm1": Wm1, "bm1": bm1, "Wa1": Wa1, "ba1": ba1,
            "Wm2": Wm2, "bm2": bm2, "Wa2": Wa2, "ba2": ba2}

def _gcn_layer(h, e, src, dst, Wm, bm, Wa, ba):
    # message: W_msg(cat([h_src, e_h], dim=2))
    m = jnp.concatenate([h[src], e], axis=2) @ Wm + bm  # [E, 1, out]
    # mean aggregation by dst node (DGL fn.mean -> 0 for nodes w/o in-edges)
    agg = jax.ops.segment_sum(m, dst, num_segments=N)
    deg = jax.ops.segment_sum(jnp.ones((m.shape[0], 1, 1), dtype=m.dtype), dst, num_segments=N)
    h_neigh = agg / jnp.maximum(deg, 1.0)
    # apply: relu(W_apply(cat([h, h_neigh], dim=2)))
    return jax.nn.relu(jnp.concatenate([h, h_neigh], axis=2) @ Wa + ba)

def reference(nfeats, edge_index, efeats, Wm1, bm1, Wa1, ba1, Wm2, bm2, Wa2, ba2):
    src = edge_index[0]
    dst = edge_index[1]
    h = _gcn_layer(nfeats, efeats, src, dst, Wm1, bm1, Wa1, ba1)
    # dropout in eval mode = identity
    h = _gcn_layer(h, efeats, src, dst, Wm2, bm2, Wa2, ba2)
    return h.sum(axis=1)  # [N, NDIM_OUT]

if __name__ == "__main__":
    import jax
    _d = setup_inputs()
    print(jax.jit(kernel)(*tuple(_d.values())))

</pallas_src>

<mosaic_0001>
#map = affine_map<(d0, d1) -> (0, 0)>
#map1 = affine_map<(d0, d1) -> (0, 0, 0)>
module attributes {stable_mosaic.version = 14 : i64} {
  func.func @_sc_scatter2(%arg0: i32, %arg1: i32, %arg2: memref<20000x64xf32, #tpu.memory_space<hbm>>, %arg3: memref<32x250x80xi32, #tpu.memory_space<hbm>>, %arg4: memref<16x250x80xi32, #tpu.memory_space<hbm>>, %arg5: memref<10240x64xf32, #tpu.memory_space<hbm>>, %arg6: memref<10240x128xf32, #tpu.memory_space<hbm>>, %arg7: memref<250x80xi32, #tpu.memory_space<vmem>>, %arg8: memref<250x80xi32, #tpu.memory_space<vmem>>, %arg9: memref<5x80x64xf32, #tpu.memory_space<vmem>>, %arg10: memref<!tpu.dma_semaphore, #tpu.memory_space<semaphore_mem>>, %arg11: memref<!tpu.dma_semaphore, #tpu.memory_space<semaphore_mem>>, %arg12: memref<!tpu.dma_semaphore, #tpu.memory_space<semaphore_mem>>, %arg13: memref<!tpu.dma_semaphore, #tpu.memory_space<semaphore_mem>>, %arg14: memref<!tpu.dma_semaphore, #tpu.memory_space<semaphore_mem>>, %arg15: memref<10240x64xf32, #tpu.memory_space<vmem_shared>>) attributes {dimension_semantics = [#tpu.dimension_semantics<core_parallel>, #tpu.dimension_semantics<subcore_parallel>], iteration_bounds = array<i64: 2, 16>, scalar_prefetch = 0 : i64, scratch_operands = 9 : i64, tpu.core_type = #tpu.core_type<sc_vector_subcore>, window_params = [{transform_indices = #map}, {transform_indices = #map1}, {transform_indices = #map1}, {transform_indices = #map}, {transform_indices = #map}]} {
    %mul3A = arith.constant 16 : i32
    %mul3A_0 = arith.muli %arg0, %mul3A : i32
    %add3A = arith.addi %mul3A_0, %arg1 : i32
    %mul3A_1 = arith.constant 640 : i32
    %mul3A_2 = arith.muli %arg1, %mul3A_1 : i32
    "tpu.region"() ({
      %run_scoped3A = tpu.sem_alloc : memref<!tpu.dma_semaphore, #tpu.memory_space<semaphore_mem>>
      %dma_start3A_69 = arith.constant 0 : i32
      %dma_start3A_70 = arith.constant 0 : i32
      %dma_start3A_71 = tpu.memref_slice %arg3[%add3A, %dma_start3A_69, %dma_start3A_70] : memref<32x250x80xi32, #tpu.memory_space<hbm>> -> memref<1x250x80xi32, #tpu.memory_space<hbm>>
      %dma_start3A_72 = tpu.memref_squeeze %dma_start3A_71 : memref<1x250x80xi32, #tpu.memory_space<hbm>> -> memref<250x80xi32, #tpu.memory_space<hbm>>
      %dma_start3A_73 = arith.constant 0 : i32
      %dma_start3A_74 = arith.constant 0 : i32
      %dma_start3A_75 = tpu.memref_slice %arg3[%add3A, %dma_start3A_73, %dma_start3A_74] : memref<32x250x80xi32, #tpu.memory_space<hbm>> -> memref<1x250x80xi32, #tpu.memory_space<hbm>>
      %dma_start3A_76 = tpu.memref_squeeze %dma_start3A_75 : memref<1x250x80xi32, #tpu.memory_space<hbm>> -> memref<250x80xi32, #tpu.memory_space<hbm>>
      tpu.enqueue_dma source(%dma_start3A_76 : memref<250x80xi32, #tpu.memory_space<hbm>>) target(%arg7 : memref<250x80xi32, #tpu.memory_space<vmem>>) target_semaphore(%run_scoped3A : memref<!tpu.dma_semaphore, #tpu.memory_space<semaphore_mem>>)
      %dma_wait3A = arith.constant 0 : i32
      %dma_wait3A_77 = arith.constant 0 : i32
      %dma_wait3A_78 = tpu.memref_slice %arg3[%add3A, %dma_wait3A, %dma_wait3A_77] : memref<32x250x80xi32, #tpu.memory_space<hbm>> -> memref<1x250x80xi32, #tpu.memory_space<hbm>>
      %dma_wait3A_79 = tpu.memref_squeeze %dma_wait3A_78 : memref<1x250x80xi32, #tpu.memory_space<hbm>> -> memref<250x80xi32, #tpu.memory_space<hbm>>
      %dma_wait3A_80 = arith.constant 0 : i32
      %dma_wait3A_81 = arith.constant 0 : i32
      %dma_wait3A_82 = tpu.memref_slice %arg3[%add3A, %dma_wait3A_80, %dma_wait3A_81] : memref<32x250x80xi32, #tpu.memory_space<hbm>> -> memref<1x250x80xi32, #tpu.memory_space<hbm>>
      %dma_wait3A_83 = tpu.memref_squeeze %dma_wait3A_82 : memref<1x250x80xi32, #tpu.memory_space<hbm>> -> memref<250x80xi32, #tpu.memory_space<hbm>>
      tpu.wait_dma2 semaphore(%run_scoped3A : memref<!tpu.dma_semaphore, #tpu.memory_space<semaphore_mem>>) src(%dma_wait3A_83 : memref<250x80xi32, #tpu.memory_space<hbm>>) dst(%arg7 : memref<250x80xi32, #tpu.memory_space<vmem>>)
      tpu.yield
    }) : () -> ()
    "tpu.region"() ({
      %run_scoped3A = tpu.sem_alloc : memref<!tpu.dma_semaphore, #tpu.memory_space<semaphore_mem>>
      %dma_start3A_69 = arith.constant 0 : i32
      %dma_start3A_70 = arith.constant 0 : i32
      %dma_start3A_71 = tpu.memref_slice %arg4[%arg1, %dma_start3A_69, %dma_start3A_70] : memref<16x250x80xi32, #tpu.memory_space<hbm>> -> memref<1x250x80xi32, #tpu.memory_space<hbm>>
      %dma_start3A_72 = tpu.memref_squeeze %dma_start3A_71 : memref<1x250x80xi32, #tpu.memory_space<hbm>> -> memref<250x80xi32, #tpu.memory_space<hbm>>
      %dma_start3A_73 = arith.constant 0 : i32
      %dma_start3A_74 = arith.constant 0 : i32
      %dma_start3A_75 = tpu.memref_slice %arg4[%arg1, %dma_start3A_73, %dma_start3A_74] : memref<16x250x80xi32, #tpu.memory_space<hbm>> -> memref<1x250x80xi32, #tpu.memory_space<hbm>>
      %dma_start3A_76 = tpu.memref_squeeze %dma_start3A_75 : memref<1x250x80xi32, #tpu.memory_space<hbm>> -> memref<250x80xi32, #tpu.memory_space<hbm>>
      tpu.enqueue_dma source(%dma_start3A_76 : memref<250x80xi32, #tpu.memory_space<hbm>>) target(%arg8 : memref<250x80xi32, #tpu.memory_space<vmem>>) target_semaphore(%run_scoped3A : memref<!tpu.dma_semaphore, #tpu.memory_space<semaphore_mem>>)
      %dma_wait3A = arith.constant 0 : i32
      %dma_wait3A_77 = arith.constant 0 : i32
      %dma_wait3A_78 = tpu.memref_slice %arg4[%arg1, %dma_wait3A, %dma_wait3A_77] : memref<16x250x80xi32, #tpu.memory_space<hbm>> -> memref<1x250x80xi32, #tpu.memory_space<hbm>>
      %dma_wait3A_79 = tpu.memref_squeeze %dma_wait3A_78 : memref<1x250x80xi32, #tpu.memory_space<hbm>> -> memref<250x80xi32, #tpu.memory_space<hbm>>
      %dma_wait3A_80 = arith.constant 0 : i32
      %dma_wait3A_81 = arith.constant 0 : i32
      %dma_wait3A_82 = tpu.memref_slice %arg4[%arg1, %dma_wait3A_80, %dma_wait3A_81] : memref<16x250x80xi32, #tpu.memory_space<hbm>> -> memref<1x250x80xi32, #tpu.memory_space<hbm>>
      %dma_wait3A_83 = tpu.memref_squeeze %dma_wait3A_82 : memref<1x250x80xi32, #tpu.memory_space<hbm>> -> memref<250x80xi32, #tpu.memory_space<hbm>>
      tpu.wait_dma2 semaphore(%run_scoped3A : memref<!tpu.dma_semaphore, #tpu.memory_space<semaphore_mem>>) src(%dma_wait3A_83 : memref<250x80xi32, #tpu.memory_space<hbm>>) dst(%arg8 : memref<250x80xi32, #tpu.memory_space<vmem>>)
      tpu.yield
    }) : () -> ()
    %dma_start3A = arith.constant 0 : i32
    %dma_start3A_3 = arith.constant 0 : i32
    %dma_start3A_4 = arith.constant 0 : i32
    %dma_start3A_5 = arith.constant 0 : i32
    %dma_start3A_6 = tpu.memref_slice %arg9[%dma_start3A_3, %dma_start3A_4, %dma_start3A_5] : memref<5x80x64xf32, #tpu.memory_space<vmem>> -> memref<1x80x64xf32, #tpu.memory_space<vmem>>
    %dma_start3A_7 = tpu.memref_squeeze %dma_start3A_6 : memref<1x80x64xf32, #tpu.memory_space<vmem>> -> memref<80x64xf32, #tpu.memory_space<vmem>>
    %dma_start3A_8 = arith.constant 0 : i32
    %dma_start3A_9 = tpu.memref_slice %arg7[%dma_start3A, %dma_start3A_8] : memref<250x80xi32, #tpu.memory_space<vmem>> -> memref<1x80xi32, #tpu.memory_space<vmem>>
    %dma_start3A_10 = tpu.memref_squeeze %dma_start3A_9 : memref<1x80xi32, #tpu.memory_space<vmem>> -> memref<80xi32, #tpu.memory_space<vmem>>
    %dma_start3A_11 = arith.constant 0 : i32
    %dma_start3A_12 = arith.constant 0 : i32
    %dma_start3A_13 = tpu.memref_slice %arg2[%dma_start3A_11, %dma_start3A_12] : memref<20000x64xf32, #tpu.memory_space<hbm>> -> memref<20000x64xf32, #tpu.memory_space<hbm>>
    tpu.enqueue_indirect_dma source(%dma_start3A_13 : memref<20000x64xf32, #tpu.memory_space<hbm>>) target(%dma_start3A_7 : memref<80x64xf32, #tpu.memory_space<vmem>>) offsets(%dma_start3A_10 : memref<80xi32, #tpu.memory_space<vmem>>) semaphore(%arg10 : memref<!tpu.dma_semaphore, #tpu.memory_space<semaphore_mem>>)
    %dma_start3A_14 = arith.constant 1 : i32
    %dma_start3A_15 = arith.constant 1 : i32
    %dma_start3A_16 = arith.constant 0 : i32
    %dma_start3A_17 = arith.constant 0 : i32
    %dma_start3A_18 = tpu.memref_slice %arg9[%dma_start3A_15, %dma_start3A_16, %dma_start3A_17] : memref<5x80x64xf32, #tpu.memory_space<vmem>> -> memref<1x80x64xf32, #tpu.memory_space<vmem>>
    %dma_start3A_19 = tpu.memref_squeeze %dma_start3A_18 : memref<1x80x64xf32, #tpu.memory_space<vmem>> -> memref<80x64xf32, #tpu.memory_space<vmem>>
    %dma_start3A_20 = arith.constant 0 : i32
    %dma_start3A_21 = tpu.memref_slice %arg7[%dma_start3A_14, %dma_start3A_20] : memref<250x80xi32, #tpu.memory_space<vmem>> -> memref<1x80xi32, #tpu.memory_space<vmem>>
    %dma_start3A_22 = tpu.memref_squeeze %dma_start3A_21 : memref<1x80xi32, #tpu.memory_space<vmem>> -> memref<80xi32, #tpu.memory_space<vmem>>
    %dma_start3A_23 = arith.constant 0 : i32
    %dma_start3A_24 = arith.constant 0 : i32
    %dma_start3A_25 = tpu.memref_slice %arg2[%dma_start3A_23, %dma_start3A_24] : memref<20000x64xf32, #tpu.memory_space<hbm>> -> memref<20000x64xf32, #tpu.memory_space<hbm>>
    tpu.enqueue_indirect_dma source(%dma_start3A_25 : memref<20000x64xf32, #tpu.memory_space<hbm>>) target(%dma_start3A_19 : memref<80x64xf32, #tpu.memory_space<vmem>>) offsets(%dma_start3A_22 : memref<80xi32, #tpu.memory_space<vmem>>) semaphore(%arg11 : memref<!tpu.dma_semaphore, #tpu.memory_space<semaphore_mem>>)
    %dma_start3A_26 = arith.constant 2 : i32
    %dma_start3A_27 = arith.constant 2 : i32
    %dma_start3A_28 = arith.constant 0 : i32
    %dma_start3A_29 = arith.constant 0 : i32
    %dma_start3A_30 = tpu.memref_slice %arg9[%dma_start3A_27, %dma_start3A_28, %dma_start3A_29] : memref<5x80x64xf32, #tpu.memory_space<vmem>> -> memref<1x80x64xf32, #tpu.memory_space<vmem>>
    %dma_start3A_31 = tpu.memref_squeeze %dma_start3A_30 : memref<1x80x64xf32, #tpu.memory_space<vmem>> -> memref<80x64xf32, #tpu.memory_space<vmem>>
    %dma_start3A_32 = arith.constant 0 : i32
    %dma_start3A_33 = tpu.memref_slice %arg7[%dma_start3A_26, %dma_start3A_32] : memref<250x80xi32, #tpu.memory_space<vmem>> -> memref<1x80xi32, #tpu.memory_space<vmem>>
    %dma_start3A_34 = tpu.memref_squeeze %dma_start3A_33 : memref<1x80xi32, #tpu.memory_space<vmem>> -> memref<80xi32, #tpu.memory_space<vmem>>
    %dma_start3A_35 = arith.constant 0 : i32
    %dma_start3A_36 = arith.constant 0 : i32
    %dma_start3A_37 = tpu.memref_slice %arg2[%dma_start3A_35, %dma_start3A_36] : memref<20000x64xf32, #tpu.memory_space<hbm>> -> memref<20000x64xf32, #tpu.memory_space<hbm>>
    tpu.enqueue_indirect_dma source(%dma_start3A_37 : memref<20000x64xf32, #tpu.memory_space<hbm>>) target(%dma_start3A_31 : memref<80x64xf32, #tpu.memory_space<vmem>>) offsets(%dma_start3A_34 : memref<80xi32, #tpu.memory_space<vmem>>) semaphore(%arg12 : memref<!tpu.dma_semaphore, #tpu.memory_space<semaphore_mem>>)
    %dma_start3A_38 = arith.constant 3 : i32
    %dma_start3A_39 = arith.constant 3 : i32
    %dma_start3A_40 = arith.constant 0 : i32
    %dma_start3A_41 = arith.constant 0 : i32
    %dma_start3A_42 = tpu.memref_slice %arg9[%dma_start3A_39, %dma_start3A_40, %dma_start3A_41] : memref<5x80x64xf32, #tpu.memory_space<vmem>> -> memref<1x80x64xf32, #tpu.memory_space<vmem>>
    %dma_start3A_43 = tpu.memref_squeeze %dma_start3A_42 : memref<1x80x64xf32, #tpu.memory_space<vmem>> -> memref<80x64xf32, #tpu.memory_space<vmem>>
    %dma_start3A_44 = arith.constant 0 : i32
    %dma_start3A_45 = tpu.memref_slice %arg7[%dma_start3A_38, %dma_start3A_44] : memref<250x80xi32, #tpu.memory_space<vmem>> -> memref<1x80xi32, #tpu.memory_space<vmem>>
    %dma_start3A_46 = tpu.memref_squeeze %dma_start3A_45 : memref<1x80xi32, #tpu.memory_space<vmem>> -> memref<80xi32, #tpu.memory_space<vmem>>
    %dma_start3A_47 = arith.constant 0 : i32
    %dma_start3A_48 = arith.constant 0 : i32
    %dma_start3A_49 = tpu.memref_slice %arg2[%dma_start3A_47, %dma_start3A_48] : memref<20000x64xf32, #tpu.memory_space<hbm>> -> memref<20000x64xf32, #tpu.memory_space<hbm>>
    tpu.enqueue_indirect_dma source(%dma_start3A_49 : memref<20000x64xf32, #tpu.memory_space<hbm>>) target(%dma_start3A_43 : memref<80x64xf32, #tpu.memory_space<vmem>>) offsets(%dma_start3A_46 : memref<80xi32, #tpu.memory_space<vmem>>) semaphore(%arg13 : memref<!tpu.dma_semaphore, #tpu.memory_space<semaphore_mem>>)
    %dma_start3A_50 = arith.constant 4 : i32
    %dma_start3A_51 = arith.constant 4 : i32
    %dma_start3A_52 = arith.constant 0 : i32
    %dma_start3A_53 = arith.constant 0 : i32
    %dma_start3A_54 = tpu.memref_slice %arg9[%dma_start3A_51, %dma_start3A_52, %dma_start3A_53] : memref<5x80x64xf32, #tpu.memory_space<vmem>> -> memref<1x80x64xf32, #tpu.memory_space<vmem>>
    %dma_start3A_55 = tpu.memref_squeeze %dma_start3A_54 : memref<1x80x64xf32, #tpu.memory_space<vmem>> -> memref<80x64xf32, #tpu.memory_space<vmem>>
    %dma_start3A_56 = arith.constant 0 : i32
    %dma_start3A_57 = tpu.memref_slice %arg7[%dma_start3A_50, %dma_start3A_56] : memref<250x80xi32, #tpu.memory_space<vmem>> -> memref<1x80xi32, #tpu.memory_space<vmem>>
    %dma_start3A_58 = tpu.memref_squeeze %dma_start3A_57 : memref<1x80xi32, #tpu.memory_space<vmem>> -> memref<80xi32, #tpu.memory_space<vmem>>
    %dma_start3A_59 = arith.constant 0 : i32
    %dma_start3A_60 = arith.constant 0 : i32
    %dma_start3A_61 = tpu.memref_slice %arg2[%dma_start3A_59, %dma_start3A_60] : memref<20000x64xf32, #tpu.memory_space<hbm>> -> memref<20000x64xf32, #tpu.memory_space<hbm>>
    tpu.enqueue_indirect_dma source(%dma_start3A_61 : memref<20000x64xf32, #tpu.memory_space<hbm>>) target(%dma_start3A_55 : memref<80x64xf32, #tpu.memory_space<vmem>>) offsets(%dma_start3A_58 : memref<80xi32, #tpu.memory_space<vmem>>) semaphore(%arg14 : memref<!tpu.dma_semaphore, #tpu.memory_space<semaphore_mem>>)
    "tpu.region"() ({
      %run_scoped3A = tpu.sem_alloc : memref<!tpu.dma_semaphore, #tpu.memory_space<semaphore_mem>>
      %dma_start3A_69 = arith.constant 0 : i32
      %dma_start3A_70 = tpu.memref_slice %arg15[%mul3A_2, %dma_start3A_69] : memref<10240x64xf32, #tpu.memory_space<vmem_shared>> -> memref<640x64xf32, #tpu.memory_space<vmem_shared>>
      %dma_start3A_71 = arith.constant 0 : i32
      %dma_start3A_72 = tpu.memref_slice %arg5[%mul3A_2, %dma_start3A_71] : memref<10240x64xf32, #tpu.memory_space<hbm>> -> memref<640x64xf32, #tpu.memory_space<hbm>>
      tpu.enqueue_dma source(%dma_start3A_72 : memref<640x64xf32, #tpu.memory_space<hbm>>) target(%dma_start3A_70 : memref<640x64xf32, #tpu.memory_space<vmem_shared>>) target_semaphore(%run_scoped3A : memref<!tpu.dma_semaphore, #tpu.memory_space<semaphore_mem>>)
      %dma_wait3A = arith.constant 0 : i32
      %dma_wait3A_73 = tpu.memref_slice %arg15[%mul3A_2, %dma_wait3A] : memref<10240x64xf32, #tpu.memory_space<vmem_shared>> -> memref<640x64xf32, #tpu.memory_space<vmem_shared>>
      %dma_wait3A_74 = arith.constant 0 : i32
      %dma_wait3A_75 = tpu.memref_slice %arg5[%mul3A_2, %dma_wait3A_74] : memref<10240x64xf32, #tpu.memory_space<hbm>> -> memref<640x64xf32, #tpu.memory_space<hbm>>
      tpu.wait_dma2 semaphore(%run_scoped3A : memref<!tpu.dma_semaphore, #tpu.memory_space<semaphore_mem>>) src(%dma_wait3A_75 : memref<640x64xf32, #tpu.memory_space<hbm>>) dst(%dma_wait3A_73 : memref<640x64xf32, #tpu.memory_space<vmem_shared>>)
      tpu.yield
    }) : () -> ()
    %barrier3A = arith.constant 0 : index
    tpu.barrier barrier_id(%barrier3A)
    %scan3A = arith.constant 0 : i32
    %scan3A_62 = arith.constant 50 : i32
    %scan3A_63 = arith.addi %scan3A, %scan3A_62 : i32
    %scan3A_64 = arith.constant 1 : i32
    scf.for %scan3A_69 = %scan3A to %scan3A_63 step %scan3A_64  : i32 {
      %mul3A_70 = arith.constant 5 : i32
      %mul3A_71 = arith.muli %scan3A_69, %mul3A_70 : i32
      %add3A_72 = arith.constant 0 : i32
      %add3A_73 = arith.addi %add3A_72, %mul3A_71 : i32
      %add3A_74 = arith.constant 0 : i32
      %add3A_75 = arith.addi %add3A_73, %add3A_74 : i32
      %add3A_76 = arith.constant 5 : i32
      %add3A_77 = arith.addi %add3A_75, %add3A_76 : i32
      %dma_wait3A = arith.constant 0 : i32
      %dma_wait3A_78 = arith.constant 0 : i32
      %dma_wait3A_79 = arith.constant 0 : i32
      %dma_wait3A_80 = tpu.memref_slice %arg9[%dma_wait3A, %dma_wait3A_78, %dma_wait3A_79] : memref<5x80x64xf32, #tpu.memory_space<vmem>> -> memref<1x80x64xf32, #tpu.memory_space<vmem>>
      %dma_wait3A_81 = tpu.memref_squeeze %dma_wait3A_80 : memref<1x80x64xf32, #tpu.memory_space<vmem>> -> memref<80x64xf32, #tpu.memory_space<vmem>>
      %dma_wait3A_82 = arith.constant 0 : i32
      %dma_wait3A_83 = arith.constant 0 : i32
      %dma_wait3A_84 = tpu.memref_slice %arg2[%dma_wait3A_82, %dma_wait3A_83] : memref<20000x64xf32, #tpu.memory_space<hbm>> -> memref<80x64xf32, #tpu.memory_space<hbm>>
      %dma_wait3A_85 = arith.constant 0 : i32
      %dma_wait3A_86 = arith.constant 0 : i32
      %dma_wait3A_87 = tpu.memref_slice %arg9[%dma_wait3A, %dma_wait3A_85, %dma_wait3A_86] : memref<5x80x64xf32, #tpu.memory_space<vmem>> -> memref<1x80x64xf32, #tpu.memory_space<vmem>>
      %dma_wait3A_88 = tpu.memref_squeeze %dma_wait3A_87 : memref<1x80x64xf32, #tpu.memory_space<vmem>> -> memref<80x64xf32, #tpu.memory_space<vmem>>
      %dma_wait3A_89 = arith.constant 0 : i32
      %dma_wait3A_90 = arith.constant 0 : i32
      %dma_wait3A_91 = tpu.memref_slice %arg2[%dma_wait3A_89, %dma_wait3A_90] : memref<20000x64xf32, #tpu.memory_space<hbm>> -> memref<80x64xf32, #tpu.memory_space<hbm>>
      tpu.wait_dma2 semaphore(%arg10 : memref<!tpu.dma_semaphore, #tpu.memory_space<semaphore_mem>>) src(%dma_wait3A_91 : memref<80x64xf32, #tpu.memory_space<hbm>>) dst(%dma_wait3A_88 : memref<80x64xf32, #tpu.memory_space<vmem>>)
      %run_scoped3A = arith.constant 0 : i32
      "tpu.region"() ({
        %run_scoped3A_194 = tpu.sem_alloc : memref<!tpu.dma_semaphore, #tpu.memory_space<semaphore_mem>>
        %dma_start3A_195 = arith.constant 0 : i32
        %dma_start3A_196 = arith.constant 0 : i32
        %dma_start3A_197 = tpu.memref_slice %arg9[%run_scoped3A, %dma_start3A_195, %dma_start3A_196] : memref<5x80x64xf32, #tpu.memory_space<vmem>> -> memref<1x80x64xf32, #tpu.memory_space<vmem>>
        %dma_start3A_198 = tpu.memref_squeeze %dma_start3A_197 : memref<1x80x64xf32, #tpu.memory_space<vmem>> -> memref<80x64xf32, #tpu.memory_space<vmem>>
        %dma_start3A_199 = arith.constant 0 : i32
        %dma_start3A_200 = tpu.memref_slice %arg8[%add3A_75, %dma_start3A_199] : memref<250x80xi32, #tpu.memory_space<vmem>> -> memref<1x80xi32, #tpu.memory_space<vmem>>
        %dma_start3A_201 = tpu.memref_squeeze %dma_start3A_200 : memref<1x80xi32, #tpu.memory_space<vmem>> -> memref<80xi32, #tpu.memory_space<vmem>>
        %dma_start3A_202 = arith.constant 0 : i32
        %dma_start3A_203 = arith.constant 0 : i32
        %dma_start3A_204 = tpu.memref_slice %arg15[%dma_start3A_202, %dma_start3A_203] : memref<10240x64xf32, #tpu.memory_space<vmem_shared>> -> memref<10240x64xf32, #tpu.memory_space<vmem_shared>>
        tpu.enqueue_indirect_dma source(%dma_start3A_198 : memref<80x64xf32, #tpu.memory_space<vmem>>) target(%dma_start3A_204 : memref<10240x64xf32, #tpu.memory_space<vmem_shared>>) offsets(%dma_start3A_201 : memref<80xi32, #tpu.memory_space<vmem>>) semaphore(%run_scoped3A_194 : memref<!tpu.dma_semaphore, #tpu.memory_space<semaphore_mem>>) {add = true}
        %dma_wait3A_205 = arith.constant 0 : i32
        %dma_wait3A_206 = arith.constant 0 : i32
        %dma_wait3A_207 = tpu.memref_slice %arg9[%run_scoped3A, %dma_wait3A_205, %dma_wait3A_206] : memref<5x80x64xf32, #tpu.memory_space<vmem>> -> memref<1x80x64xf32, #tpu.memory_space<vmem>>
        %dma_wait3A_208 = tpu.memref_squeeze %dma_wait3A_207 : memref<1x80x64xf32, #tpu.memory_space<vmem>> -> memref<80x64xf32, #tpu.memory_space<vmem>>
        %dma_wait3A_209 = arith.constant 0 : i32
        %dma_wait3A_210 = tpu.memref_slice %arg8[%add3A_75, %dma_wait3A_209] : memref<250x80xi32, #tpu.memory_space<vmem>> -> memref<1x80xi32, #tpu.memory_space<vmem>>
        %dma_wait3A_211 = tpu.memref_squeeze %dma_wait3A_210 : memref<1x80xi32, #tpu.memory_space<vmem>> -> memref<80xi32, #tpu.memory_space<vmem>>
        %dma_wait3A_212 = arith.constant 0 : i32
        %dma_wait3A_213 = arith.constant 0 : i32
        %dma_wait3A_214 = tpu.memref_slice %arg15[%dma_wait3A_212, %dma_wait3A_213] : memref<10240x64xf32, #tpu.memory_space<vmem_shared>> -> memref<10240x64xf32, #tpu.memory_space<vmem_shared>>
        tpu.wait_indirect_dma semaphore(%run_scoped3A_194 : memref<!tpu.dma_semaphore, #tpu.memory_space<semaphore_mem>>) src(%dma_wait3A_208 : memref<80x64xf32, #tpu.memory_space<vmem>>) dst(%dma_wait3A_214 : memref<10240x64xf32, #tpu.memory_space<vmem_shared>>)
        tpu.yield
      }) : () -> ()
      %lt3A = arith.constant 250 : i32
      %lt3A_92 = arith.cmpi slt, %add3A_77, %lt3A : i32
      %convert_element_type3A = arith.extui %lt3A_92 : i1 to i32
      %cond3A = arith.constant 0 : i32
      %cond3A_93 = arith.cmpi ne, %convert_element_type3A, %cond3A : i32
      scf.if %cond3A_93 {
        %dma_start3A_194 = arith.constant 0 : i32
        %dma_start3A_195 = arith.constant 0 : i32
        %dma_start3A_196 = arith.constant 0 : i32
        %dma_start3A_197 = tpu.memref_slice %arg9[%dma_start3A_194, %dma_start3A_195, %dma_start3A_196] : memref<5x80x64xf32, #tpu.memory_space<vmem>> -> memref<1x80x64xf32, #tpu.memory_space<vmem>>
        %dma_start3A_198 = tpu.memref_squeeze %dma_start3A_197 : memref<1x80x64xf32, #tpu.memory_space<vmem>> -> memref<80x64xf32, #tpu.memory_space<vmem>>
        %dma_start3A_199 = arith.constant 0 : i32
        %dma_start3A_200 = tpu.memref_slice %arg7[%add3A_77, %dma_start3A_199] : memref<250x80xi32, #tpu.memory_space<vmem>> -> memref<1x80xi32, #tpu.memory_space<vmem>>
        %dma_start3A_201 = tpu.memref_squeeze %dma_start3A_200 : memref<1x80xi32, #tpu.memory_space<vmem>> -> memref<80xi32, #tpu.memory_space<vmem>>
        %dma_start3A_202 = arith.constant 0 : i32
        %dma_start3A_203 = arith.constant 0 : i32
        %dma_start3A_204 = tpu.memref_slice %arg2[%dma_start3A_202, %dma_start3A_203] : memref<20000x64xf32, #tpu.memory_space<hbm>> -> memref<20000x64xf32, #tpu.memory_space<hbm>>
        tpu.enqueue_indirect_dma source(%dma_start3A_204 : memref<20000x64xf32, #tpu.memory_space<hbm>>) target(%dma_start3A_198 : memref<80x64xf32, #tpu.memory_space<vmem>>) offsets(%dma_start3A_201 : memref<80xi32, #tpu.memory_space<vmem>>) semaphore(%arg10 : memref<!tpu.dma_semaphore, #tpu.memory_space<semaphore_mem>>)
      } else {
      }
      %add3A_94 = arith.constant 1 : i32
      %add3A_95 = arith.addi %add3A_73, %add3A_94 : i32
      %add3A_96 = arith.constant 5 : i32
      %add3A_97 = arith.addi %add3A_95, %add3A_96 : i32
      %dma_wait3A_98 = arith.constant 1 : i32
      %dma_wait3A_99 = arith.constant 0 : i32
      %dma_wait3A_100 = arith.constant 0 : i32
      %dma_wait3A_101 = tpu.memref_slice %arg9[%dma_wait3A_98, %dma_wait3A_99, %dma_wait3A_100] : memref<5x80x64xf32, #tpu.memory_space<vmem>> -> memref<1x80x64xf32, #tpu.memory_space<vmem>>
      %dma_wait3A_102 = tpu.memref_squeeze %dma_wait3A_101 : memref<1x80x64xf32, #tpu.memory_space<vmem>> -> memref<80x64xf32, #tpu.memory_space<vmem>>
      %dma_wait3A_103 = arith.constant 0 : i32
      %dma_wait3A_104 = arith.constant 0 : i32
      %dma_wait3A_105 = tpu.memref_slice %arg2[%dma_wait3A_103, %dma_wait3A_104] : memref<20000x64xf32, #tpu.memory_space<hbm>> -> memref<80x64xf32, #tpu.memory_space<hbm>>
      %dma_wait3A_106 = arith.constant 0 : i32
      %dma_wait3A_107 = arith.constant 0 : i32
      %dma_wait3A_108 = tpu.memref_slice %arg9[%dma_wait3A_98, %dma_wait3A_106, %dma_wait3A_107] : memref<5x80x64xf32, #tpu.memory_space<vmem>> -> memref<1x80x64xf32, #tpu.memory_space<vmem>>
      %dma_wait3A_109 = tpu.memref_squeeze %dma_wait3A_108 : memref<1x80x64xf32, #tpu.memory_space<vmem>> -> memref<80x64xf32, #tpu.memory_space<vmem>>
      %dma_wait3A_110 = arith.constant 0 : i32
      %dma_wait3A_111 = arith.constant 0 : i32
      %dma_wait3A_112 = tpu.memref_slice %arg2[%dma_wait3A_110, %dma_wait3A_111] : memref<20000x64xf32, #tpu.memory_space<hbm>> -> memref<80x64xf32, #tpu.memory_space<hbm>>
      tpu.wait_dma2 semaphore(%arg11 : memref<!tpu.dma_semaphore, #tpu.memory_space<semaphore_mem>>) src(%dma_wait3A_112 : memref<80x64xf32, #tpu.memory_space<hbm>>) dst(%dma_wait3A_109 : memref<80x64xf32, #tpu.memory_space<vmem>>)
      %run_scoped3A_113 = arith.constant 1 : i32
      "tpu.region"() ({
        %run_scoped3A_194 = tpu.sem_alloc : memref<!tpu.dma_semaphore, #tpu.memory_space<semaphore_mem>>
        %dma_start3A_195 = arith.constant 0 : i32
        %dma_start3A_196 = arith.constant 0 : i32
        %dma_start3A_197 = tpu.memref_slice %arg9[%run_scoped3A_113, %dma_start3A_195, %dma_start3A_196] : memref<5x80x64xf32, #tpu.memory_space<vmem>> -> memref<1x80x64xf32, #tpu.memory_space<vmem>>
        %dma_start3A_198 = tpu.memref_squeeze %dma_start3A_197 : memref<1x80x64xf32, #tpu.memory_space<vmem>> -> memref<80x64xf32, #tpu.memory_space<vmem>>
        %dma_start3A_199 = arith.constant 0 : i32
        %dma_start3A_200 = tpu.memref_slice %arg8[%add3A_95, %dma_start3A_199] : memref<250x80xi32, #tpu.memory_space<vmem>> -> memref<1x80xi32, #tpu.memory_space<vmem>>
        %dma_start3A_201 = tpu.memref_squeeze %dma_start3A_200 : memref<1x80xi32, #tpu.memory_space<vmem>> -> memref<80xi32, #tpu.memory_space<vmem>>
        %dma_start3A_202 = arith.constant 0 : i32
        %dma_start3A_203 = arith.constant 0 : i32
        %dma_start3A_204 = tpu.memref_slice %arg15[%dma_start3A_202, %dma_start3A_203] : memref<10240x64xf32, #tpu.memory_space<vmem_shared>> -> memref<10240x64xf32, #tpu.memory_space<vmem_shared>>
        tpu.enqueue_indirect_dma source(%dma_start3A_198 : memref<80x64xf32, #tpu.memory_space<vmem>>) target(%dma_start3A_204 : memref<10240x64xf32, #tpu.memory_space<vmem_shared>>) offsets(%dma_start3A_201 : memref<80xi32, #tpu.memory_space<vmem>>) semaphore(%run_scoped3A_194 : memref<!tpu.dma_semaphore, #tpu.memory_space<semaphore_mem>>) {add = true}
        %dma_wait3A_205 = arith.constant 0 : i32
        %dma_wait3A_206 = arith.constant 0 : i32
        %dma_wait3A_207 = tpu.memref_slice %arg9[%run_scoped3A_113, %dma_wait3A_205, %dma_wait3A_206] : memref<5x80x64xf32, #tpu.memory_space<vmem>> -> memref<1x80x64xf32, #tpu.memory_space<vmem>>
        %dma_wait3A_208 = tpu.memref_squeeze %dma_wait3A_207 : memref<1x80x64xf32, #tpu.memory_space<vmem>> -> memref<80x64xf32, #tpu.memory_space<vmem>>
        %dma_wait3A_209 = arith.constant 0 : i32
        %dma_wait3A_210 = tpu.memref_slice %arg8[%add3A_95, %dma_wait3A_209] : memref<250x80xi32, #tpu.memory_space<vmem>> -> memref<1x80xi32, #tpu.memory_space<vmem>>
        %dma_wait3A_211 = tpu.memref_squeeze %dma_wait3A_210 : memref<1x80xi32, #tpu.memory_space<vmem>> -> memref<80xi32, #tpu.memory_space<vmem>>
        %dma_wait3A_212 = arith.constant 0 : i32
        %dma_wait3A_213 = arith.constant 0 : i32
        %dma_wait3A_214 = tpu.memref_slice %arg15[%dma_wait3A_212, %dma_wait3A_213] : memref<10240x64xf32, #tpu.memory_space<vmem_shared>> -> memref<10240x64xf32, #tpu.memory_space<vmem_shared>>
        tpu.wait_indirect_dma semaphore(%run_scoped3A_194 : memref<!tpu.dma_semaphore, #tpu.memory_space<semaphore_mem>>) src(%dma_wait3A_208 : memref<80x64xf32, #tpu.memory_space<vmem>>) dst(%dma_wait3A_214 : memref<10240x64xf32, #tpu.memory_space<vmem_shared>>)
        tpu.yield
      }) : () -> ()
      %lt3A_114 = arith.constant 250 : i32
      %lt3A_115 = arith.cmpi slt, %add3A_97, %lt3A_114 : i32
      %convert_element_type3A_116 = arith.extui %lt3A_115 : i1 to i32
      %cond3A_117 = arith.constant 0 : i32
      %cond3A_118 = arith.cmpi ne, %convert_element_type3A_116, %cond3A_117 : i32
      scf.if %cond3A_118 {
        %dma_start3A_194 = arith.constant 1 : i32
        %dma_start3A_195 = arith.constant 0 : i32
        %dma_start3A_196 = arith.constant 0 : i32
        %dma_start3A_197 = tpu.memref_slice %arg9[%dma_start3A_194, %dma_start3A_195, %dma_start3A_196] : memref<5x80x64xf32, #tpu.memory_space<vmem>> -> memref<1x80x64xf32, #tpu.memory_space<vmem>>
        %dma_start3A_198 = tpu.memref_squeeze %dma_start3A_197 : memref<1x80x64xf32, #tpu.memory_space<vmem>> -> memref<80x64xf32, #tpu.memory_space<vmem>>
        %dma_start3A_199 = arith.constant 0 : i32
        %dma_start3A_200 = tpu.memref_slice %arg7[%add3A_97, %dma_start3A_199] : memref<250x80xi32, #tpu.memory_space<vmem>> -> memref<1x80xi32, #tpu.memory_space<vmem>>
        %dma_start3A_201 = tpu.memref_squeeze %dma_start3A_200 : memref<1x80xi32, #tpu.memory_space<vmem>> -> memref<80xi32, #tpu.memory_space<vmem>>
        %dma_start3A_202 = arith.constant 0 : i32
        %dma_start3A_203 = arith.constant 0 : i32
        %dma_start3A_204 = tpu.memref_slice %arg2[%dma_start3A_202, %dma_start3A_203] : memref<20000x64xf32, #tpu.memory_space<hbm>> -> memref<20000x64xf32, #tpu.memory_space<hbm>>
        tpu.enqueue_indirect_dma source(%dma_start3A_204 : memref<20000x64xf32, #tpu.memory_space<hbm>>) target(%dma_start3A_198 : memref<80x64xf32, #tpu.memory_space<vmem>>) offsets(%dma_start3A_201 : memref<80xi32, #tpu.memory_space<vmem>>) semaphore(%arg11 : memref<!tpu.dma_semaphore, #tpu.memory_space<semaphore_mem>>)
      } else {
      }
      %add3A_119 = arith.constant 2 : i32
      %add3A_120 = arith.addi %add3A_73, %add3A_119 : i32
      %add3A_121 = arith.constant 5 : i32
      %add3A_122 = arith.addi %add3A_120, %add3A_121 : i32
      %dma_wait3A_123 = arith.constant 2 : i32
      %dma_wait3A_124 = arith.constant 0 : i32
      %dma_wait3A_125 = arith.constant 0 : i32
      %dma_wait3A_126 = tpu.memref_slice %arg9[%dma_wait3A_123, %dma_wait3A_124, %dma_wait3A_125] : memref<5x80x64xf32, #tpu.memory_space<vmem>> -> memref<1x80x64xf32, #tpu.memory_space<vmem>>
      %dma_wait3A_127 = tpu.memref_squeeze %dma_wait3A_126 : memref<1x80x64xf32, #tpu.memory_space<vmem>> -> memref<80x64xf32, #tpu.memory_space<vmem>>
      %dma_wait3A_128 = arith.constant 0 : i32
      %dma_wait3A_129 = arith.constant 0 : i32
      %dma_wait3A_130 = tpu.memref_slice %arg2[%dma_wait3A_128, %dma_wait3A_129] : memref<20000x64xf32, #tpu.memory_space<hbm>> -> memref<80x64xf32, #tpu.memory_space<hbm>>
      %dma_wait3A_131 = arith.constant 0 : i32
      %dma_wait3A_132 = arith.constant 0 : i32
      %dma_wait3A_133 = tpu.memref_slice %arg9[%dma_wait3A_123, %dma_wait3A_131, %dma_wait3A_132] : memref<5x80x64xf32, #tpu.memory_space<vmem>> -> memref<1x80x64xf32, #tpu.memory_space<vmem>>
      %dma_wait3A_134 = tpu.memref_squeeze %dma_wait3A_133 : memref<1x80x64xf32, #tpu.memory_space<vmem>> -> memref<80x64xf32, #tpu.memory_space<vmem>>
      %dma_wait3A_135 = arith.constant 0 : i32
      %dma_wait3A_136 = arith.constant 0 : i32
      %dma_wait3A_137 = tpu.memref_slice %arg2[%dma_wait3A_135, %dma_wait3A_136] : memref<20000x64xf32, #tpu.memory_space<hbm>> -> memref<80x64xf32, #tpu.memory_space<hbm>>
      tpu.wait_dma2 semaphore(%arg12 : memref<!tpu.dma_semaphore, #tpu.memory_space<semaphore_mem>>) src(%dma_wait3A_137 : memref<80x64xf32, #tpu.memory_space<hbm>>) dst(%dma_wait3A_134 : memref<80x64xf32, #tpu.memory_space<vmem>>)
      %run_scoped3A_138 = arith.constant 2 : i32
      "tpu.region"() ({
        %run_scoped3A_194 = tpu.sem_alloc : memref<!tpu.dma_semaphore, #tpu.memory_space<semaphore_mem>>
        %dma_start3A_195 = arith.constant 0 : i32
        %dma_start3A_196 = arith.constant 0 : i32
        %dma_start3A_197 = tpu.memref_slice %arg9[%run_scoped3A_138, %dma_start3A_195, %dma_start3A_196] : memref<5x80x64xf32, #tpu.memory_space<vmem>> -> memref<1x80x64xf32, #tpu.memory_space<vmem>>
        %dma_start3A_198 = tpu.memref_squeeze %dma_start3A_197 : memref<1x80x64xf32, #tpu.memory_space<vmem>> -> memref<80x64xf32, #tpu.memory_space<vmem>>
        %dma_start3A_199 = arith.constant 0 : i32
        %dma_start3A_200 = tpu.memref_slice %arg8[%add3A_120, %dma_start3A_199] : memref<250x80xi32, #tpu.memory_space<vmem>> -> memref<1x80xi32, #tpu.memory_space<vmem>>
        %dma_start3A_201 = tpu.memref_squeeze %dma_start3A_200 : memref<1x80xi32, #tpu.memory_space<vmem>> -> memref<80xi32, #tpu.memory_space<vmem>>
        %dma_start3A_202 = arith.constant 0 : i32
        %dma_start3A_203 = arith.constant 0 : i32
        %dma_start3A_204 = tpu.memref_slice %arg15[%dma_start3A_202, %dma_start3A_203] : memref<10240x64xf32, #tpu.memory_space<vmem_shared>> -> memref<10240x64xf32, #tpu.memory_space<vmem_shared>>
        tpu.enqueue_indirect_dma source(%dma_start3A_198 : memref<80x64xf32, #tpu.memory_space<vmem>>) target(%dma_start3A_204 : memref<10240x64xf32, #tpu.memory_space<vmem_shared>>) offsets(%dma_start3A_201 : memref<80xi32, #tpu.memory_space<vmem>>) semaphore(%run_scoped3A_194 : memref<!tpu.dma_semaphore, #tpu.memory_space<semaphore_mem>>) {add = true}
        %dma_wait3A_205 = arith.constant 0 : i32
        %dma_wait3A_206 = arith.constant 0 : i32
        %dma_wait3A_207 = tpu.memref_slice %arg9[%run_scoped3A_138, %dma_wait3A_205, %dma_wait3A_206] : memref<5x80x64xf32, #tpu.memory_space<vmem>> -> memref<1x80x64xf32, #tpu.memory_space<vmem>>
        %dma_wait3A_208 = tpu.memref_squeeze %dma_wait3A_207 : memref<1x80x64xf32, #tpu.memory_space<vmem>> -> memref<80x64xf32, #tpu.memory_space<vmem>>
        %dma_wait3A_209 = arith.constant 0 : i32
        %dma_wait3A_210 = tpu.memref_slice %arg8[%add3A_120, %dma_wait3A_209] : memref<250x80xi32, #tpu.memory_space<vmem>> -> memref<1x80xi32, #tpu.memory_space<vmem>>
        %dma_wait3A_211 = tpu.memref_squeeze %dma_wait3A_210 : memref<1x80xi32, #tpu.memory_space<vmem>> -> memref<80xi32, #tpu.memory_space<vmem>>
        %dma_wait3A_212 = arith.constant 0 : i32
        %dma_wait3A_213 = arith.constant 0 : i32
        %dma_wait3A_214 = tpu.memref_slice %arg15[%dma_wait3A_212, %dma_wait3A_213] : memref<10240x64xf32, #tpu.memory_space<vmem_shared>> -> memref<10240x64xf32, #tpu.memory_space<vmem_shared>>
        tpu.wait_indirect_dma semaphore(%run_scoped3A_194 : memref<!tpu.dma_semaphore, #tpu.memory_space<semaphore_mem>>) src(%dma_wait3A_208 : memref<80x64xf32, #tpu.memory_space<vmem>>) dst(%dma_wait3A_214 : memref<10240x64xf32, #tpu.memory_space<vmem_shared>>)
        tpu.yield
      }) : () -> ()
      %lt3A_139 = arith.constant 250 : i32
      %lt3A_140 = arith.cmpi slt, %add3A_122, %lt3A_139 : i32
      %convert_element_type3A_141 = arith.extui %lt3A_140 : i1 to i32
      %cond3A_142 = arith.constant 0 : i32
      %cond3A_143 = arith.cmpi ne, %convert_element_type3A_141, %cond3A_142 : i32
      scf.if %cond3A_143 {
        %dma_start3A_194 = arith.constant 2 : i32
        %dma_start3A_195 = arith.constant 0 : i32
        %dma_start3A_196 = arith.constant 0 : i32
        %dma_start3A_197 = tpu.memref_slice %arg9[%dma_start3A_194, %dma_start3A_195, %dma_start3A_196] : memref<5x80x64xf32, #tpu.memory_space<vmem>> -> memref<1x80x64xf32, #tpu.memory_space<vmem>>
        %dma_start3A_198 = tpu.memref_squeeze %dma_start3A_197 : memref<1x80x64xf32, #tpu.memory_space<vmem>> -> memref<80x64xf32, #tpu.memory_space<vmem>>
        %dma_start3A_199 = arith.constant 0 : i32
        %dma_start3A_200 = tpu.memref_slice %arg7[%add3A_122, %dma_start3A_199] : memref<250x80xi32, #tpu.memory_space<vmem>> -> memref<1x80xi32, #tpu.memory_space<vmem>>
        %dma_start3A_201 = tpu.memref_squeeze %dma_start3A_200 : memref<1x80xi32, #tpu.memory_space<vmem>> -> memref<80xi32, #tpu.memory_space<vmem>>
        %dma_start3A_202 = arith.constant 0 : i32
        %dma_start3A_203 = arith.constant 0 : i32
        %dma_start3A_204 = tpu.memref_slice %arg2[%dma_start3A_202, %dma_start3A_203] : memref<20000x64xf32, #tpu.memory_space<hbm>> -> memref<20000x64xf32, #tpu.memory_space<hbm>>
        tpu.enqueue_indirect_dma source(%dma_start3A_204 : memref<20000x64xf32, #tpu.memory_space<hbm>>) target(%dma_start3A_198 : memref<80x64xf32, #tpu.memory_space<vmem>>) offsets(%dma_start3A_201 : memref<80xi32, #tpu.memory_space<vmem>>) semaphore(%arg12 : memref<!tpu.dma_semaphore, #tpu.memory_space<semaphore_mem>>)
      } else {
      }
      %add3A_144 = arith.constant 3 : i32
      %add3A_145 = arith.addi %add3A_73, %add3A_144 : i32
      %add3A_146 = arith.constant 5 : i32
      %add3A_147 = arith.addi %add3A_145, %add3A_146 : i32
      %dma_wait3A_148 = arith.constant 3 : i32
      %dma_wait3A_149 = arith.constant 0 : i32
      %dma_wait3A_150 = arith.constant 0 : i32
      %dma_wait3A_151 = tpu.memref_slice %arg9[%dma_wait3A_148, %dma_wait3A_149, %dma_wait3A_150] : memref<5x80x64xf32, #tpu.memory_space<vmem>> -> memref<1x80x64xf32, #tpu.memory_space<vmem>>
      %dma_wait3A_152 = tpu.memref_squeeze %dma_wait3A_151 : memref<1x80x64xf32, #tpu.memory_space<vmem>> -> memref<80x64xf32, #tpu.memory_space<vmem>>
      %dma_wait3A_153 = arith.constant 0 : i32
      %dma_wait3A_154 = arith.constant 0 : i32
      %dma_wait3A_155 = tpu.memref_slice %arg2[%dma_wait3A_153, %dma_wait3A_154] : memref<20000x64xf32, #tpu.memory_space<hbm>> -> memref<80x64xf32, #tpu.memory_space<hbm>>
      %dma_wait3A_156 = arith.constant 0 : i32
      %dma_wait3A_157 = arith.constant 0 : i32
      %dma_wait3A_158 = tpu.memref_slice %arg9[%dma_wait3A_148, %dma_wait3A_156, %dma_wait3A_157] : memref<5x80x64xf32, #tpu.memory_space<vmem>> -> memref<1x80x64xf32, #tpu.memory_space<vmem>>
      %dma_wait3A_159 = tpu.memref_squeeze %dma_wait3A_158 : memref<1x80x64xf32, #tpu.memory_space<vmem>> -> memref<80x64xf32, #tpu.memory_space<vmem>>
      %dma_wait3A_160 = arith.constant 0 : i32
      %dma_wait3A_161 = arith.constant 0 : i32
      %dma_wait3A_162 = tpu.memref_slice %arg2[%dma_wait3A_160, %dma_wait3A_161] : memref<20000x64xf32, #tpu.memory_space<hbm>> -> memref<80x64xf32, #tpu.memory_space<hbm>>
      tpu.wait_dma2 semaphore(%arg13 : memref<!tpu.dma_semaphore, #tpu.memory_space<semaphore_mem>>) src(%dma_wait3A_162 : memref<80x64xf32, #tpu.memory_space<hbm>>) dst(%dma_wait3A_159 : memref<80x64xf32, #tpu.memory_space<vmem>>)
      %run_scoped3A_163 = arith.constant 3 : i32
      "tpu.region"() ({
        %run_scoped3A_194 = tpu.sem_alloc : memref<!tpu.dma_semaphore, #tpu.memory_space<semaphore_mem>>
        %dma_start3A_195 = arith.constant 0 : i32
        %dma_start3A_196 = arith.constant 0 : i32
        %dma_start3A_197 = tpu.memref_slice %arg9[%run_scoped3A_163, %dma_start3A_195, %dma_start3A_196] : memref<5x80x64xf32, #tpu.memory_space<vmem>> -> memref<1x80x64xf32, #tpu.memory_space<vmem>>
        %dma_start3A_198 = tpu.memref_squeeze %dma_start3A_197 : memref<1x80x64xf32, #tpu.memory_space<vmem>> -> memref<80x64xf32, #tpu.memory_space<vmem>>
        %dma_start3A_199 = arith.constant 0 : i32
        %dma_start3A_200 = tpu.memref_slice %arg8[%add3A_145, %dma_start3A_199] : memref<250x80xi32, #tpu.memory_space<vmem>> -> memref<1x80xi32, #tpu.memory_space<vmem>>
        %dma_start3A_201 = tpu.memref_squeeze %dma_start3A_200 : memref<1x80xi32, #tpu.memory_space<vmem>> -> memref<80xi32, #tpu.memory_space<vmem>>
        %dma_start3A_202 = arith.constant 0 : i32
        %dma_start3A_203 = arith.constant 0 : i32
        %dma_start3A_204 = tpu.memref_slice %arg15[%dma_start3A_202, %dma_start3A_203] : memref<10240x64xf32, #tpu.memory_space<vmem_shared>> -> memref<10240x64xf32, #tpu.memory_space<vmem_shared>>
        tpu.enqueue_indirect_dma source(%dma_start3A_198 : memref<80x64xf32, #tpu.memory_space<vmem>>) target(%dma_start3A_204 : memref<10240x64xf32, #tpu.memory_space<vmem_shared>>) offsets(%dma_start3A_201 : memref<80xi32, #tpu.memory_space<vmem>>) semaphore(%run_scoped3A_194 : memref<!tpu.dma_semaphore, #tpu.memory_space<semaphore_mem>>) {add = true}
        %dma_wait3A_205 = arith.constant 0 : i32
        %dma_wait3A_206 = arith.constant 0 : i32
        %dma_wait3A_207 = tpu.memref_slice %arg9[%run_scoped3A_163, %dma_wait3A_205, %dma_wait3A_206] : memref<5x80x64xf32, #tpu.memory_space<vmem>> -> memref<1x80x64xf32, #tpu.memory_space<vmem>>
        %dma_wait3A_208 = tpu.memref_squeeze %dma_wait3A_207 : memref<1x80x64xf32, #tpu.memory_space<vmem>> -> memref<80x64xf32, #tpu.memory_space<vmem>>
        %dma_wait3A_209 = arith.constant 0 : i32
        %dma_wait3A_210 = tpu.memref_slice %arg8[%add3A_145, %dma_wait3A_209] : memref<250x80xi32, #tpu.memory_space<vmem>> -> memref<1x80xi32, #tpu.memory_space<vmem>>
        %dma_wait3A_211 = tpu.memref_squeeze %dma_wait3A_210 : memref<1x80xi32, #tpu.memory_space<vmem>> -> memref<80xi32, #tpu.memory_space<vmem>>
        %dma_wait3A_212 = arith.constant 0 : i32
        %dma_wait3A_213 = arith.constant 0 : i32
        %dma_wait3A_214 = tpu.memref_slice %arg15[%dma_wait3A_212, %dma_wait3A_213] : memref<10240x64xf32, #tpu.memory_space<vmem_shared>> -> memref<10240x64xf32, #tpu.memory_space<vmem_shared>>
        tpu.wait_indirect_dma semaphore(%run_scoped3A_194 : memref<!tpu.dma_semaphore, #tpu.memory_space<semaphore_mem>>) src(%dma_wait3A_208 : memref<80x64xf32, #tpu.memory_space<vmem>>) dst(%dma_wait3A_214 : memref<10240x64xf32, #tpu.memory_space<vmem_shared>>)
        tpu.yield
      }) : () -> ()
      %lt3A_164 = arith.constant 250 : i32
      %lt3A_165 = arith.cmpi slt, %add3A_147, %lt3A_164 : i32
      %convert_element_type3A_166 = arith.extui %lt3A_165 : i1 to i32
      %cond3A_167 = arith.constant 0 : i32
      %cond3A_168 = arith.cmpi ne, %convert_element_type3A_166, %cond3A_167 : i32
      scf.if %cond3A_168 {
        %dma_start3A_194 = arith.constant 3 : i32
        %dma_start3A_195 = arith.constant 0 : i32
        %dma_start3A_196 = arith.constant 0 : i32
        %dma_start3A_197 = tpu.memref_slice %arg9[%dma_start3A_194, %dma_start3A_195, %dma_start3A_196] : memref<5x80x64xf32, #tpu.memory_space<vmem>> -> memref<1x80x64xf32, #tpu.memory_space<vmem>>
        %dma_start3A_198 = tpu.memref_squeeze %dma_start3A_197 : memref<1x80x64xf32, #tpu.memory_space<vmem>> -> memref<80x64xf32, #tpu.memory_space<vmem>>
        %dma_start3A_199 = arith.constant 0 : i32
        %dma_start3A_200 = tpu.memref_slice %arg7[%add3A_147, %dma_start3A_199] : memref<250x80xi32, #tpu.memory_space<vmem>> -> memref<1x80xi32, #tpu.memory_space<vmem>>
        %dma_start3A_201 = tpu.memref_squeeze %dma_start3A_200 : memref<1x80xi32, #tpu.memory_space<vmem>> -> memref<80xi32, #tpu.memory_space<vmem>>
        %dma_start3A_202 = arith.constant 0 : i32
        %dma_start3A_203 = arith.constant 0 : i32
        %dma_start3A_204 = tpu.memref_slice %arg2[%dma_start3A_202, %dma_start3A_203] : memref<20000x64xf32, #tpu.memory_space<hbm>> -> memref<20000x64xf32, #tpu.memory_space<hbm>>
        tpu.enqueue_indirect_dma source(%dma_start3A_204 : memref<20000x64xf32, #tpu.memory_space<hbm>>) target(%dma_start3A_198 : memref<80x64xf32, #tpu.memory_space<vmem>>) offsets(%dma_start3A_201 : memref<80xi32, #tpu.memory_space<vmem>>) semaphore(%arg13 : memref<!tpu.dma_semaphore, #tpu.memory_space<semaphore_mem>>)
      } else {
      }
      %add3A_169 = arith.constant 4 : i32
      %add3A_170 = arith.addi %add3A_73, %add3A_169 : i32
      %add3A_171 = arith.constant 5 : i32
      %add3A_172 = arith.addi %add3A_170, %add3A_171 : i32
      %dma_wait3A_173 = arith.constant 4 : i32
      %dma_wait3A_174 = arith.constant 0 : i32
      %dma_wait3A_175 = arith.constant 0 : i32
      %dma_wait3A_176 = tpu.memref_slice %arg9[%dma_wait3A_173, %dma_wait3A_174, %dma_wait3A_175] : memref<5x80x64xf32, #tpu.memory_space<vmem>> -> memref<1x80x64xf32, #tpu.memory_space<vmem>>
      %dma_wait3A_177 = tpu.memref_squeeze %dma_wait3A_176 : memref<1x80x64xf32, #tpu.memory_space<vmem>> -> memref<80x64xf32, #tpu.memory_space<vmem>>
      %dma_wait3A_178 = arith.constant 0 : i32
      %dma_wait3A_179 = arith.constant 0 : i32
      %dma_wait3A_180 = tpu.memref_slice %arg2[%dma_wait3A_178, %dma_wait3A_179] : memref<20000x64xf32, #tpu.memory_space<hbm>> -> memref<80x64xf32, #tpu.memory_space<hbm>>
      %dma_wait3A_181 = arith.constant 0 : i32
      %dma_wait3A_182 = arith.constant 0 : i32
      %dma_wait3A_183 = tpu.memref_slice %arg9[%dma_wait3A_173, %dma_wait3A_181, %dma_wait3A_182] : memref<5x80x64xf32, #tpu.memory_space<vmem>> -> memref<1x80x64xf32, #tpu.memory_space<vmem>>
      %dma_wait3A_184 = tpu.memref_squeeze %dma_wait3A_183 : memref<1x80x64xf32, #tpu.memory_space<vmem>> -> memref<80x64xf32, #tpu.memory_space<vmem>>
      %dma_wait3A_185 = arith.constant 0 : i32
      %dma_wait3A_186 = arith.constant 0 : i32
      %dma_wait3A_187 = tpu.memref_slice %arg2[%dma_wait3A_185, %dma_wait3A_186] : memref<20000x64xf32, #tpu.memory_space<hbm>> -> memref<80x64xf32, #tpu.memory_space<hbm>>
      tpu.wait_dma2 semaphore(%arg14 : memref<!tpu.dma_semaphore, #tpu.memory_space<semaphore_mem>>) src(%dma_wait3A_187 : memref<80x64xf32, #tpu.memory_space<hbm>>) dst(%dma_wait3A_184 : memref<80x64xf32, #tpu.memory_space<vmem>>)
      %run_scoped3A_188 = arith.constant 4 : i32
      "tpu.region"() ({
        %run_scoped3A_194 = tpu.sem_alloc : memref<!tpu.dma_semaphore, #tpu.memory_space<semaphore_mem>>
        %dma_start3A_195 = arith.constant 0 : i32
        %dma_start3A_196 = arith.constant 0 : i32
        %dma_start3A_197 = tpu.memref_slice %arg9[%run_scoped3A_188, %dma_start3A_195, %dma_start3A_196] : memref<5x80x64xf32, #tpu.memory_space<vmem>> -> memref<1x80x64xf32, #tpu.memory_space<vmem>>
        %dma_start3A_198 = tpu.memref_squeeze %dma_start3A_197 : memref<1x80x64xf32, #tpu.memory_space<vmem>> -> memref<80x64xf32, #tpu.memory_space<vmem>>
        %dma_start3A_199 = arith.constant 0 : i32
        %dma_start3A_200 = tpu.memref_slice %arg8[%add3A_170, %dma_start3A_199] : memref<250x80xi32, #tpu.memory_space<vmem>> -> memref<1x80xi32, #tpu.memory_space<vmem>>
        %dma_start3A_201 = tpu.memref_squeeze %dma_start3A_200 : memref<1x80xi32, #tpu.memory_space<vmem>> -> memref<80xi32, #tpu.memory_space<vmem>>
        %dma_start3A_202 = arith.constant 0 : i32
        %dma_start3A_203 = arith.constant 0 : i32
        %dma_start3A_204 = tpu.memref_slice %arg15[%dma_start3A_202, %dma_start3A_203] : memref<10240x64xf32, #tpu.memory_space<vmem_shared>> -> memref<10240x64xf32, #tpu.memory_space<vmem_shared>>
        tpu.enqueue_indirect_dma source(%dma_start3A_198 : memref<80x64xf32, #tpu.memory_space<vmem>>) target(%dma_start3A_204 : memref<10240x64xf32, #tpu.memory_space<vmem_shared>>) offsets(%dma_start3A_201 : memref<80xi32, #tpu.memory_space<vmem>>) semaphore(%run_scoped3A_194 : memref<!tpu.dma_semaphore, #tpu.memory_space<semaphore_mem>>) {add = true}
        %dma_wait3A_205 = arith.constant 0 : i32
        %dma_wait3A_206 = arith.constant 0 : i32
        %dma_wait3A_207 = tpu.memref_slice %arg9[%run_scoped3A_188, %dma_wait3A_205, %dma_wait3A_206] : memref<5x80x64xf32, #tpu.memory_space<vmem>> -> memref<1x80x64xf32, #tpu.memory_space<vmem>>
        %dma_wait3A_208 = tpu.memref_squeeze %dma_wait3A_207 : memref<1x80x64xf32, #tpu.memory_space<vmem>> -> memref<80x64xf32, #tpu.memory_space<vmem>>
        %dma_wait3A_209 = arith.constant 0 : i32
        %dma_wait3A_210 = tpu.memref_slice %arg8[%add3A_170, %dma_wait3A_209] : memref<250x80xi32, #tpu.memory_space<vmem>> -> memref<1x80xi32, #tpu.memory_space<vmem>>
        %dma_wait3A_211 = tpu.memref_squeeze %dma_wait3A_210 : memref<1x80xi32, #tpu.memory_space<vmem>> -> memref<80xi32, #tpu.memory_space<vmem>>
        %dma_wait3A_212 = arith.constant 0 : i32
        %dma_wait3A_213 = arith.constant 0 : i32
        %dma_wait3A_214 = tpu.memref_slice %arg15[%dma_wait3A_212, %dma_wait3A_213] : memref<10240x64xf32, #tpu.memory_space<vmem_shared>> -> memref<10240x64xf32, #tpu.memory_space<vmem_shared>>
        tpu.wait_indirect_dma semaphore(%run_scoped3A_194 : memref<!tpu.dma_semaphore, #tpu.memory_space<semaphore_mem>>) src(%dma_wait3A_208 : memref<80x64xf32, #tpu.memory_space<vmem>>) dst(%dma_wait3A_214 : memref<10240x64xf32, #tpu.memory_space<vmem_shared>>)
        tpu.yield
      }) : () -> ()
      %lt3A_189 = arith.constant 250 : i32
      %lt3A_190 = arith.cmpi slt, %add3A_172, %lt3A_189 : i32
      %convert_element_type3A_191 = arith.extui %lt3A_190 : i1 to i32
      %cond3A_192 = arith.constant 0 : i32
      %cond3A_193 = arith.cmpi ne, %convert_element_type3A_191, %cond3A_192 : i32
      scf.if %cond3A_193 {
        %dma_start3A_194 = arith.constant 4 : i32
        %dma_start3A_195 = arith.constant 0 : i32
        %dma_start3A_196 = arith.constant 0 : i32
        %dma_start3A_197 = tpu.memref_slice %arg9[%dma_start3A_194, %dma_start3A_195, %dma_start3A_196] : memref<5x80x64xf32, #tpu.memory_space<vmem>> -> memref<1x80x64xf32, #tpu.memory_space<vmem>>
        %dma_start3A_198 = tpu.memref_squeeze %dma_start3A_197 : memref<1x80x64xf32, #tpu.memory_space<vmem>> -> memref<80x64xf32, #tpu.memory_space<vmem>>
        %dma_start3A_199 = arith.constant 0 : i32
        %dma_start3A_200 = tpu.memref_slice %arg7[%add3A_172, %dma_start3A_199] : memref<250x80xi32, #tpu.memory_space<vmem>> -> memref<1x80xi32, #tpu.memory_space<vmem>>
        %dma_start3A_201 = tpu.memref_squeeze %dma_start3A_200 : memref<1x80xi32, #tpu.memory_space<vmem>> -> memref<80xi32, #tpu.memory_space<vmem>>
        %dma_start3A_202 = arith.constant 0 : i32
        %dma_start3A_203 = arith.constant 0 : i32
        %dma_start3A_204 = tpu.memref_slice %arg2[%dma_start3A_202, %dma_start3A_203] : memref<20000x64xf32, #tpu.memory_space<hbm>> -> memref<20000x64xf32, #tpu.memory_space<hbm>>
        tpu.enqueue_indirect_dma source(%dma_start3A_204 : memref<20000x64xf32, #tpu.memory_space<hbm>>) target(%dma_start3A_198 : memref<80x64xf32, #tpu.memory_space<vmem>>) offsets(%dma_start3A_201 : memref<80xi32, #tpu.memory_space<vmem>>) semaphore(%arg14 : memref<!tpu.dma_semaphore, #tpu.memory_space<semaphore_mem>>)
      } else {
      }
    }
    %scan3A_65 = arith.constant 50 : i32
    %barrier3A_66 = arith.constant 0 : index
    tpu.barrier barrier_id(%barrier3A_66)
    %mul3A_67 = arith.constant 64 : i32
    %mul3A_68 = arith.muli %arg0, %mul3A_67 : i32
    "tpu.region"() ({
      %run_scoped3A = tpu.sem_alloc : memref<!tpu.dma_semaphore, #tpu.memory_space<semaphore_mem>>
      %dma_start3A_69 = tpu.memref_slice %arg6[%mul3A_2, %mul3A_68] : memref<10240x128xf32, #tpu.memory_space<hbm>> -> memref<640x64xf32, #tpu.memory_space<hbm>>
      %dma_start3A_70 = arith.constant 0 : i32
      %dma_start3A_71 = tpu.memref_slice %arg15[%mul3A_2, %dma_start3A_70] : memref<10240x64xf32, #tpu.memory_space<vmem_shared>> -> memref<640x64xf32, #tpu.memory_space<vmem_shared>>
      tpu.enqueue_dma source(%dma_start3A_71 : memref<640x64xf32, #tpu.memory_space<vmem_shared>>) target(%dma_start3A_69 : memref<640x64xf32, #tpu.memory_space<hbm>>) target_semaphore(%run_scoped3A : memref<!tpu.dma_semaphore, #tpu.memory_space<semaphore_mem>>)
      %dma_wait3A = tpu.memref_slice %arg6[%mul3A_2, %mul3A_68] : memref<10240x128xf32, #tpu.memory_space<hbm>> -> memref<640x64xf32, #tpu.memory_space<hbm>>
      %dma_wait3A_72 = arith.constant 0 : i32
      %dma_wait3A_73 = tpu.memref_slice %arg15[%mul3A_2, %dma_wait3A_72] : memref<10240x64xf32, #tpu.memory_space<vmem_shared>> -> memref<640x64xf32, #tpu.memory_space<vmem_shared>>
      tpu.wait_dma2 semaphore(%run_scoped3A : memref<!tpu.dma_semaphore, #tpu.memory_space<semaphore_mem>>) src(%dma_wait3A_73 : memref<640x64xf32, #tpu.memory_space<vmem_shared>>) dst(%dma_wait3A : memref<640x64xf32, #tpu.memory_space<hbm>>)
      tpu.yield
    }) : () -> ()
    return
  }
}

#map = affine_map<(d0, d1) -> (0, 0, 0)>
#map1 = affine_map<(d0, d1) -> (0, 0)>
module attributes {stable_mosaic.version = 14 : i64} {
  func.func @_sc_scatter_td(%arg0: i32, %arg1: i32, %arg2: memref<16x250x80xi32, #tpu.memory_space<hbm>>, %arg3: memref<4000x80x16xf32, #tpu.memory_space<hbm>>, %arg4: memref<80x16xf32, #tpu.memory_space<hbm>>, %arg5: memref<10240x16xf32, #tpu.memory_space<hbm>>, %arg6: memref<32x640x16xf32, #tpu.memory_space<hbm>>, %arg7: memref<250x80xi32, #tpu.memory_space<vmem>>, %arg8: memref<5x80x16xf32, #tpu.memory_space<vmem>>, %arg9: memref<!tpu.dma_semaphore, #tpu.memory_space<semaphore_mem>>, %arg10: memref<!tpu.dma_semaphore, #tpu.memory_space<semaphore_mem>>, %arg11: memref<!tpu.dma_semaphore, #tpu.memory_space<semaphore_mem>>, %arg12: memref<!tpu.dma_semaphore, #tpu.memory_space<semaphore_mem>>, %arg13: memref<!tpu.dma_semaphore, #tpu.memory_space<semaphore_mem>>, %arg14: memref<10240x16xf32, #tpu.memory_space<vmem_shared>>) attributes {dimension_semantics = [#tpu.dimension_semantics<core_parallel>, #tpu.dimension_semantics<subcore_parallel>], iteration_bounds = array<i64: 2, 16>, scalar_prefetch = 0 : i64, scratch_operands = 8 : i64, tpu.core_type = #tpu.core_type<sc_vector_subcore>, window_params = [{transform_indices = #map}, {transform_indices = #map}, {transform_indices = #map1}, {transform_indices = #map1}, {transform_indices = #map}]} {
    %mul3A = arith.constant 16 : i32
    %mul3A_0 = arith.muli %arg0, %mul3A : i32
    %add3A = arith.addi %mul3A_0, %arg1 : i32
    %mul3A_1 = arith.constant 640 : i32
    %mul3A_2 = arith.muli %arg1, %mul3A_1 : i32
    "tpu.region"() ({
      %run_scoped3A = tpu.sem_alloc : memref<!tpu.dma_semaphore, #tpu.memory_space<semaphore_mem>>
      %dma_start3A = arith.constant 0 : i32
      %dma_start3A_15 = arith.constant 0 : i32
      %dma_start3A_16 = tpu.memref_slice %arg2[%arg1, %dma_start3A, %dma_start3A_15] : memref<16x250x80xi32, #tpu.memory_space<hbm>> -> memref<1x250x80xi32, #tpu.memory_space<hbm>>
      %dma_start3A_17 = tpu.memref_squeeze %dma_start3A_16 : memref<1x250x80xi32, #tpu.memory_space<hbm>> -> memref<250x80xi32, #tpu.memory_space<hbm>>
      %dma_start3A_18 = arith.constant 0 : i32
      %dma_start3A_19 = arith.constant 0 : i32
      %dma_start3A_20 = tpu.memref_slice %arg2[%arg1, %dma_start3A_18, %dma_start3A_19] : memref<16x250x80xi32, #tpu.memory_space<hbm>> -> memref<1x250x80xi32, #tpu.memory_space<hbm>>
      %dma_start3A_21 = tpu.memref_squeeze %dma_start3A_20 : memref<1x250x80xi32, #tpu.memory_space<hbm>> -> memref<250x80xi32, #tpu.memory_space<hbm>>
      tpu.enqueue_dma source(%dma_start3A_21 : memref<250x80xi32, #tpu.memory_space<hbm>>) target(%arg7 : memref<250x80xi32, #tpu.memory_space<vmem>>) target_semaphore(%run_scoped3A : memref<!tpu.dma_semaphore, #tpu.memory_space<semaphore_mem>>)
      %dma_wait3A = arith.constant 0 : i32
      %dma_wait3A_22 = arith.constant 0 : i32
      %dma_wait3A_23 = tpu.memref_slice %arg2[%arg1, %dma_wait3A, %dma_wait3A_22] : memref<16x250x80xi32, #tpu.memory_space<hbm>> -> memref<1x250x80xi32, #tpu.memory_space<hbm>>
      %dma_wait3A_24 = tpu.memref_squeeze %dma_wait3A_23 : memref<1x250x80xi32, #tpu.memory_space<hbm>> -> memref<250x80xi32, #tpu.memory_space<hbm>>
      %dma_wait3A_25 = arith.constant 0 : i32
      %dma_wait3A_26 = arith.constant 0 : i32
      %dma_wait3A_27 = tpu.memref_slice %arg2[%arg1, %dma_wait3A_25, %dma_wait3A_26] : memref<16x250x80xi32, #tpu.memory_space<hbm>> -> memref<1x250x80xi32, #tpu.memory_space<hbm>>
      %dma_wait3A_28 = tpu.memref_squeeze %dma_wait3A_27 : memref<1x250x80xi32, #tpu.memory_space<hbm>> -> memref<250x80xi32, #tpu.memory_space<hbm>>
      tpu.wait_dma2 semaphore(%run_scoped3A : memref<!tpu.dma_semaphore, #tpu.memory_space<semaphore_mem>>) src(%dma_wait3A_28 : memref<250x80xi32, #tpu.memory_space<hbm>>) dst(%arg7 : memref<250x80xi32, #tpu.memory_space<vmem>>)
      tpu.yield
    }) : () -> ()
    %eq3A = arith.constant 0 : i32
    %eq3A_3 = arith.cmpi eq, %arg0, %eq3A : i32
    %convert_element_type3A = arith.extui %eq3A_3 : i1 to i32
    %cond3A = arith.constant 0 : i32
    %cond3A_4 = arith.cmpi ne, %convert_element_type3A, %cond3A : i32
    scf.if %cond3A_4 {
      %mul3A_15 = arith.constant 250 : i32
      %mul3A_16 = arith.muli %arg1, %mul3A_15 : i32
      %add3A_17 = arith.constant 0 : i32
      %add3A_18 = arith.addi %mul3A_16, %add3A_17 : i32
      %dma_start3A = arith.constant 0 : i32
      %dma_start3A_19 = arith.constant 0 : i32
      %dma_start3A_20 = arith.constant 0 : i32
      %dma_start3A_21 = tpu.memref_slice %arg8[%dma_start3A, %dma_start3A_19, %dma_start3A_20] : memref<5x80x16xf32, #tpu.memory_space<vmem>> -> memref<1x80x16xf32, #tpu.memory_space<vmem>>
      %dma_start3A_22 = tpu.memref_squeeze %dma_start3A_21 : memref<1x80x16xf32, #tpu.memory_space<vmem>> -> memref<80x16xf32, #tpu.memory_space<vmem>>
      %dma_start3A_23 = arith.constant 0 : i32
      %dma_start3A_24 = arith.constant 0 : i32
      %dma_start3A_25 = tpu.memref_slice %arg3[%add3A_18, %dma_start3A_23, %dma_start3A_24] : memref<4000x80x16xf32, #tpu.memory_space<hbm>> -> memref<1x80x16xf32, #tpu.memory_space<hbm>>
      %dma_start3A_26 = tpu.memref_squeeze %dma_start3A_25 : memref<1x80x16xf32, #tpu.memory_space<hbm>> -> memref<80x16xf32, #tpu.memory_space<hbm>>
      %dma_start3A_27 = arith.constant 0 : i32
      %dma_start3A_28 = arith.constant 0 : i32
      %dma_start3A_29 = tpu.memref_slice %arg8[%dma_start3A, %dma_start3A_27, %dma_start3A_28] : memref<5x80x16xf32, #tpu.memory_space<vmem>> -> memref<1x80x16xf32, #tpu.memory_space<vmem>>
      %dma_start3A_30 = tpu.memref_squeeze %dma_start3A_29 : memref<1x80x16xf32, #tpu.memory_space<vmem>> -> memref<80x16xf32, #tpu.memory_space<vmem>>
      %dma_start3A_31 = arith.constant 0 : i32
      %dma_start3A_32 = arith.constant 0 : i32
      %dma_start3A_33 = tpu.memref_slice %arg3[%add3A_18, %dma_start3A_31, %dma_start3A_32] : memref<4000x80x16xf32, #tpu.memory_space<hbm>> -> memref<1x80x16xf32, #tpu.memory_space<hbm>>
      %dma_start3A_34 = tpu.memref_squeeze %dma_start3A_33 : memref<1x80x16xf32, #tpu.memory_space<hbm>> -> memref<80x16xf32, #tpu.memory_space<hbm>>
      tpu.enqueue_dma source(%dma_start3A_34 : memref<80x16xf32, #tpu.memory_space<hbm>>) target(%dma_start3A_30 : memref<80x16xf32, #tpu.memory_space<vmem>>) target_semaphore(%arg9 : memref<!tpu.dma_semaphore, #tpu.memory_space<semaphore_mem>>)
      %mul3A_35 = arith.constant 250 : i32
      %mul3A_36 = arith.muli %arg1, %mul3A_35 : i32
      %add3A_37 = arith.constant 1 : i32
      %add3A_38 = arith.addi %mul3A_36, %add3A_37 : i32
      %dma_start3A_39 = arith.constant 1 : i32
      %dma_start3A_40 = arith.constant 0 : i32
      %dma_start3A_41 = arith.constant 0 : i32
      %dma_start3A_42 = tpu.memref_slice %arg8[%dma_start3A_39, %dma_start3A_40, %dma_start3A_41] : memref<5x80x16xf32, #tpu.memory_space<vmem>> -> memref<1x80x16xf32, #tpu.memory_space<vmem>>
      %dma_start3A_43 = tpu.memref_squeeze %dma_start3A_42 : memref<1x80x16xf32, #tpu.memory_space<vmem>> -> memref<80x16xf32, #tpu.memory_space<vmem>>
      %dma_start3A_44 = arith.constant 0 : i32
      %dma_start3A_45 = arith.constant 0 : i32
      %dma_start3A_46 = tpu.memref_slice %arg3[%add3A_38, %dma_start3A_44, %dma_start3A_45] : memref<4000x80x16xf32, #tpu.memory_space<hbm>> -> memref<1x80x16xf32, #tpu.memory_space<hbm>>
      %dma_start3A_47 = tpu.memref_squeeze %dma_start3A_46 : memref<1x80x16xf32, #tpu.memory_space<hbm>> -> memref<80x16xf32, #tpu.memory_space<hbm>>
      %dma_start3A_48 = arith.constant 0 : i32
      %dma_start3A_49 = arith.constant 0 : i32
      %dma_start3A_50 = tpu.memref_slice %arg8[%dma_start3A_39, %dma_start3A_48, %dma_start3A_49] : memref<5x80x16xf32, #tpu.memory_space<vmem>> -> memref<1x80x16xf32, #tpu.memory_space<vmem>>
      %dma_start3A_51 = tpu.memref_squeeze %dma_start3A_50 : memref<1x80x16xf32, #tpu.memory_space<vmem>> -> memref<80x16xf32, #tpu.memory_space<vmem>>
      %dma_start3A_52 = arith.constant 0 : i32
      %dma_start3A_53 = arith.constant 0 : i32
      %dma_start3A_54 = tpu.memref_slice %arg3[%add3A_38, %dma_start3A_52, %dma_start3A_53] : memref<4000x80x16xf32, #tpu.memory_space<hbm>> -> memref<1x80x16xf32, #tpu.memory_space<hbm>>
      %dma_start3A_55 = tpu.memref_squeeze %dma_start3A_54 : memref<1x80x16xf32, #tpu.memory_space<hbm>> -> memref<80x16xf32, #tpu.memory_space<hbm>>
      tpu.enqueue_dma source(%dma_start3A_55 : memref<80x16xf32, #tpu.memory_space<hbm>>) target(%dma_start3A_51 : memref<80x16xf32, #tpu.memory_space<vmem>>) target_semaphore(%arg10 : memref<!tpu.dma_semaphore, #tpu.memory_space<semaphore_mem>>)
      %mul3A_56 = arith.constant 250 : i32
      %mul3A_57 = arith.muli %arg1, %mul3A_56 : i32
      %add3A_58 = arith.constant 2 : i32
      %add3A_59 = arith.addi %mul3A_57, %add3A_58 : i32
      %dma_start3A_60 = arith.constant 2 : i32
      %dma_start3A_61 = arith.constant 0 : i32
      %dma_start3A_62 = arith.constant 0 : i32
      %dma_start3A_63 = tpu.memref_slice %arg8[%dma_start3A_60, %dma_start3A_61, %dma_start3A_62] : memref<5x80x16xf32, #tpu.memory_space<vmem>> -> memref<1x80x16xf32, #tpu.memory_space<vmem>>
      %dma_start3A_64 = tpu.memref_squeeze %dma_start3A_63 : memref<1x80x16xf32, #tpu.memory_space<vmem>> -> memref<80x16xf32, #tpu.memory_space<vmem>>
      %dma_start3A_65 = arith.constant 0 : i32
      %dma_start3A_66 = arith.constant 0 : i32
      %dma_start3A_67 = tpu.memref_slice %arg3[%add3A_59, %dma_start3A_65, %dma_start3A_66] : memref<4000x80x16xf32, #tpu.memory_space<hbm>> -> memref<1x80x16xf32, #tpu.memory_space<hbm>>
      %dma_start3A_68 = tpu.memref_squeeze %dma_start3A_67 : memref<1x80x16xf32, #tpu.memory_space<hbm>> -> memref<80x16xf32, #tpu.memory_space<hbm>>
      %dma_start3A_69 = arith.constant 0 : i32
      %dma_start3A_70 = arith.constant 0 : i32
      %dma_start3A_71 = tpu.memref_slice %arg8[%dma_start3A_60, %dma_start3A_69, %dma_start3A_70] : memref<5x80x16xf32, #tpu.memory_space<vmem>> -> memref<1x80x16xf32, #tpu.memory_space<vmem>>
      %dma_start3A_72 = tpu.memref_squeeze %dma_start3A_71 : memref<1x80x16xf32, #tpu.memory_space<vmem>> -> memref<80x16xf32, #tpu.memory_space<vmem>>
      %dma_start3A_73 = arith.constant 0 : i32
      %dma_start3A_74 = arith.constant 0 : i32
      %dma_start3A_75 = tpu.memref_slice %arg3[%add3A_59, %dma_start3A_73, %dma_start3A_74] : memref<4000x80x16xf32, #tpu.memory_space<hbm>> -> memref<1x80x16xf32, #tpu.memory_space<hbm>>
      %dma_start3A_76 = tpu.memref_squeeze %dma_start3A_75 : memref<1x80x16xf32, #tpu.memory_space<hbm>> -> memref<80x16xf32, #tpu.memory_space<hbm>>
      tpu.enqueue_dma source(%dma_start3A_76 : memref<80x16xf32, #tpu.memory_space<hbm>>) target(%dma_start3A_72 : memref<80x16xf32, #tpu.memory_space<vmem>>) target_semaphore(%arg11 : memref<!tpu.dma_semaphore, #tpu.memory_space<semaphore_mem>>)
      %mul3A_77 = arith.constant 250 : i32
      %mul3A_78 = arith.muli %arg1, %mul3A_77 : i32
      %add3A_79 = arith.constant 3 : i32
      %add3A_80 = arith.addi %mul3A_78, %add3A_79 : i32
      %dma_start3A_81 = arith.constant 3 : i32
      %dma_start3A_82 = arith.constant 0 : i32
      %dma_start3A_83 = arith.constant 0 : i32
      %dma_start3A_84 = tpu.memref_slice %arg8[%dma_start3A_81, %dma_start3A_82, %dma_start3A_83] : memref<5x80x16xf32, #tpu.memory_space<vmem>> -> memref<1x80x16xf32, #tpu.memory_space<vmem>>
      %dma_start3A_85 = tpu.memref_squeeze %dma_start3A_84 : memref<1x80x16xf32, #tpu.memory_space<vmem>> -> memref<80x16xf32, #tpu.memory_space<vmem>>
      %dma_start3A_86 = arith.constant 0 : i32
      %dma_start3A_87 = arith.constant 0 : i32
      %dma_start3A_88 = tpu.memref_slice %arg3[%add3A_80, %dma_start3A_86, %dma_start3A_87] : memref<4000x80x16xf32, #tpu.memory_space<hbm>> -> memref<1x80x16xf32, #tpu.memory_space<hbm>>
      %dma_start3A_89 = tpu.memref_squeeze %dma_start3A_88 : memref<1x80x16xf32, #tpu.memory_space<hbm>> -> memref<80x16xf32, #tpu.memory_space<hbm>>
      %dma_start3A_90 = arith.constant 0 : i32
      %dma_start3A_91 = arith.constant 0 : i32
      %dma_start3A_92 = tpu.memref_slice %arg8[%dma_start3A_81, %dma_start3A_90, %dma_start3A_91] : memref<5x80x16xf32, #tpu.memory_space<vmem>> -> memref<1x80x16xf32, #tpu.memory_space<vmem>>
      %dma_start3A_93 = tpu.memref_squeeze %dma_start3A_92 : memref<1x80x16xf32, #tpu.memory_space<vmem>> -> memref<80x16xf32, #tpu.memory_space<vmem>>
      %dma_start3A_94 = arith.constant 0 : i32
      %dma_start3A_95 = arith.constant 0 : i32
      %dma_start3A_96 = tpu.memref_slice %arg3[%add3A_80, %dma_start3A_94, %dma_start3A_95] : memref<4000x80x16xf32, #tpu.memory_space<hbm>> -> memref<1x80x16xf32, #tpu.memory_space<hbm>>
      %dma_start3A_97 = tpu.memref_squeeze %dma_start3A_96 : memref<1x80x16xf32, #tpu.memory_space<hbm>> -> memref<80x16xf32, #tpu.memory_space<hbm>>
      tpu.enqueue_dma source(%dma_start3A_97 : memref<80x16xf32, #tpu.memory_space<hbm>>) target(%dma_start3A_93 : memref<80x16xf32, #tpu.memory_space<vmem>>) target_semaphore(%arg12 : memref<!tpu.dma_semaphore, #tpu.memory_space<semaphore_mem>>)
      %mul3A_98 = arith.constant 250 : i32
      %mul3A_99 = arith.muli %arg1, %mul3A_98 : i32
      %add3A_100 = arith.constant 4 : i32
      %add3A_101 = arith.addi %mul3A_99, %add3A_100 : i32
      %dma_start3A_102 = arith.constant 4 : i32
      %dma_start3A_103 = arith.constant 0 : i32
      %dma_start3A_104 = arith.constant 0 : i32
      %dma_start3A_105 = tpu.memref_slice %arg8[%dma_start3A_102, %dma_start3A_103, %dma_start3A_104] : memref<5x80x16xf32, #tpu.memory_space<vmem>> -> memref<1x80x16xf32, #tpu.memory_space<vmem>>
      %dma_start3A_106 = tpu.memref_squeeze %dma_start3A_105 : memref<1x80x16xf32, #tpu.memory_space<vmem>> -> memref<80x16xf32, #tpu.memory_space<vmem>>
      %dma_start3A_107 = arith.constant 0 : i32
      %dma_start3A_108 = arith.constant 0 : i32
      %dma_start3A_109 = tpu.memref_slice %arg3[%add3A_101, %dma_start3A_107, %dma_start3A_108] : memref<4000x80x16xf32, #tpu.memory_space<hbm>> -> memref<1x80x16xf32, #tpu.memory_space<hbm>>
      %dma_start3A_110 = tpu.memref_squeeze %dma_start3A_109 : memref<1x80x16xf32, #tpu.memory_space<hbm>> -> memref<80x16xf32, #tpu.memory_space<hbm>>
      %dma_start3A_111 = arith.constant 0 : i32
      %dma_start3A_112 = arith.constant 0 : i32
      %dma_start3A_113 = tpu.memref_slice %arg8[%dma_start3A_102, %dma_start3A_111, %dma_start3A_112] : memref<5x80x16xf32, #tpu.memory_space<vmem>> -> memref<1x80x16xf32, #tpu.memory_space<vmem>>
      %dma_start3A_114 = tpu.memref_squeeze %dma_start3A_113 : memref<1x80x16xf32, #tpu.memory_space<vmem>> -> memref<80x16xf32, #tpu.memory_space<vmem>>
      %dma_start3A_115 = arith.constant 0 : i32
      %dma_start3A_116 = arith.constant 0 : i32
      %dma_start3A_117 = tpu.memref_slice %arg3[%add3A_101, %dma_start3A_115, %dma_start3A_116] : memref<4000x80x16xf32, #tpu.memory_space<hbm>> -> memref<1x80x16xf32, #tpu.memory_space<hbm>>
      %dma_start3A_118 = tpu.memref_squeeze %dma_start3A_117 : memref<1x80x16xf32, #tpu.memory_space<hbm>> -> memref<80x16xf32, #tpu.memory_space<hbm>>
      tpu.enqueue_dma source(%dma_start3A_118 : memref<80x16xf32, #tpu.memory_space<hbm>>) target(%dma_start3A_114 : memref<80x16xf32, #tpu.memory_space<vmem>>) target_semaphore(%arg13 : memref<!tpu.dma_semaphore, #tpu.memory_space<semaphore_mem>>)
    } else {
    }
    %eq3A_5 = arith.constant 1 : i32
    %eq3A_6 = arith.cmpi eq, %arg0, %eq3A_5 : i32
    %convert_element_type3A_7 = arith.extui %eq3A_6 : i1 to i32
    %cond3A_8 = arith.constant 0 : i32
    %cond3A_9 = arith.cmpi ne, %convert_element_type3A_7, %cond3A_8 : i32
    scf.if %cond3A_9 {
      %run_scoped3A = arith.constant 0 : i32
      "tpu.region"() ({
        %run_scoped3A_19 = tpu.sem_alloc : memref<!tpu.dma_semaphore, #tpu.memory_space<semaphore_mem>>
        %dma_start3A = arith.constant 0 : i32
        %dma_start3A_20 = arith.constant 0 : i32
        %dma_start3A_21 = tpu.memref_slice %arg8[%run_scoped3A, %dma_start3A, %dma_start3A_20] : memref<5x80x16xf32, #tpu.memory_space<vmem>> -> memref<1x80x16xf32, #tpu.memory_space<vmem>>
        %dma_start3A_22 = tpu.memref_squeeze %dma_start3A_21 : memref<1x80x16xf32, #tpu.memory_space<vmem>> -> memref<80x16xf32, #tpu.memory_space<vmem>>
        %dma_start3A_23 = arith.constant 0 : i32
        %dma_start3A_24 = arith.constant 0 : i32
        %dma_start3A_25 = tpu.memref_slice %arg8[%run_scoped3A, %dma_start3A_23, %dma_start3A_24] : memref<5x80x16xf32, #tpu.memory_space<vmem>> -> memref<1x80x16xf32, #tpu.memory_space<vmem>>
        %dma_start3A_26 = tpu.memref_squeeze %dma_start3A_25 : memref<1x80x16xf32, #tpu.memory_space<vmem>> -> memref<80x16xf32, #tpu.memory_space<vmem>>
        tpu.enqueue_dma source(%arg4 : memref<80x16xf32, #tpu.memory_space<hbm>>) target(%dma_start3A_26 : memref<80x16xf32, #tpu.memory_space<vmem>>) target_semaphore(%run_scoped3A_19 : memref<!tpu.dma_semaphore, #tpu.memory_space<semaphore_mem>>)
        %dma_wait3A = arith.constant 0 : i32
        %dma_wait3A_27 = arith.constant 0 : i32
        %dma_wait3A_28 = tpu.memref_slice %arg8[%run_scoped3A, %dma_wait3A, %dma_wait3A_27] : memref<5x80x16xf32, #tpu.memory_space<vmem>> -> memref<1x80x16xf32, #tpu.memory_space<vmem>>
        %dma_wait3A_29 = tpu.memref_squeeze %dma_wait3A_28 : memref<1x80x16xf32, #tpu.memory_space<vmem>> -> memref<80x16xf32, #tpu.memory_space<vmem>>
        %dma_wait3A_30 = arith.constant 0 : i32
        %dma_wait3A_31 = arith.constant 0 : i32
        %dma_wait3A_32 = tpu.memref_slice %arg8[%run_scoped3A, %dma_wait3A_30, %dma_wait3A_31] : memref<5x80x16xf32, #tpu.memory_space<vmem>> -> memref<1x80x16xf32, #tpu.memory_space<vmem>>
        %dma_wait3A_33 = tpu.memref_squeeze %dma_wait3A_32 : memref<1x80x16xf32, #tpu.memory_space<vmem>> -> memref<80x16xf32, #tpu.memory_space<vmem>>
        tpu.wait_dma2 semaphore(%run_scoped3A_19 : memref<!tpu.dma_semaphore, #tpu.memory_space<semaphore_mem>>) src(%arg4 : memref<80x16xf32, #tpu.memory_space<hbm>>) dst(%dma_wait3A_33 : memref<80x16xf32, #tpu.memory_space<vmem>>)
        tpu.yield
      }) : () -> ()
      %run_scoped3A_15 = arith.constant 1 : i32
      "tpu.region"() ({
        %run_scoped3A_19 = tpu.sem_alloc : memref<!tpu.dma_semaphore, #tpu.memory_space<semaphore_mem>>
        %dma_start3A = arith.constant 0 : i32
        %dma_start3A_20 = arith.constant 0 : i32
        %dma_start3A_21 = tpu.memref_slice %arg8[%run_scoped3A_15, %dma_start3A, %dma_start3A_20] : memref<5x80x16xf32, #tpu.memory_space<vmem>> -> memref<1x80x16xf32, #tpu.memory_space<vmem>>
        %dma_start3A_22 = tpu.memref_squeeze %dma_start3A_21 : memref<1x80x16xf32, #tpu.memory_space<vmem>> -> memref<80x16xf32, #tpu.memory_space<vmem>>
        %dma_start3A_23 = arith.constant 0 : i32
        %dma_start3A_24 = arith.constant 0 : i32
        %dma_start3A_25 = tpu.memref_slice %arg8[%run_scoped3A_15, %dma_start3A_23, %dma_start3A_24] : memref<5x80x16xf32, #tpu.memory_space<vmem>> -> memref<1x80x16xf32, #tpu.memory_space<vmem>>
        %dma_start3A_26 = tpu.memref_squeeze %dma_start3A_25 : memref<1x80x16xf32, #tpu.memory_space<vmem>> -> memref<80x16xf32, #tpu.memory_space<vmem>>
        tpu.enqueue_dma source(%arg4 : memref<80x16xf32, #tpu.memory_space<hbm>>) target(%dma_start3A_26 : memref<80x16xf32, #tpu.memory_space<vmem>>) target_semaphore(%run_scoped3A_19 : memref<!tpu.dma_semaphore, #tpu.memory_space<semaphore_mem>>)
        %dma_wait3A = arith.constant 0 : i32
        %dma_wait3A_27 = arith.constant 0 : i32
        %dma_wait3A_28 = tpu.memref_slice %arg8[%run_scoped3A_15, %dma_wait3A, %dma_wait3A_27] : memref<5x80x16xf32, #tpu.memory_space<vmem>> -> memref<1x80x16xf32, #tpu.memory_space<vmem>>
        %dma_wait3A_29 = tpu.memref_squeeze %dma_wait3A_28 : memref<1x80x16xf32, #tpu.memory_space<vmem>> -> memref<80x16xf32, #tpu.memory_space<vmem>>
        %dma_wait3A_30 = arith.constant 0 : i32
        %dma_wait3A_31 = arith.constant 0 : i32
        %dma_wait3A_32 = tpu.memref_slice %arg8[%run_scoped3A_15, %dma_wait3A_30, %dma_wait3A_31] : memref<5x80x16xf32, #tpu.memory_space<vmem>> -> memref<1x80x16xf32, #tpu.memory_space<vmem>>
        %dma_wait3A_33 = tpu.memref_squeeze %dma_wait3A_32 : memref<1x80x16xf32, #tpu.memory_space<vmem>> -> memref<80x16xf32, #tpu.memory_space<vmem>>
        tpu.wait_dma2 semaphore(%run_scoped3A_19 : memref<!tpu.dma_semaphore, #tpu.memory_space<semaphore_mem>>) src(%arg4 : memref<80x16xf32, #tpu.memory_space<hbm>>) dst(%dma_wait3A_33 : memref<80x16xf32, #tpu.memory_space<vmem>>)
        tpu.yield
      }) : () -> ()
      %run_scoped3A_16 = arith.constant 2 : i32
      "tpu.region"() ({
        %run_scoped3A_19 = tpu.sem_alloc : memref<!tpu.dma_semaphore, #tpu.memory_space<semaphore_mem>>
        %dma_start3A = arith.constant 0 : i32
        %dma_start3A_20 = arith.constant 0 : i32
        %dma_start3A_21 = tpu.memref_slice %arg8[%run_scoped3A_16, %dma_start3A, %dma_start3A_20] : memref<5x80x16xf32, #tpu.memory_space<vmem>> -> memref<1x80x16xf32, #tpu.memory_space<vmem>>
        %dma_start3A_22 = tpu.memref_squeeze %dma_start3A_21 : memref<1x80x16xf32, #tpu.memory_space<vmem>> -> memref<80x16xf32, #tpu.memory_space<vmem>>
        %dma_start3A_23 = arith.constant 0 : i32
        %dma_start3A_24 = arith.constant 0 : i32
        %dma_start3A_25 = tpu.memref_slice %arg8[%run_scoped3A_16, %dma_start3A_23, %dma_start3A_24] : memref<5x80x16xf32, #tpu.memory_space<vmem>> -> memref<1x80x16xf32, #tpu.memory_space<vmem>>
        %dma_start3A_26 = tpu.memref_squeeze %dma_start3A_25 : memref<1x80x16xf32, #tpu.memory_space<vmem>> -> memref<80x16xf32, #tpu.memory_space<vmem>>
        tpu.enqueue_dma source(%arg4 : memref<80x16xf32, #tpu.memory_space<hbm>>) target(%dma_start3A_26 : memref<80x16xf32, #tpu.memory_space<vmem>>) target_semaphore(%run_scoped3A_19 : memref<!tpu.dma_semaphore, #tpu.memory_space<semaphore_mem>>)
        %dma_wait3A = arith.constant 0 : i32
        %dma_wait3A_27 = arith.constant 0 : i32
        %dma_wait3A_28 = tpu.memref_slice %arg8[%run_scoped3A_16, %dma_wait3A, %dma_wait3A_27] : memref<5x80x16xf32, #tpu.memory_space<vmem>> -> memref<1x80x16xf32, #tpu.memory_space<vmem>>
        %dma_wait3A_29 = tpu.memref_squeeze %dma_wait3A_28 : memref<1x80x16xf32, #tpu.memory_space<vmem>> -> memref<80x16xf32, #tpu.memory_space<vmem>>
        %dma_wait3A_30 = arith.constant 0 : i32
        %dma_wait3A_31 = arith.constant 0 : i32
        %dma_wait3A_32 = tpu.memref_slice %arg8[%run_scoped3A_16, %dma_wait3A_30, %dma_wait3A_31] : memref<5x80x16xf32, #tpu.memory_space<vmem>> -> memref<1x80x16xf32, #tpu.memory_space<vmem>>
        %dma_wait3A_33 = tpu.memref_squeeze %dma_wait3A_32 : memref<1x80x16xf32, #tpu.memory_space<vmem>> -> memref<80x16xf32, #tpu.memory_space<vmem>>
        tpu.wait_dma2 semaphore(%run_scoped3A_19 : memref<!tpu.dma_semaphore, #tpu.memory_space<semaphore_mem>>) src(%arg4 : memref<80x16xf32, #tpu.memory_space<hbm>>) dst(%dma_wait3A_33 : memref<80x16xf32, #tpu.memory_space<vmem>>)
        tpu.yield
      }) : () -> ()
      %run_scoped3A_17 = arith.constant 3 : i32
      "tpu.region"() ({
        %run_scoped3A_19 = tpu.sem_alloc : memref<!tpu.dma_semaphore, #tpu.memory_space<semaphore_mem>>
        %dma_start3A = arith.constant 0 : i32
        %dma_start3A_20 = arith.constant 0 : i32
        %dma_start3A_21 = tpu.memref_slice %arg8[%run_scoped3A_17, %dma_start3A, %dma_start3A_20] : memref<5x80x16xf32, #tpu.memory_space<vmem>> -> memref<1x80x16xf32, #tpu.memory_space<vmem>>
        %dma_start3A_22 = tpu.memref_squeeze %dma_start3A_21 : memref<1x80x16xf32, #tpu.memory_space<vmem>> -> memref<80x16xf32, #tpu.memory_space<vmem>>
        %dma_start3A_23 = arith.constant 0 : i32
        %dma_start3A_24 = arith.constant 0 : i32
        %dma_start3A_25 = tpu.memref_slice %arg8[%run_scoped3A_17, %dma_start3A_23, %dma_start3A_24] : memref<5x80x16xf32, #tpu.memory_space<vmem>> -> memref<1x80x16xf32, #tpu.memory_space<vmem>>
        %dma_start3A_26 = tpu.memref_squeeze %dma_start3A_25 : memref<1x80x16xf32, #tpu.memory_space<vmem>> -> memref<80x16xf32, #tpu.memory_space<vmem>>
        tpu.enqueue_dma source(%arg4 : memref<80x16xf32, #tpu.memory_space<hbm>>) target(%dma_start3A_26 : memref<80x16xf32, #tpu.memory_space<vmem>>) target_semaphore(%run_scoped3A_19 : memref<!tpu.dma_semaphore, #tpu.memory_space<semaphore_mem>>)
        %dma_wait3A = arith.constant 0 : i32
        %dma_wait3A_27 = arith.constant 0 : i32
        %dma_wait3A_28 = tpu.memref_slice %arg8[%run_scoped3A_17, %dma_wait3A, %dma_wait3A_27] : memref<5x80x16xf32, #tpu.memory_space<vmem>> -> memref<1x80x16xf32, #tpu.memory_space<vmem>>
        %dma_wait3A_29 = tpu.memref_squeeze %dma_wait3A_28 : memref<1x80x16xf32, #tpu.memory_space<vmem>> -> memref<80x16xf32, #tpu.memory_space<vmem>>
        %dma_wait3A_30 = arith.constant 0 : i32
        %dma_wait3A_31 = arith.constant 0 : i32
        %dma_wait3A_32 = tpu.memref_slice %arg8[%run_scoped3A_17, %dma_wait3A_30, %dma_wait3A_31] : memref<5x80x16xf32, #tpu.memory_space<vmem>> -> memref<1x80x16xf32, #tpu.memory_space<vmem>>
        %dma_wait3A_33 = tpu.memref_squeeze %dma_wait3A_32 : memref<1x80x16xf32, #tpu.memory_space<vmem>> -> memref<80x16xf32, #tpu.memory_space<vmem>>
        tpu.wait_dma2 semaphore(%run_scoped3A_19 : memref<!tpu.dma_semaphore, #tpu.memory_space<semaphore_mem>>) src(%arg4 : memref<80x16xf32, #tpu.memory_space<hbm>>) dst(%dma_wait3A_33 : memref<80x16xf32, #tpu.memory_space<vmem>>)
        tpu.yield
      }) : () -> ()
      %run_scoped3A_18 = arith.constant 4 : i32
      "tpu.region"() ({
        %run_scoped3A_19 = tpu.sem_alloc : memref<!tpu.dma_semaphore, #tpu.memory_space<semaphore_mem>>
        %dma_start3A = arith.constant 0 : i32
        %dma_start3A_20 = arith.constant 0 : i32
        %dma_start3A_21 = tpu.memref_slice %arg8[%run_scoped3A_18, %dma_start3A, %dma_start3A_20] : memref<5x80x16xf32, #tpu.memory_space<vmem>> -> memref<1x80x16xf32, #tpu.memory_space<vmem>>
        %dma_start3A_22 = tpu.memref_squeeze %dma_start3A_21 : memref<1x80x16xf32, #tpu.memory_space<vmem>> -> memref<80x16xf32, #tpu.memory_space<vmem>>
        %dma_start3A_23 = arith.constant 0 : i32
        %dma_start3A_24 = arith.constant 0 : i32
        %dma_start3A_25 = tpu.memref_slice %arg8[%run_scoped3A_18, %dma_start3A_23, %dma_start3A_24] : memref<5x80x16xf32, #tpu.memory_space<vmem>> -> memref<1x80x16xf32, #tpu.memory_space<vmem>>
        %dma_start3A_26 = tpu.memref_squeeze %dma_start3A_25 : memref<1x80x16xf32, #tpu.memory_space<vmem>> -> memref<80x16xf32, #tpu.memory_space<vmem>>
        tpu.enqueue_dma source(%arg4 : memref<80x16xf32, #tpu.memory_space<hbm>>) target(%dma_start3A_26 : memref<80x16xf32, #tpu.memory_space<vmem>>) target_semaphore(%run_scoped3A_19 : memref<!tpu.dma_semaphore, #tpu.memory_space<semaphore_mem>>)
        %dma_wait3A = arith.constant 0 : i32
        %dma_wait3A_27 = arith.constant 0 : i32
        %dma_wait3A_28 = tpu.memref_slice %arg8[%run_scoped3A_18, %dma_wait3A, %dma_wait3A_27] : memref<5x80x16xf32, #tpu.memory_space<vmem>> -> memref<1x80x16xf32, #tpu.memory_space<vmem>>
        %dma_wait3A_29 = tpu.memref_squeeze %dma_wait3A_28 : memref<1x80x16xf32, #tpu.memory_space<vmem>> -> memref<80x16xf32, #tpu.memory_space<vmem>>
        %dma_wait3A_30 = arith.constant 0 : i32
        %dma_wait3A_31 = arith.constant 0 : i32
        %dma_wait3A_32 = tpu.memref_slice %arg8[%run_scoped3A_18, %dma_wait3A_30, %dma_wait3A_31] : memref<5x80x16xf32, #tpu.memory_space<vmem>> -> memref<1x80x16xf32, #tpu.memory_space<vmem>>
        %dma_wait3A_33 = tpu.memref_squeeze %dma_wait3A_32 : memref<1x80x16xf32, #tpu.memory_space<vmem>> -> memref<80x16xf32, #tpu.memory_space<vmem>>
        tpu.wait_dma2 semaphore(%run_scoped3A_19 : memref<!tpu.dma_semaphore, #tpu.memory_space<semaphore_mem>>) src(%arg4 : memref<80x16xf32, #tpu.memory_space<hbm>>) dst(%dma_wait3A_33 : memref<80x16xf32, #tpu.memory_space<vmem>>)
        tpu.yield
      }) : () -> ()
    } else {
    }
    "tpu.region"() ({
      %run_scoped3A = tpu.sem_alloc : memref<!tpu.dma_semaphore, #tpu.memory_space<semaphore_mem>>
      %dma_start3A = arith.constant 0 : i32
      %dma_start3A_15 = tpu.memref_slice %arg14[%mul3A_2, %dma_start3A] : memref<10240x16xf32, #tpu.memory_space<vmem_shared>> -> memref<640x16xf32, #tpu.memory_space<vmem_shared>>
      %dma_start3A_16 = arith.constant 0 : i32
      %dma_start3A_17 = tpu.memref_slice %arg5[%mul3A_2, %dma_start3A_16] : memref<10240x16xf32, #tpu.memory_space<hbm>> -> memref<640x16xf32, #tpu.memory_space<hbm>>
      tpu.enqueue_dma source(%dma_start3A_17 : memref<640x16xf32, #tpu.memory_space<hbm>>) target(%dma_start3A_15 : memref<640x16xf32, #tpu.memory_space<vmem_shared>>) target_semaphore(%run_scoped3A : memref<!tpu.dma_semaphore, #tpu.memory_space<semaphore_mem>>)
      %dma_wait3A = arith.constant 0 : i32
      %dma_wait3A_18 = tpu.memref_slice %arg14[%mul3A_2, %dma_wait3A] : memref<10240x16xf32, #tpu.memory_space<vmem_shared>> -> memref<640x16xf32, #tpu.memory_space<vmem_shared>>
      %dma_wait3A_19 = arith.constant 0 : i32
      %dma_wait3A_20 = tpu.memref_slice %arg5[%mul3A_2, %dma_wait3A_19] : memref<10240x16xf32, #tpu.memory_space<hbm>> -> memref<640x16xf32, #tpu.memory_space<hbm>>
      tpu.wait_dma2 semaphore(%run_scoped3A : memref<!tpu.dma_semaphore, #tpu.memory_space<semaphore_mem>>) src(%dma_wait3A_20 : memref<640x16xf32, #tpu.memory_space<hbm>>) dst(%dma_wait3A_18 : memref<640x16xf32, #tpu.memory_space<vmem_shared>>)
      tpu.yield
    }) : () -> ()
    %barrier3A = arith.constant 0 : index
    tpu.barrier barrier_id(%barrier3A)
    %scan3A = arith.constant 0 : i32
    %scan3A_10 = arith.constant 50 : i32
    %scan3A_11 = arith.addi %scan3A, %scan3A_10 : i32
    %scan3A_12 = arith.constant 1 : i32
    scf.for %scan3A_15 = %scan3A to %scan3A_11 step %scan3A_12  : i32 {
      %mul3A_16 = arith.constant 5 : i32
      %mul3A_17 = arith.muli %scan3A_15, %mul3A_16 : i32
      %add3A_18 = arith.constant 0 : i32
      %add3A_19 = arith.addi %add3A_18, %mul3A_17 : i32
      %add3A_20 = arith.constant 0 : i32
      %add3A_21 = arith.addi %add3A_19, %add3A_20 : i32
      %add3A_22 = arith.constant 5 : i32
      %add3A_23 = arith.addi %add3A_21, %add3A_22 : i32
      %eq3A_24 = arith.constant 0 : i32
      %eq3A_25 = arith.cmpi eq, %arg0, %eq3A_24 : i32
      %convert_element_type3A_26 = arith.extui %eq3A_25 : i1 to i32
      %cond3A_27 = arith.constant 0 : i32
      %cond3A_28 = arith.cmpi ne, %convert_element_type3A_26, %cond3A_27 : i32
      scf.if %cond3A_28 {
        %dma_wait3A = arith.constant 0 : i32
        %dma_wait3A_107 = arith.constant 0 : i32
        %dma_wait3A_108 = arith.constant 0 : i32
        %dma_wait3A_109 = arith.constant 0 : i32
        %dma_wait3A_110 = tpu.memref_slice %arg8[%dma_wait3A_107, %dma_wait3A_108, %dma_wait3A_109] : memref<5x80x16xf32, #tpu.memory_space<vmem>> -> memref<1x80x16xf32, #tpu.memory_space<vmem>>
        %dma_wait3A_111 = tpu.memref_squeeze %dma_wait3A_110 : memref<1x80x16xf32, #tpu.memory_space<vmem>> -> memref<80x16xf32, #tpu.memory_space<vmem>>
        %dma_wait3A_112 = arith.constant 0 : i32
        %dma_wait3A_113 = arith.constant 0 : i32
        %dma_wait3A_114 = tpu.memref_slice %arg3[%dma_wait3A, %dma_wait3A_112, %dma_wait3A_113] : memref<4000x80x16xf32, #tpu.memory_space<hbm>> -> memref<1x80x16xf32, #tpu.memory_space<hbm>>
        %dma_wait3A_115 = tpu.memref_squeeze %dma_wait3A_114 : memref<1x80x16xf32, #tpu.memory_space<hbm>> -> memref<80x16xf32, #tpu.memory_space<hbm>>
        %dma_wait3A_116 = arith.constant 0 : i32
        %dma_wait3A_117 = arith.constant 0 : i32
        %dma_wait3A_118 = tpu.memref_slice %arg8[%dma_wait3A_107, %dma_wait3A_116, %dma_wait3A_117] : memref<5x80x16xf32, #tpu.memory_space<vmem>> -> memref<1x80x16xf32, #tpu.memory_space<vmem>>
        %dma_wait3A_119 = tpu.memref_squeeze %dma_wait3A_118 : memref<1x80x16xf32, #tpu.memory_space<vmem>> -> memref<80x16xf32, #tpu.memory_space<vmem>>
        %dma_wait3A_120 = arith.constant 0 : i32
        %dma_wait3A_121 = arith.constant 0 : i32
        %dma_wait3A_122 = tpu.memref_slice %arg3[%dma_wait3A, %dma_wait3A_120, %dma_wait3A_121] : memref<4000x80x16xf32, #tpu.memory_space<hbm>> -> memref<1x80x16xf32, #tpu.memory_space<hbm>>
        %dma_wait3A_123 = tpu.memref_squeeze %dma_wait3A_122 : memref<1x80x16xf32, #tpu.memory_space<hbm>> -> memref<80x16xf32, #tpu.memory_space<hbm>>
        tpu.wait_dma2 semaphore(%arg9 : memref<!tpu.dma_semaphore, #tpu.memory_space<semaphore_mem>>) src(%dma_wait3A_123 : memref<80x16xf32, #tpu.memory_space<hbm>>) dst(%dma_wait3A_119 : memref<80x16xf32, #tpu.memory_space<vmem>>)
      } else {
      }
      %run_scoped3A = arith.constant 0 : i32
      "tpu.region"() ({
        %run_scoped3A_107 = tpu.sem_alloc : memref<!tpu.dma_semaphore, #tpu.memory_space<semaphore_mem>>
        %dma_start3A = arith.constant 0 : i32
        %dma_start3A_108 = arith.constant 0 : i32
        %dma_start3A_109 = tpu.memref_slice %arg8[%run_scoped3A, %dma_start3A, %dma_start3A_108] : memref<5x80x16xf32, #tpu.memory_space<vmem>> -> memref<1x80x16xf32, #tpu.memory_space<vmem>>
        %dma_start3A_110 = tpu.memref_squeeze %dma_start3A_109 : memref<1x80x16xf32, #tpu.memory_space<vmem>> -> memref<80x16xf32, #tpu.memory_space<vmem>>
        %dma_start3A_111 = arith.constant 0 : i32
        %dma_start3A_112 = tpu.memref_slice %arg7[%add3A_21, %dma_start3A_111] : memref<250x80xi32, #tpu.memory_space<vmem>> -> memref<1x80xi32, #tpu.memory_space<vmem>>
        %dma_start3A_113 = tpu.memref_squeeze %dma_start3A_112 : memref<1x80xi32, #tpu.memory_space<vmem>> -> memref<80xi32, #tpu.memory_space<vmem>>
        %dma_start3A_114 = arith.constant 0 : i32
        %dma_start3A_115 = arith.constant 0 : i32
        %dma_start3A_116 = tpu.memref_slice %arg14[%dma_start3A_114, %dma_start3A_115] : memref<10240x16xf32, #tpu.memory_space<vmem_shared>> -> memref<10240x16xf32, #tpu.memory_space<vmem_shared>>
        tpu.enqueue_indirect_dma source(%dma_start3A_110 : memref<80x16xf32, #tpu.memory_space<vmem>>) target(%dma_start3A_116 : memref<10240x16xf32, #tpu.memory_space<vmem_shared>>) offsets(%dma_start3A_113 : memref<80xi32, #tpu.memory_space<vmem>>) semaphore(%run_scoped3A_107 : memref<!tpu.dma_semaphore, #tpu.memory_space<semaphore_mem>>) {add = true}
        %dma_wait3A = arith.constant 0 : i32
        %dma_wait3A_117 = arith.constant 0 : i32
        %dma_wait3A_118 = tpu.memref_slice %arg8[%run_scoped3A, %dma_wait3A, %dma_wait3A_117] : memref<5x80x16xf32, #tpu.memory_space<vmem>> -> memref<1x80x16xf32, #tpu.memory_space<vmem>>
        %dma_wait3A_119 = tpu.memref_squeeze %dma_wait3A_118 : memref<1x80x16xf32, #tpu.memory_space<vmem>> -> memref<80x16xf32, #tpu.memory_space<vmem>>
        %dma_wait3A_120 = arith.constant 0 : i32
        %dma_wait3A_121 = tpu.memref_slice %arg7[%add3A_21, %dma_wait3A_120] : memref<250x80xi32, #tpu.memory_space<vmem>> -> memref<1x80xi32, #tpu.memory_space<vmem>>
        %dma_wait3A_122 = tpu.memref_squeeze %dma_wait3A_121 : memref<1x80xi32, #tpu.memory_space<vmem>> -> memref<80xi32, #tpu.memory_space<vmem>>
        %dma_wait3A_123 = arith.constant 0 : i32
        %dma_wait3A_124 = arith.constant 0 : i32
        %dma_wait3A_125 = tpu.memref_slice %arg14[%dma_wait3A_123, %dma_wait3A_124] : memref<10240x16xf32, #tpu.memory_space<vmem_shared>> -> memref<10240x16xf32, #tpu.memory_space<vmem_shared>>
        tpu.wait_indirect_dma semaphore(%run_scoped3A_107 : memref<!tpu.dma_semaphore, #tpu.memory_space<semaphore_mem>>) src(%dma_wait3A_119 : memref<80x16xf32, #tpu.memory_space<vmem>>) dst(%dma_wait3A_125 : memref<10240x16xf32, #tpu.memory_space<vmem_shared>>)
        tpu.yield
      }) : () -> ()
      %eq3A_29 = arith.constant 0 : i32
      %eq3A_30 = arith.cmpi eq, %arg0, %eq3A_29 : i32
      %lt3A = arith.constant 250 : i32
      %lt3A_31 = arith.cmpi slt, %add3A_23, %lt3A : i32
      %and3A = arith.andi %eq3A_30, %lt3A_31 : i1
      %convert_element_type3A_32 = arith.extui %and3A : i1 to i32
      %cond3A_33 = arith.constant 0 : i32
      %cond3A_34 = arith.cmpi ne, %convert_element_type3A_32, %cond3A_33 : i32
      scf.if %cond3A_34 {
        %mul3A_107 = arith.constant 250 : i32
        %mul3A_108 = arith.muli %arg1, %mul3A_107 : i32
        %add3A_109 = arith.addi %mul3A_108, %add3A_23 : i32
        %dma_start3A = arith.constant 0 : i32
        %dma_start3A_110 = arith.constant 0 : i32
        %dma_start3A_111 = arith.constant 0 : i32
        %dma_start3A_112 = tpu.memref_slice %arg8[%dma_start3A, %dma_start3A_110, %dma_start3A_111] : memref<5x80x16xf32, #tpu.memory_space<vmem>> -> memref<1x80x16xf32, #tpu.memory_space<vmem>>
        %dma_start3A_113 = tpu.memref_squeeze %dma_start3A_112 : memref<1x80x16xf32, #tpu.memory_space<vmem>> -> memref<80x16xf32, #tpu.memory_space<vmem>>
        %dma_start3A_114 = arith.constant 0 : i32
        %dma_start3A_115 = arith.constant 0 : i32
        %dma_start3A_116 = tpu.memref_slice %arg3[%add3A_109, %dma_start3A_114, %dma_start3A_115] : memref<4000x80x16xf32, #tpu.memory_space<hbm>> -> memref<1x80x16xf32, #tpu.memory_space<hbm>>
        %dma_start3A_117 = tpu.memref_squeeze %dma_start3A_116 : memref<1x80x16xf32, #tpu.memory_space<hbm>> -> memref<80x16xf32, #tpu.memory_space<hbm>>
        %dma_start3A_118 = arith.constant 0 : i32
        %dma_start3A_119 = arith.constant 0 : i32
        %dma_start3A_120 = tpu.memref_slice %arg8[%dma_start3A, %dma_start3A_118, %dma_start3A_119] : memref<5x80x16xf32, #tpu.memory_space<vmem>> -> memref<1x80x16xf32, #tpu.memory_space<vmem>>
        %dma_start3A_121 = tpu.memref_squeeze %dma_start3A_120 : memref<1x80x16xf32, #tpu.memory_space<vmem>> -> memref<80x16xf32, #tpu.memory_space<vmem>>
        %dma_start3A_122 = arith.constant 0 : i32
        %dma_start3A_123 = arith.constant 0 : i32
        %dma_start3A_124 = tpu.memref_slice %arg3[%add3A_109, %dma_start3A_122, %dma_start3A_123] : memref<4000x80x16xf32, #tpu.memory_space<hbm>> -> memref<1x80x16xf32, #tpu.memory_space<hbm>>
        %dma_start3A_125 = tpu.memref_squeeze %dma_start3A_124 : memref<1x80x16xf32, #tpu.memory_space<hbm>> -> memref<80x16xf32, #tpu.memory_space<hbm>>
        tpu.enqueue_dma source(%dma_start3A_125 : memref<80x16xf32, #tpu.memory_space<hbm>>) target(%dma_start3A_121 : memref<80x16xf32, #tpu.memory_space<vmem>>) target_semaphore(%arg9 : memref<!tpu.dma_semaphore, #tpu.memory_space<semaphore_mem>>)
      } else {
      }
      %add3A_35 = arith.constant 1 : i32
      %add3A_36 = arith.addi %add3A_19, %add3A_35 : i32
      %add3A_37 = arith.constant 5 : i32
      %add3A_38 = arith.addi %add3A_36, %add3A_37 : i32
      %eq3A_39 = arith.constant 0 : i32
      %eq3A_40 = arith.cmpi eq, %arg0, %eq3A_39 : i32
      %convert_element_type3A_41 = arith.extui %eq3A_40 : i1 to i32
      %cond3A_42 = arith.constant 0 : i32
      %cond3A_43 = arith.cmpi ne, %convert_element_type3A_41, %cond3A_42 : i32
      scf.if %cond3A_43 {
        %dma_wait3A = arith.constant 0 : i32
        %dma_wait3A_107 = arith.constant 1 : i32
        %dma_wait3A_108 = arith.constant 0 : i32
        %dma_wait3A_109 = arith.constant 0 : i32
        %dma_wait3A_110 = tpu.memref_slice %arg8[%dma_wait3A_107, %dma_wait3A_108, %dma_wait3A_109] : memref<5x80x16xf32, #tpu.memory_space<vmem>> -> memref<1x80x16xf32, #tpu.memory_space<vmem>>
        %dma_wait3A_111 = tpu.memref_squeeze %dma_wait3A_110 : memref<1x80x16xf32, #tpu.memory_space<vmem>> -> memref<80x16xf32, #tpu.memory_space<vmem>>
        %dma_wait3A_112 = arith.constant 0 : i32
        %dma_wait3A_113 = arith.constant 0 : i32
        %dma_wait3A_114 = tpu.memref_slice %arg3[%dma_wait3A, %dma_wait3A_112, %dma_wait3A_113] : memref<4000x80x16xf32, #tpu.memory_space<hbm>> -> memref<1x80x16xf32, #tpu.memory_space<hbm>>
        %dma_wait3A_115 = tpu.memref_squeeze %dma_wait3A_114 : memref<1x80x16xf32, #tpu.memory_space<hbm>> -> memref<80x16xf32, #tpu.memory_space<hbm>>
        %dma_wait3A_116 = arith.constant 0 : i32
        %dma_wait3A_117 = arith.constant 0 : i32
        %dma_wait3A_118 = tpu.memref_slice %arg8[%dma_wait3A_107, %dma_wait3A_116, %dma_wait3A_117] : memref<5x80x16xf32, #tpu.memory_space<vmem>> -> memref<1x80x16xf32, #tpu.memory_space<vmem>>
        %dma_wait3A_119 = tpu.memref_squeeze %dma_wait3A_118 : memref<1x80x16xf32, #tpu.memory_space<vmem>> -> memref<80x16xf32, #tpu.memory_space<vmem>>
        %dma_wait3A_120 = arith.constant 0 : i32
        %dma_wait3A_121 = arith.constant 0 : i32
        %dma_wait3A_122 = tpu.memref_slice %arg3[%dma_wait3A, %dma_wait3A_120, %dma_wait3A_121] : memref<4000x80x16xf32, #tpu.memory_space<hbm>> -> memref<1x80x16xf32, #tpu.memory_space<hbm>>
        %dma_wait3A_123 = tpu.memref_squeeze %dma_wait3A_122 : memref<1x80x16xf32, #tpu.memory_space<hbm>> -> memref<80x16xf32, #tpu.memory_space<hbm>>
        tpu.wait_dma2 semaphore(%arg10 : memref<!tpu.dma_semaphore, #tpu.memory_space<semaphore_mem>>) src(%dma_wait3A_123 : memref<80x16xf32, #tpu.memory_space<hbm>>) dst(%dma_wait3A_119 : memref<80x16xf32, #tpu.memory_space<vmem>>)
      } else {
      }
      %run_scoped3A_44 = arith.constant 1 : i32
      "tpu.region"() ({
        %run_scoped3A_107 = tpu.sem_alloc : memref<!tpu.dma_semaphore, #tpu.memory_space<semaphore_mem>>
        %dma_start3A = arith.constant 0 : i32
        %dma_start3A_108 = arith.constant 0 : i32
        %dma_start3A_109 = tpu.memref_slice %arg8[%run_scoped3A_44, %dma_start3A, %dma_start3A_108] : memref<5x80x16xf32, #tpu.memory_space<vmem>> -> memref<1x80x16xf32, #tpu.memory_space<vmem>>
        %dma_start3A_110 = tpu.memref_squeeze %dma_start3A_109 : memref<1x80x16xf32, #tpu.memory_space<vmem>> -> memref<80x16xf32, #tpu.memory_space<vmem>>
        %dma_start3A_111 = arith.constant 0 : i32
        %dma_start3A_112 = tpu.memref_slice %arg7[%add3A_36, %dma_start3A_111] : memref<250x80xi32, #tpu.memory_space<vmem>> -> memref<1x80xi32, #tpu.memory_space<vmem>>
        %dma_start3A_113 = tpu.memref_squeeze %dma_start3A_112 : memref<1x80xi32, #tpu.memory_space<vmem>> -> memref<80xi32, #tpu.memory_space<vmem>>
        %dma_start3A_114 = arith.constant 0 : i32
        %dma_start3A_115 = arith.constant 0 : i32
        %dma_start3A_116 = tpu.memref_slice %arg14[%dma_start3A_114, %dma_start3A_115] : memref<10240x16xf32, #tpu.memory_space<vmem_shared>> -> memref<10240x16xf32, #tpu.memory_space<vmem_shared>>
        tpu.enqueue_indirect_dma source(%dma_start3A_110 : memref<80x16xf32, #tpu.memory_space<vmem>>) target(%dma_start3A_116 : memref<10240x16xf32, #tpu.memory_space<vmem_shared>>) offsets(%dma_start3A_113 : memref<80xi32, #tpu.memory_space<vmem>>) semaphore(%run_scoped3A_107 : memref<!tpu.dma_semaphore, #tpu.memory_space<semaphore_mem>>) {add = true}
        %dma_wait3A = arith.constant 0 : i32
        %dma_wait3A_117 = arith.constant 0 : i32
        %dma_wait3A_118 = tpu.memref_slice %arg8[%run_scoped3A_44, %dma_wait3A, %dma_wait3A_117] : memref<5x80x16xf32, #tpu.memory_space<vmem>> -> memref<1x80x16xf32, #tpu.memory_space<vmem>>
        %dma_wait3A_119 = tpu.memref_squeeze %dma_wait3A_118 : memref<1x80x16xf32, #tpu.memory_space<vmem>> -> memref<80x16xf32, #tpu.memory_space<vmem>>
        %dma_wait3A_120 = arith.constant 0 : i32
        %dma_wait3A_121 = tpu.memref_slice %arg7[%add3A_36, %dma_wait3A_120] : memref<250x80xi32, #tpu.memory_space<vmem>> -> memref<1x80xi32, #tpu.memory_space<vmem>>
        %dma_wait3A_122 = tpu.memref_squeeze %dma_wait3A_121 : memref<1x80xi32, #tpu.memory_space<vmem>> -> memref<80xi32, #tpu.memory_space<vmem>>
        %dma_wait3A_123 = arith.constant 0 : i32
        %dma_wait3A_124 = arith.constant 0 : i32
        %dma_wait3A_125 = tpu.memref_slice %arg14[%dma_wait3A_123, %dma_wait3A_124] : memref<10240x16xf32, #tpu.memory_space<vmem_shared>> -> memref<10240x16xf32, #tpu.memory_space<vmem_shared>>
        tpu.wait_indirect_dma semaphore(%run_scoped3A_107 : memref<!tpu.dma_semaphore, #tpu.memory_space<semaphore_mem>>) src(%dma_wait3A_119 : memref<80x16xf32, #tpu.memory_space<vmem>>) dst(%dma_wait3A_125 : memref<10240x16xf32, #tpu.memory_space<vmem_shared>>)
        tpu.yield
      }) : () -> ()
      %eq3A_45 = arith.constant 0 : i32
      %eq3A_46 = arith.cmpi eq, %arg0, %eq3A_45 : i32
      %lt3A_47 = arith.constant 250 : i32
      %lt3A_48 = arith.cmpi slt, %add3A_38, %lt3A_47 : i32
      %and3A_49 = arith.andi %eq3A_46, %lt3A_48 : i1
      %convert_element_type3A_50 = arith.extui %and3A_49 : i1 to i32
      %cond3A_51 = arith.constant 0 : i32
      %cond3A_52 = arith.cmpi ne, %convert_element_type3A_50, %cond3A_51 : i32
      scf.if %cond3A_52 {
        %mul3A_107 = arith.constant 250 : i32
        %mul3A_108 = arith.muli %arg1, %mul3A_107 : i32
        %add3A_109 = arith.addi %mul3A_108, %add3A_38 : i32
        %dma_start3A = arith.constant 1 : i32
        %dma_start3A_110 = arith.constant 0 : i32
        %dma_start3A_111 = arith.constant 0 : i32
        %dma_start3A_112 = tpu.memref_slice %arg8[%dma_start3A, %dma_start3A_110, %dma_start3A_111] : memref<5x80x16xf32, #tpu.memory_space<vmem>> -> memref<1x80x16xf32, #tpu.memory_space<vmem>>
        %dma_start3A_113 = tpu.memref_squeeze %dma_start3A_112 : memref<1x80x16xf32, #tpu.memory_space<vmem>> -> memref<80x16xf32, #tpu.memory_space<vmem>>
        %dma_start3A_114 = arith.constant 0 : i32
        %dma_start3A_115 = arith.constant 0 : i32
        %dma_start3A_116 = tpu.memref_slice %arg3[%add3A_109, %dma_start3A_114, %dma_start3A_115] : memref<4000x80x16xf32, #tpu.memory_space<hbm>> -> memref<1x80x16xf32, #tpu.memory_space<hbm>>
        %dma_start3A_117 = tpu.memref_squeeze %dma_start3A_116 : memref<1x80x16xf32, #tpu.memory_space<hbm>> -> memref<80x16xf32, #tpu.memory_space<hbm>>
        %dma_start3A_118 = arith.constant 0 : i32
        %dma_start3A_119 = arith.constant 0 : i32
        %dma_start3A_120 = tpu.memref_slice %arg8[%dma_start3A, %dma_start3A_118, %dma_start3A_119] : memref<5x80x16xf32, #tpu.memory_space<vmem>> -> memref<1x80x16xf32, #tpu.memory_space<vmem>>
        %dma_start3A_121 = tpu.memref_squeeze %dma_start3A_120 : memref<1x80x16xf32, #tpu.memory_space<vmem>> -> memref<80x16xf32, #tpu.memory_space<vmem>>
        %dma_start3A_122 = arith.constant 0 : i32
        %dma_start3A_123 = arith.constant 0 : i32
        %dma_start3A_124 = tpu.memref_slice %arg3[%add3A_109, %dma_start3A_122, %dma_start3A_123] : memref<4000x80x16xf32, #tpu.memory_space<hbm>> -> memref<1x80x16xf32, #tpu.memory_space<hbm>>
        %dma_start3A_125 = tpu.memref_squeeze %dma_start3A_124 : memref<1x80x16xf32, #tpu.memory_space<hbm>> -> memref<80x16xf32, #tpu.memory_space<hbm>>
        tpu.enqueue_dma source(%dma_start3A_125 : memref<80x16xf32, #tpu.memory_space<hbm>>) target(%dma_start3A_121 : memref<80x16xf32, #tpu.memory_space<vmem>>) target_semaphore(%arg10 : memref<!tpu.dma_semaphore, #tpu.memory_space<semaphore_mem>>)
      } else {
      }
      %add3A_53 = arith.constant 2 : i32
      %add3A_54 = arith.addi %add3A_19, %add3A_53 : i32
      %add3A_55 = arith.constant 5 : i32
      %add3A_56 = arith.addi %add3A_54, %add3A_55 : i32
      %eq3A_57 = arith.constant 0 : i32
      %eq3A_58 = arith.cmpi eq, %arg0, %eq3A_57 : i32
      %convert_element_type3A_59 = arith.extui %eq3A_58 : i1 to i32
      %cond3A_60 = arith.constant 0 : i32
      %cond3A_61 = arith.cmpi ne, %convert_element_type3A_59, %cond3A_60 : i32
      scf.if %cond3A_61 {
        %dma_wait3A = arith.constant 0 : i32
        %dma_wait3A_107 = arith.constant 2 : i32
        %dma_wait3A_108 = arith.constant 0 : i32
        %dma_wait3A_109 = arith.constant 0 : i32
        %dma_wait3A_110 = tpu.memref_slice %arg8[%dma_wait3A_107, %dma_wait3A_108, %dma_wait3A_109] : memref<5x80x16xf32, #tpu.memory_space<vmem>> -> memref<1x80x16xf32, #tpu.memory_space<vmem>>
        %dma_wait3A_111 = tpu.memref_squeeze %dma_wait3A_110 : memref<1x80x16xf32, #tpu.memory_space<vmem>> -> memref<80x16xf32, #tpu.memory_space<vmem>>
        %dma_wait3A_112 = arith.constant 0 : i32
        %dma_wait3A_113 = arith.constant 0 : i32
        %dma_wait3A_114 = tpu.memref_slice %arg3[%dma_wait3A, %dma_wait3A_112, %dma_wait3A_113] : memref<4000x80x16xf32, #tpu.memory_space<hbm>> -> memref<1x80x16xf32, #tpu.memory_space<hbm>>
        %dma_wait3A_115 = tpu.memref_squeeze %dma_wait3A_114 : memref<1x80x16xf32, #tpu.memory_space<hbm>> -> memref<80x16xf32, #tpu.memory_space<hbm>>
        %dma_wait3A_116 = arith.constant 0 : i32
        %dma_wait3A_117 = arith.constant 0 : i32
        %dma_wait3A_118 = tpu.memref_slice %arg8[%dma_wait3A_107, %dma_wait3A_116, %dma_wait3A_117] : memref<5x80x16xf32, #tpu.memory_space<vmem>> -> memref<1x80x16xf32, #tpu.memory_space<vmem>>
        %dma_wait3A_119 = tpu.memref_squeeze %dma_wait3A_118 : memref<1x80x16xf32, #tpu.memory_space<vmem>> -> memref<80x16xf32, #tpu.memory_space<vmem>>
        %dma_wait3A_120 = arith.constant 0 : i32
        %dma_wait3A_121 = arith.constant 0 : i32
        %dma_wait3A_122 = tpu.memref_slice %arg3[%dma_wait3A, %dma_wait3A_120, %dma_wait3A_121] : memref<4000x80x16xf32, #tpu.memory_space<hbm>> -> memref<1x80x16xf32, #tpu.memory_space<hbm>>
        %dma_wait3A_123 = tpu.memref_squeeze %dma_wait3A_122 : memref<1x80x16xf32, #tpu.memory_space<hbm>> -> memref<80x16xf32, #tpu.memory_space<hbm>>
        tpu.wait_dma2 semaphore(%arg11 : memref<!tpu.dma_semaphore, #tpu.memory_space<semaphore_mem>>) src(%dma_wait3A_123 : memref<80x16xf32, #tpu.memory_space<hbm>>) dst(%dma_wait3A_119 : memref<80x16xf32, #tpu.memory_space<vmem>>)
      } else {
      }
      %run_scoped3A_62 = arith.constant 2 : i32
      "tpu.region"() ({
        %run_scoped3A_107 = tpu.sem_alloc : memref<!tpu.dma_semaphore, #tpu.memory_space<semaphore_mem>>
        %dma_start3A = arith.constant 0 : i32
        %dma_start3A_108 = arith.constant 0 : i32
        %dma_start3A_109 = tpu.memref_slice %arg8[%run_scoped3A_62, %dma_start3A, %dma_start3A_108] : memref<5x80x16xf32, #tpu.memory_space<vmem>> -> memref<1x80x16xf32, #tpu.memory_space<vmem>>
        %dma_start3A_110 = tpu.memref_squeeze %dma_start3A_109 : memref<1x80x16xf32, #tpu.memory_space<vmem>> -> memref<80x16xf32, #tpu.memory_space<vmem>>
        %dma_start3A_111 = arith.constant 0 : i32
        %dma_start3A_112 = tpu.memref_slice %arg7[%add3A_54, %dma_start3A_111] : memref<250x80xi32, #tpu.memory_space<vmem>> -> memref<1x80xi32, #tpu.memory_space<vmem>>
        %dma_start3A_113 = tpu.memref_squeeze %dma_start3A_112 : memref<1x80xi32, #tpu.memory_space<vmem>> -> memref<80xi32, #tpu.memory_space<vmem>>
        %dma_start3A_114 = arith.constant 0 : i32
        %dma_start3A_115 = arith.constant 0 : i32
        %dma_start3A_116 = tpu.memref_slice %arg14[%dma_start3A_114, %dma_start3A_115] : memref<10240x16xf32, #tpu.memory_space<vmem_shared>> -> memref<10240x16xf32, #tpu.memory_space<vmem_shared>>
        tpu.enqueue_indirect_dma source(%dma_start3A_110 : memref<80x16xf32, #tpu.memory_space<vmem>>) target(%dma_start3A_116 : memref<10240x16xf32, #tpu.memory_space<vmem_shared>>) offsets(%dma_start3A_113 : memref<80xi32, #tpu.memory_space<vmem>>) semaphore(%run_scoped3A_107 : memref<!tpu.dma_semaphore, #tpu.memory_space<semaphore_mem>>) {add = true}
        %dma_wait3A = arith.constant 0 : i32
        %dma_wait3A_117 = arith.constant 0 : i32
        %dma_wait3A_118 = tpu.memref_slice %arg8[%run_scoped3A_62, %dma_wait3A, %dma_wait3A_117] : memref<5x80x16xf32, #tpu.memory_space<vmem>> -> memref<1x80x16xf32, #tpu.memory_space<vmem>>
        %dma_wait3A_119 = tpu.memref_squeeze %dma_wait3A_118 : memref<1x80x16xf32, #tpu.memory_space<vmem>> -> memref<80x16xf32, #tpu.memory_space<vmem>>
        %dma_wait3A_120 = arith.constant 0 : i32
        %dma_wait3A_121 = tpu.memref_slice %arg7[%add3A_54, %dma_wait3A_120] : memref<250x80xi32, #tpu.memory_space<vmem>> -> memref<1x80xi32, #tpu.memory_space<vmem>>
        %dma_wait3A_122 = tpu.memref_squeeze %dma_wait3A_121 : memref<1x80xi32, #tpu.memory_space<vmem>> -> memref<80xi32, #tpu.memory_space<vmem>>
        %dma_wait3A_123 = arith.constant 0 : i32
        %dma_wait3A_124 = arith.constant 0 : i32
        %dma_wait3A_125 = tpu.memref_slice %arg14[%dma_wait3A_123, %dma_wait3A_124] : memref<10240x16xf32, #tpu.memory_space<vmem_shared>> -> memref<10240x16xf32, #tpu.memory_space<vmem_shared>>
        tpu.wait_indirect_dma semaphore(%run_scoped3A_107 : memref<!tpu.dma_semaphore, #tpu.memory_space<semaphore_mem>>) src(%dma_wait3A_119 : memref<80x16xf32, #tpu.memory_space<vmem>>) dst(%dma_wait3A_125 : memref<10240x16xf32, #tpu.memory_space<vmem_shared>>)
        tpu.yield
      }) : () -> ()
      %eq3A_63 = arith.constant 0 : i32
      %eq3A_64 = arith.cmpi eq, %arg0, %eq3A_63 : i32
      %lt3A_65 = arith.constant 250 : i32
      %lt3A_66 = arith.cmpi slt, %add3A_56, %lt3A_65 : i32
      %and3A_67 = arith.andi %eq3A_64, %lt3A_66 : i1
      %convert_element_type3A_68 = arith.extui %and3A_67 : i1 to i32
      %cond3A_69 = arith.constant 0 : i32
      %cond3A_70 = arith.cmpi ne, %convert_element_type3A_68, %cond3A_69 : i32
      scf.if %cond3A_70 {
        %mul3A_107 = arith.constant 250 : i32
        %mul3A_108 = arith.muli %arg1, %mul3A_107 : i32
        %add3A_109 = arith.addi %mul3A_108, %add3A_56 : i32
        %dma_start3A = arith.constant 2 : i32
        %dma_start3A_110 = arith.constant 0 : i32
        %dma_start3A_111 = arith.constant 0 : i32
        %dma_start3A_112 = tpu.memref_slice %arg8[%dma_start3A, %dma_start3A_110, %dma_start3A_111] : memref<5x80x16xf32, #tpu.memory_space<vmem>> -> memref<1x80x16xf32, #tpu.memory_space<vmem>>
        %dma_start3A_113 = tpu.memref_squeeze %dma_start3A_112 : memref<1x80x16xf32, #tpu.memory_space<vmem>> -> memref<80x16xf32, #tpu.memory_space<vmem>>
        %dma_start3A_114 = arith.constant 0 : i32
        %dma_start3A_115 = arith.constant 0 : i32
        %dma_start3A_116 = tpu.memref_slice %arg3[%add3A_109, %dma_start3A_114, %dma_start3A_115] : memref<4000x80x16xf32, #tpu.memory_space<hbm>> -> memref<1x80x16xf32, #tpu.memory_space<hbm>>
        %dma_start3A_117 = tpu.memref_squeeze %dma_start3A_116 : memref<1x80x16xf32, #tpu.memory_space<hbm>> -> memref<80x16xf32, #tpu.memory_space<hbm>>
        %dma_start3A_118 = arith.constant 0 : i32
        %dma_start3A_119 = arith.constant 0 : i32
        %dma_start3A_120 = tpu.memref_slice %arg8[%dma_start3A, %dma_start3A_118, %dma_start3A_119] : memref<5x80x16xf32, #tpu.memory_space<vmem>> -> memref<1x80x16xf32, #tpu.memory_space<vmem>>
        %dma_start3A_121 = tpu.memref_squeeze %dma_start3A_120 : memref<1x80x16xf32, #tpu.memory_space<vmem>> -> memref<80x16xf32, #tpu.memory_space<vmem>>
        %dma_start3A_122 = arith.constant 0 : i32
        %dma_start3A_123 = arith.constant 0 : i32
        %dma_start3A_124 = tpu.memref_slice %arg3[%add3A_109, %dma_start3A_122, %dma_start3A_123] : memref<4000x80x16xf32, #tpu.memory_space<hbm>> -> memref<1x80x16xf32, #tpu.memory_space<hbm>>
        %dma_start3A_125 = tpu.memref_squeeze %dma_start3A_124 : memref<1x80x16xf32, #tpu.memory_space<hbm>> -> memref<80x16xf32, #tpu.memory_space<hbm>>
        tpu.enqueue_dma source(%dma_start3A_125 : memref<80x16xf32, #tpu.memory_space<hbm>>) target(%dma_start3A_121 : memref<80x16xf32, #tpu.memory_space<vmem>>) target_semaphore(%arg11 : memref<!tpu.dma_semaphore, #tpu.memory_space<semaphore_mem>>)
      } else {
      }
      %add3A_71 = arith.constant 3 : i32
      %add3A_72 = arith.addi %add3A_19, %add3A_71 : i32
      %add3A_73 = arith.constant 5 : i32
      %add3A_74 = arith.addi %add3A_72, %add3A_73 : i32
      %eq3A_75 = arith.constant 0 : i32
      %eq3A_76 = arith.cmpi eq, %arg0, %eq3A_75 : i32
      %convert_element_type3A_77 = arith.extui %eq3A_76 : i1 to i32
      %cond3A_78 = arith.constant 0 : i32
      %cond3A_79 = arith.cmpi ne, %convert_element_type3A_77, %cond3A_78 : i32
      scf.if %cond3A_79 {
        %dma_wait3A = arith.constant 0 : i32
        %dma_wait3A_107 = arith.constant 3 : i32
        %dma_wait3A_108 = arith.constant 0 : i32
        %dma_wait3A_109 = arith.constant 0 : i32
        %dma_wait3A_110 = tpu.memref_slice %arg8[%dma_wait3A_107, %dma_wait3A_108, %dma_wait3A_109] : memref<5x80x16xf32, #tpu.memory_space<vmem>> -> memref<1x80x16xf32, #tpu.memory_space<vmem>>
        %dma_wait3A_111 = tpu.memref_squeeze %dma_wait3A_110 : memref<1x80x16xf32, #tpu.memory_space<vmem>> -> memref<80x16xf32, #tpu.memory_space<vmem>>
        %dma_wait3A_112 = arith.constant 0 : i32
        %dma_wait3A_113 = arith.constant 0 : i32
        %dma_wait3A_114 = tpu.memref_slice %arg3[%dma_wait3A, %dma_wait3A_112, %dma_wait3A_113] : memref<4000x80x16xf32, #tpu.memory_space<hbm>> -> memref<1x80x16xf32, #tpu.memory_space<hbm>>
        %dma_wait3A_115 = tpu.memref_squeeze %dma_wait3A_114 : memref<1x80x16xf32, #tpu.memory_space<hbm>> -> memref<80x16xf32, #tpu.memory_space<hbm>>
        %dma_wait3A_116 = arith.constant 0 : i32
        %dma_wait3A_117 = arith.constant 0 : i32
        %dma_wait3A_118 = tpu.memref_slice %arg8[%dma_wait3A_107, %dma_wait3A_116, %dma_wait3A_117] : memref<5x80x16xf32, #tpu.memory_space<vmem>> -> memref<1x80x16xf32, #tpu.memory_space<vmem>>
        %dma_wait3A_119 = tpu.memref_squeeze %dma_wait3A_118 : memref<1x80x16xf32, #tpu.memory_space<vmem>> -> memref<80x16xf32, #tpu.memory_space<vmem>>
        %dma_wait3A_120 = arith.constant 0 : i32
        %dma_wait3A_121 = arith.constant 0 : i32
        %dma_wait3A_122 = tpu.memref_slice %arg3[%dma_wait3A, %dma_wait3A_120, %dma_wait3A_121] : memref<4000x80x16xf32, #tpu.memory_space<hbm>> -> memref<1x80x16xf32, #tpu.memory_space<hbm>>
        %dma_wait3A_123 = tpu.memref_squeeze %dma_wait3A_122 : memref<1x80x16xf32, #tpu.memory_space<hbm>> -> memref<80x16xf32, #tpu.memory_space<hbm>>
        tpu.wait_dma2 semaphore(%arg12 : memref<!tpu.dma_semaphore, #tpu.memory_space<semaphore_mem>>) src(%dma_wait3A_123 : memref<80x16xf32, #tpu.memory_space<hbm>>) dst(%dma_wait3A_119 : memref<80x16xf32, #tpu.memory_space<vmem>>)
      } else {
      }
      %run_scoped3A_80 = arith.constant 3 : i32
      "tpu.region"() ({
        %run_scoped3A_107 = tpu.sem_alloc : memref<!tpu.dma_semaphore, #tpu.memory_space<semaphore_mem>>
        %dma_start3A = arith.constant 0 : i32
        %dma_start3A_108 = arith.constant 0 : i32
        %dma_start3A_109 = tpu.memref_slice %arg8[%run_scoped3A_80, %dma_start3A, %dma_start3A_108] : memref<5x80x16xf32, #tpu.memory_space<vmem>> -> memref<1x80x16xf32, #tpu.memory_space<vmem>>
        %dma_start3A_110 = tpu.memref_squeeze %dma_start3A_109 : memref<1x80x16xf32, #tpu.memory_space<vmem>> -> memref<80x16xf32, #tpu.memory_space<vmem>>
        %dma_start3A_111 = arith.constant 0 : i32
        %dma_start3A_112 = tpu.memref_slice %arg7[%add3A_72, %dma_start3A_111] : memref<250x80xi32, #tpu.memory_space<vmem>> -> memref<1x80xi32, #tpu.memory_space<vmem>>
        %dma_start3A_113 = tpu.memref_squeeze %dma_start3A_112 : memref<1x80xi32, #tpu.memory_space<vmem>> -> memref<80xi32, #tpu.memory_space<vmem>>
        %dma_start3A_114 = arith.constant 0 : i32
        %dma_start3A_115 = arith.constant 0 : i32
        %dma_start3A_116 = tpu.memref_slice %arg14[%dma_start3A_114, %dma_start3A_115] : memref<10240x16xf32, #tpu.memory_space<vmem_shared>> -> memref<10240x16xf32, #tpu.memory_space<vmem_shared>>
        tpu.enqueue_indirect_dma source(%dma_start3A_110 : memref<80x16xf32, #tpu.memory_space<vmem>>) target(%dma_start3A_116 : memref<10240x16xf32, #tpu.memory_space<vmem_shared>>) offsets(%dma_start3A_113 : memref<80xi32, #tpu.memory_space<vmem>>) semaphore(%run_scoped3A_107 : memref<!tpu.dma_semaphore, #tpu.memory_space<semaphore_mem>>) {add = true}
        %dma_wait3A = arith.constant 0 : i32
        %dma_wait3A_117 = arith.constant 0 : i32
        %dma_wait3A_118 = tpu.memref_slice %arg8[%run_scoped3A_80, %dma_wait3A, %dma_wait3A_117] : memref<5x80x16xf32, #tpu.memory_space<vmem>> -> memref<1x80x16xf32, #tpu.memory_space<vmem>>
        %dma_wait3A_119 = tpu.memref_squeeze %dma_wait3A_118 : memref<1x80x16xf32, #tpu.memory_space<vmem>> -> memref<80x16xf32, #tpu.memory_space<vmem>>
        %dma_wait3A_120 = arith.constant 0 : i32
        %dma_wait3A_121 = tpu.memref_slice %arg7[%add3A_72, %dma_wait3A_120] : memref<250x80xi32, #tpu.memory_space<vmem>> -> memref<1x80xi32, #tpu.memory_space<vmem>>
        %dma_wait3A_122 = tpu.memref_squeeze %dma_wait3A_121 : memref<1x80xi32, #tpu.memory_space<vmem>> -> memref<80xi32, #tpu.memory_space<vmem>>
        %dma_wait3A_123 = arith.constant 0 : i32
        %dma_wait3A_124 = arith.constant 0 : i32
        %dma_wait3A_125 = tpu.memref_slice %arg14[%dma_wait3A_123, %dma_wait3A_124] : memref<10240x16xf32, #tpu.memory_space<vmem_shared>> -> memref<10240x16xf32, #tpu.memory_space<vmem_shared>>
        tpu.wait_indirect_dma semaphore(%run_scoped3A_107 : memref<!tpu.dma_semaphore, #tpu.memory_space<semaphore_mem>>) src(%dma_wait3A_119 : memref<80x16xf32, #tpu.memory_space<vmem>>) dst(%dma_wait3A_125 : memref<10240x16xf32, #tpu.memory_space<vmem_shared>>)
        tpu.yield
      }) : () -> ()
      %eq3A_81 = arith.constant 0 : i32
      %eq3A_82 = arith.cmpi eq, %arg0, %eq3A_81 : i32
      %lt3A_83 = arith.constant 250 : i32
      %lt3A_84 = arith.cmpi slt, %add3A_74, %lt3A_83 : i32
      %and3A_85 = arith.andi %eq3A_82, %lt3A_84 : i1
      %convert_element_type3A_86 = arith.extui %and3A_85 : i1 to i32
      %cond3A_87 = arith.constant 0 : i32
      %cond3A_88 = arith.cmpi ne, %convert_element_type3A_86, %cond3A_87 : i32
      scf.if %cond3A_88 {
        %mul3A_107 = arith.constant 250 : i32
        %mul3A_108 = arith.muli %arg1, %mul3A_107 : i32
        %add3A_109 = arith.addi %mul3A_108, %add3A_74 : i32
        %dma_start3A = arith.constant 3 : i32
        %dma_start3A_110 = arith.constant 0 : i32
        %dma_start3A_111 = arith.constant 0 : i32
        %dma_start3A_112 = tpu.memref_slice %arg8[%dma_start3A, %dma_start3A_110, %dma_start3A_111] : memref<5x80x16xf32, #tpu.memory_space<vmem>> -> memref<1x80x16xf32, #tpu.memory_space<vmem>>
        %dma_start3A_113 = tpu.memref_squeeze %dma_start3A_112 : memref<1x80x16xf32, #tpu.memory_space<vmem>> -> memref<80x16xf32, #tpu.memory_space<vmem>>
        %dma_start3A_114 = arith.constant 0 : i32
        %dma_start3A_115 = arith.constant 0 : i32
        %dma_start3A_116 = tpu.memref_slice %arg3[%add3A_109, %dma_start3A_114, %dma_start3A_115] : memref<4000x80x16xf32, #tpu.memory_space<hbm>> -> memref<1x80x16xf32, #tpu.memory_space<hbm>>
        %dma_start3A_117 = tpu.memref_squeeze %dma_start3A_116 : memref<1x80x16xf32, #tpu.memory_space<hbm>> -> memref<80x16xf32, #tpu.memory_space<hbm>>
        %dma_start3A_118 = arith.constant 0 : i32
        %dma_start3A_119 = arith.constant 0 : i32
        %dma_start3A_120 = tpu.memref_slice %arg8[%dma_start3A, %dma_start3A_118, %dma_start3A_119] : memref<5x80x16xf32, #tpu.memory_space<vmem>> -> memref<1x80x16xf32, #tpu.memory_space<vmem>>
        %dma_start3A_121 = tpu.memref_squeeze %dma_start3A_120 : memref<1x80x16xf32, #tpu.memory_space<vmem>> -> memref<80x16xf32, #tpu.memory_space<vmem>>
        %dma_start3A_122 = arith.constant 0 : i32
        %dma_start3A_123 = arith.constant 0 : i32
        %dma_start3A_124 = tpu.memref_slice %arg3[%add3A_109, %dma_start3A_122, %dma_start3A_123] : memref<4000x80x16xf32, #tpu.memory_space<hbm>> -> memref<1x80x16xf32, #tpu.memory_space<hbm>>
        %dma_start3A_125 = tpu.memref_squeeze %dma_start3A_124 : memref<1x80x16xf32, #tpu.memory_space<hbm>> -> memref<80x16xf32, #tpu.memory_space<hbm>>
        tpu.enqueue_dma source(%dma_start3A_125 : memref<80x16xf32, #tpu.memory_space<hbm>>) target(%dma_start3A_121 : memref<80x16xf32, #tpu.memory_space<vmem>>) target_semaphore(%arg12 : memref<!tpu.dma_semaphore, #tpu.memory_space<semaphore_mem>>)
      } else {
      }
      %add3A_89 = arith.constant 4 : i32
      %add3A_90 = arith.addi %add3A_19, %add3A_89 : i32
      %add3A_91 = arith.constant 5 : i32
      %add3A_92 = arith.addi %add3A_90, %add3A_91 : i32
      %eq3A_93 = arith.constant 0 : i32
      %eq3A_94 = arith.cmpi eq, %arg0, %eq3A_93 : i32
      %convert_element_type3A_95 = arith.extui %eq3A_94 : i1 to i32
      %cond3A_96 = arith.constant 0 : i32
      %cond3A_97 = arith.cmpi ne, %convert_element_type3A_95, %cond3A_96 : i32
      scf.if %cond3A_97 {
        %dma_wait3A = arith.constant 0 : i32
        %dma_wait3A_107 = arith.constant 4 : i32
        %dma_wait3A_108 = arith.constant 0 : i32
        %dma_wait3A_109 = arith.constant 0 : i32
        %dma_wait3A_110 = tpu.memref_slice %arg8[%dma_wait3A_107, %dma_wait3A_108, %dma_wait3A_109] : memref<5x80x16xf32, #tpu.memory_space<vmem>> -> memref<1x80x16xf32, #tpu.memory_space<vmem>>
        %dma_wait3A_111 = tpu.memref_squeeze %dma_wait3A_110 : memref<1x80x16xf32, #tpu.memory_space<vmem>> -> memref<80x16xf32, #tpu.memory_space<vmem>>
        %dma_wait3A_112 = arith.constant 0 : i32
        %dma_wait3A_113 = arith.constant 0 : i32
        %dma_wait3A_114 = tpu.memref_slice %arg3[%dma_wait3A, %dma_wait3A_112, %dma_wait3A_113] : memref<4000x80x16xf32, #tpu.memory_space<hbm>> -> memref<1x80x16xf32, #tpu.memory_space<hbm>>
        %dma_wait3A_115 = tpu.memref_squeeze %dma_wait3A_114 : memref<1x80x16xf32, #tpu.memory_space<hbm>> -> memref<80x16xf32, #tpu.memory_space<hbm>>
        %dma_wait3A_116 = arith.constant 0 : i32
        %dma_wait3A_117 = arith.constant 0 : i32
        %dma_wait3A_118 = tpu.memref_slice %arg8[%dma_wait3A_107, %dma_wait3A_116, %dma_wait3A_117] : memref<5x80x16xf32, #tpu.memory_space<vmem>> -> memref<1x80x16xf32, #tpu.memory_space<vmem>>
        %dma_wait3A_119 = tpu.memref_squeeze %dma_wait3A_118 : memref<1x80x16xf32, #tpu.memory_space<vmem>> -> memref<80x16xf32, #tpu.memory_space<vmem>>
        %dma_wait3A_120 = arith.constant 0 : i32
        %dma_wait3A_121 = arith.constant 0 : i32
        %dma_wait3A_122 = tpu.memref_slice %arg3[%dma_wait3A, %dma_wait3A_120, %dma_wait3A_121] : memref<4000x80x16xf32, #tpu.memory_space<hbm>> -> memref<1x80x16xf32, #tpu.memory_space<hbm>>
        %dma_wait3A_123 = tpu.memref_squeeze %dma_wait3A_122 : memref<1x80x16xf32, #tpu.memory_space<hbm>> -> memref<80x16xf32, #tpu.memory_space<hbm>>
        tpu.wait_dma2 semaphore(%arg13 : memref<!tpu.dma_semaphore, #tpu.memory_space<semaphore_mem>>) src(%dma_wait3A_123 : memref<80x16xf32, #tpu.memory_space<hbm>>) dst(%dma_wait3A_119 : memref<80x16xf32, #tpu.memory_space<vmem>>)
      } else {
      }
      %run_scoped3A_98 = arith.constant 4 : i32
      "tpu.region"() ({
        %run_scoped3A_107 = tpu.sem_alloc : memref<!tpu.dma_semaphore, #tpu.memory_space<semaphore_mem>>
        %dma_start3A = arith.constant 0 : i32
        %dma_start3A_108 = arith.constant 0 : i32
        %dma_start3A_109 = tpu.memref_slice %arg8[%run_scoped3A_98, %dma_start3A, %dma_start3A_108] : memref<5x80x16xf32, #tpu.memory_space<vmem>> -> memref<1x80x16xf32, #tpu.memory_space<vmem>>
        %dma_start3A_110 = tpu.memref_squeeze %dma_start3A_109 : memref<1x80x16xf32, #tpu.memory_space<vmem>> -> memref<80x16xf32, #tpu.memory_space<vmem>>
        %dma_start3A_111 = arith.constant 0 : i32
        %dma_start3A_112 = tpu.memref_slice %arg7[%add3A_90, %dma_start3A_111] : memref<250x80xi32, #tpu.memory_space<vmem>> -> memref<1x80xi32, #tpu.memory_space<vmem>>
        %dma_start3A_113 = tpu.memref_squeeze %dma_start3A_112 : memref<1x80xi32, #tpu.memory_space<vmem>> -> memref<80xi32, #tpu.memory_space<vmem>>
        %dma_start3A_114 = arith.constant 0 : i32
        %dma_start3A_115 = arith.constant 0 : i32
        %dma_start3A_116 = tpu.memref_slice %arg14[%dma_start3A_114, %dma_start3A_115] : memref<10240x16xf32, #tpu.memory_space<vmem_shared>> -> memref<10240x16xf32, #tpu.memory_space<vmem_shared>>
        tpu.enqueue_indirect_dma source(%dma_start3A_110 : memref<80x16xf32, #tpu.memory_space<vmem>>) target(%dma_start3A_116 : memref<10240x16xf32, #tpu.memory_space<vmem_shared>>) offsets(%dma_start3A_113 : memref<80xi32, #tpu.memory_space<vmem>>) semaphore(%run_scoped3A_107 : memref<!tpu.dma_semaphore, #tpu.memory_space<semaphore_mem>>) {add = true}
        %dma_wait3A = arith.constant 0 : i32
        %dma_wait3A_117 = arith.constant 0 : i32
        %dma_wait3A_118 = tpu.memref_slice %arg8[%run_scoped3A_98, %dma_wait3A, %dma_wait3A_117] : memref<5x80x16xf32, #tpu.memory_space<vmem>> -> memref<1x80x16xf32, #tpu.memory_space<vmem>>
        %dma_wait3A_119 = tpu.memref_squeeze %dma_wait3A_118 : memref<1x80x16xf32, #tpu.memory_space<vmem>> -> memref<80x16xf32, #tpu.memory_space<vmem>>
        %dma_wait3A_120 = arith.constant 0 : i32
        %dma_wait3A_121 = tpu.memref_slice %arg7[%add3A_90, %dma_wait3A_120] : memref<250x80xi32, #tpu.memory_space<vmem>> -> memref<1x80xi32, #tpu.memory_space<vmem>>
        %dma_wait3A_122 = tpu.memref_squeeze %dma_wait3A_121 : memref<1x80xi32, #tpu.memory_space<vmem>> -> memref<80xi32, #tpu.memory_space<vmem>>
        %dma_wait3A_123 = arith.constant 0 : i32
        %dma_wait3A_124 = arith.constant 0 : i32
        %dma_wait3A_125 = tpu.memref_slice %arg14[%dma_wait3A_123, %dma_wait3A_124] : memref<10240x16xf32, #tpu.memory_space<vmem_shared>> -> memref<10240x16xf32, #tpu.memory_space<vmem_shared>>
        tpu.wait_indirect_dma semaphore(%run_scoped3A_107 : memref<!tpu.dma_semaphore, #tpu.memory_space<semaphore_mem>>) src(%dma_wait3A_119 : memref<80x16xf32, #tpu.memory_space<vmem>>) dst(%dma_wait3A_125 : memref<10240x16xf32, #tpu.memory_space<vmem_shared>>)
        tpu.yield
      }) : () -> ()
      %eq3A_99 = arith.constant 0 : i32
      %eq3A_100 = arith.cmpi eq, %arg0, %eq3A_99 : i32
      %lt3A_101 = arith.constant 250 : i32
      %lt3A_102 = arith.cmpi slt, %add3A_92, %lt3A_101 : i32
      %and3A_103 = arith.andi %eq3A_100, %lt3A_102 : i1
      %convert_element_type3A_104 = arith.extui %and3A_103 : i1 to i32
      %cond3A_105 = arith.constant 0 : i32
      %cond3A_106 = arith.cmpi ne, %convert_element_type3A_104, %cond3A_105 : i32
      scf.if %cond3A_106 {
        %mul3A_107 = arith.constant 250 : i32
        %mul3A_108 = arith.muli %arg1, %mul3A_107 : i32
        %add3A_109 = arith.addi %mul3A_108, %add3A_92 : i32
        %dma_start3A = arith.constant 4 : i32
        %dma_start3A_110 = arith.constant 0 : i32
        %dma_start3A_111 = arith.constant 0 : i32
        %dma_start3A_112 = tpu.memref_slice %arg8[%dma_start3A, %dma_start3A_110, %dma_start3A_111] : memref<5x80x16xf32, #tpu.memory_space<vmem>> -> memref<1x80x16xf32, #tpu.memory_space<vmem>>
        %dma_start3A_113 = tpu.memref_squeeze %dma_start3A_112 : memref<1x80x16xf32, #tpu.memory_space<vmem>> -> memref<80x16xf32, #tpu.memory_space<vmem>>
        %dma_start3A_114 = arith.constant 0 : i32
        %dma_start3A_115 = arith.constant 0 : i32
        %dma_start3A_116 = tpu.memref_slice %arg3[%add3A_109, %dma_start3A_114, %dma_start3A_115] : memref<4000x80x16xf32, #tpu.memory_space<hbm>> -> memref<1x80x16xf32, #tpu.memory_space<hbm>>
        %dma_start3A_117 = tpu.memref_squeeze %dma_start3A_116 : memref<1x80x16xf32, #tpu.memory_space<hbm>> -> memref<80x16xf32, #tpu.memory_space<hbm>>
        %dma_start3A_118 = arith.constant 0 : i32
        %dma_start3A_119 = arith.constant 0 : i32
        %dma_start3A_120 = tpu.memref_slice %arg8[%dma_start3A, %dma_start3A_118, %dma_start3A_119] : memref<5x80x16xf32, #tpu.memory_space<vmem>> -> memref<1x80x16xf32, #tpu.memory_space<vmem>>
        %dma_start3A_121 = tpu.memref_squeeze %dma_start3A_120 : memref<1x80x16xf32, #tpu.memory_space<vmem>> -> memref<80x16xf32, #tpu.memory_space<vmem>>
        %dma_start3A_122 = arith.constant 0 : i32
        %dma_start3A_123 = arith.constant 0 : i32
        %dma_start3A_124 = tpu.memref_slice %arg3[%add3A_109, %dma_start3A_122, %dma_start3A_123] : memref<4000x80x16xf32, #tpu.memory_space<hbm>> -> memref<1x80x16xf32, #tpu.memory_space<hbm>>
        %dma_start3A_125 = tpu.memref_squeeze %dma_start3A_124 : memref<1x80x16xf32, #tpu.memory_space<hbm>> -> memref<80x16xf32, #tpu.memory_space<hbm>>
        tpu.enqueue_dma source(%dma_start3A_125 : memref<80x16xf32, #tpu.memory_space<hbm>>) target(%dma_start3A_121 : memref<80x16xf32, #tpu.memory_space<vmem>>) target_semaphore(%arg13 : memref<!tpu.dma_semaphore, #tpu.memory_space<semaphore_mem>>)
      } else {
      }
    }
    %scan3A_13 = arith.constant 50 : i32
    %barrier3A_14 = arith.constant 0 : index
    tpu.barrier barrier_id(%barrier3A_14)
    "tpu.region"() ({
      %run_scoped3A = tpu.sem_alloc : memref<!tpu.dma_semaphore, #tpu.memory_space<semaphore_mem>>
      %dma_start3A = arith.constant 0 : i32
      %dma_start3A_15 = arith.constant 0 : i32
      %dma_start3A_16 = tpu.memref_slice %arg6[%add3A, %dma_start3A, %dma_start3A_15] : memref<32x640x16xf32, #tpu.memory_space<hbm>> -> memref<1x640x16xf32, #tpu.memory_space<hbm>>
      %dma_start3A_17 = tpu.memref_squeeze %dma_start3A_16 : memref<1x640x16xf32, #tpu.memory_space<hbm>> -> memref<640x16xf32, #tpu.memory_space<hbm>>
      %dma_start3A_18 = arith.constant 0 : i32
      %dma_start3A_19 = tpu.memref_slice %arg14[%mul3A_2, %dma_start3A_18] : memref<10240x16xf32, #tpu.memory_space<vmem_shared>> -> memref<640x16xf32, #tpu.memory_space<vmem_shared>>
      tpu.enqueue_dma source(%dma_start3A_19 : memref<640x16xf32, #tpu.memory_space<vmem_shared>>) target(%dma_start3A_17 : memref<640x16xf32, #tpu.memory_space<hbm>>) target_semaphore(%run_scoped3A : memref<!tpu.dma_semaphore, #tpu.memory_space<semaphore_mem>>)
      %dma_wait3A = arith.constant 0 : i32
      %dma_wait3A_20 = arith.constant 0 : i32
      %dma_wait3A_21 = tpu.memref_slice %arg6[%add3A, %dma_wait3A, %dma_wait3A_20] : memref<32x640x16xf32, #tpu.memory_space<hbm>> -> memref<1x640x16xf32, #tpu.memory_space<hbm>>
      %dma_wait3A_22 = tpu.memref_squeeze %dma_wait3A_21 : memref<1x640x16xf32, #tpu.memory_space<hbm>> -> memref<640x16xf32, #tpu.memory_space<hbm>>
      %dma_wait3A_23 = arith.constant 0 : i32
      %dma_wait3A_24 = tpu.memref_slice %arg14[%mul3A_2, %dma_wait3A_23] : memref<10240x16xf32, #tpu.memory_space<vmem_shared>> -> memref<640x16xf32, #tpu.memory_space<vmem_shared>>
      tpu.wait_dma2 semaphore(%run_scoped3A : memref<!tpu.dma_semaphore, #tpu.memory_space<semaphore_mem>>) src(%dma_wait3A_24 : memref<640x16xf32, #tpu.memory_space<vmem_shared>>) dst(%dma_wait3A_22 : memref<640x16xf32, #tpu.memory_space<hbm>>)
      tpu.yield
    }) : () -> ()
    return
  }
}

#map = affine_map<(d0, d1) -> (0, 0)>
#map1 = affine_map<(d0, d1) -> (0, 0, 0)>
module attributes {stable_mosaic.version = 14 : i64} {
  func.func @_sc_scatter2(%arg0: i32, %arg1: i32, %arg2: memref<20000x64xf32, #tpu.memory_space<hbm>>, %arg3: memref<32x250x80xi32, #tpu.memory_space<hbm>>, %arg4: memref<16x250x80xi32, #tpu.memory_space<hbm>>, %arg5: memref<10240x64xf32, #tpu.memory_space<hbm>>, %arg6: memref<10240x128xf32, #tpu.memory_space<hbm>>, %arg7: memref<250x80xi32, #tpu.memory_space<vmem>>, %arg8: memref<250x80xi32, #tpu.memory_space<vmem>>, %arg9: memref<5x80x64xf32, #tpu.memory_space<vmem>>, %arg10: memref<!tpu.dma_semaphore, #tpu.memory_space<semaphore_mem>>, %arg11: memref<!tpu.dma_semaphore, #tpu.memory_space<semaphore_mem>>, %arg12: memref<!tpu.dma_semaphore, #tpu.memory_space<semaphore_mem>>, %arg13: memref<!tpu.dma_semaphore, #tpu.memory_space<semaphore_mem>>, %arg14: memref<!tpu.dma_semaphore, #tpu.memory_space<semaphore_mem>>, %arg15: memref<10240x64xf32, #tpu.memory_space<vmem_shared>>) attributes {dimension_semantics = [#tpu.dimension_semantics<core_parallel>, #tpu.dimension_semantics<subcore_parallel>], iteration_bounds = array<i64: 2, 16>, scalar_prefetch = 0 : i64, scratch_operands = 9 : i64, tpu.core_type = #tpu.core_type<sc_vector_subcore>, window_params = [{transform_indices = #map}, {transform_indices = #map1}, {transform_indices = #map1}, {transform_indices = #map}, {transform_indices = #map}]} {
    %mul3A = arith.constant 16 : i32
    %mul3A_0 = arith.muli %arg0, %mul3A : i32
    %add3A = arith.addi %mul3A_0, %arg1 : i32
    %mul3A_1 = arith.constant 640 : i32
    %mul3A_2 = arith.muli %arg1, %mul3A_1 : i32
    "tpu.region"() ({
      %run_scoped3A = tpu.sem_alloc : memref<!tpu.dma_semaphore, #tpu.memory_space<semaphore_mem>>
      %dma_start3A_69 = arith.constant 0 : i32
      %dma_start3A_70 = arith.constant 0 : i32
      %dma_start3A_71 = tpu.memref_slice %arg3[%add3A, %dma_start3A_69, %dma_start3A_70] : memref<32x250x80xi32, #tpu.memory_space<hbm>> -> memref<1x250x80xi32, #tpu.memory_space<hbm>>
      %dma_start3A_72 = tpu.memref_squeeze %dma_start3A_71 : memref<1x250x80xi32, #tpu.memory_space<hbm>> -> memref<250x80xi32, #tpu.memory_space<hbm>>
      %dma_start3A_73 = arith.constant 0 : i32
      %dma_start3A_74 = arith.constant 0 : i32
      %dma_start3A_75 = tpu.memref_slice %arg3[%add3A, %dma_start3A_73, %dma_start3A_74] : memref<32x250x80xi32, #tpu.memory_space<hbm>> -> memref<1x250x80xi32, #tpu.memory_space<hbm>>
      %dma_start3A_76 = tpu.memref_squeeze %dma_start3A_75 : memref<1x250x80xi32, #tpu.memory_space<hbm>> -> memref<250x80xi32, #tpu.memory_space<hbm>>
      tpu.enqueue_dma source(%dma_start3A_76 : memref<250x80xi32, #tpu.memory_space<hbm>>) target(%arg7 : memref<250x80xi32, #tpu.memory_space<vmem>>) target_semaphore(%run_scoped3A : memref<!tpu.dma_semaphore, #tpu.memory_space<semaphore_mem>>)
      %dma_wait3A = arith.constant 0 : i32
      %dma_wait3A_77 = arith.constant 0 : i32
      %dma_wait3A_78 = tpu.memref_slice %arg3[%add3A, %dma_wait3A, %dma_wait3A_77] : memref<32x250x80xi32, #tpu.memory_space<hbm>> -> memref<1x250x80xi32, #tpu.memory_space<hbm>>
      %dma_wait3A_79 = tpu.memref_squeeze %dma_wait3A_78 : memref<1x250x80xi32, #tpu.memory_space<hbm>> -> memref<250x80xi32, #tpu.memory_space<hbm>>
      %dma_wait3A_80 = arith.constant 0 : i32
      %dma_wait3A_81 = arith.constant 0 : i32
      %dma_wait3A_82 = tpu.memref_slice %arg3[%add3A, %dma_wait3A_80, %dma_wait3A_81] : memref<32x250x80xi32, #tpu.memory_space<hbm>> -> memref<1x250x80xi32, #tpu.memory_space<hbm>>
      %dma_wait3A_83 = tpu.memref_squeeze %dma_wait3A_82 : memref<1x250x80xi32, #tpu.memory_space<hbm>> -> memref<250x80xi32, #tpu.memory_space<hbm>>
      tpu.wait_dma2 semaphore(%run_scoped3A : memref<!tpu.dma_semaphore, #tpu.memory_space<semaphore_mem>>) src(%dma_wait3A_83 : memref<250x80xi32, #tpu.memory_space<hbm>>) dst(%arg7 : memref<250x80xi32, #tpu.memory_space<vmem>>)
      tpu.yield
    }) : () -> ()
    "tpu.region"() ({
      %run_scoped3A = tpu.sem_alloc : memref<!tpu.dma_semaphore, #tpu.memory_space<semaphore_mem>>
      %dma_start3A_69 = arith.constant 0 : i32
      %dma_start3A_70 = arith.constant 0 : i32
      %dma_start3A_71 = tpu.memref_slice %arg4[%arg1, %dma_start3A_69, %dma_start3A_70] : memref<16x250x80xi32, #tpu.memory_space<hbm>> -> memref<1x250x80xi32, #tpu.memory_space<hbm>>
      %dma_start3A_72 = tpu.memref_squeeze %dma_start3A_71 : memref<1x250x80xi32, #tpu.memory_space<hbm>> -> memref<250x80xi32, #tpu.memory_space<hbm>>
      %dma_start3A_73 = arith.constant 0 : i32
      %dma_start3A_74 = arith.constant 0 : i32
      %dma_start3A_75 = tpu.memref_slice %arg4[%arg1, %dma_start3A_73, %dma_start3A_74] : memref<16x250x80xi32, #tpu.memory_space<hbm>> -> memref<1x250x80xi32, #tpu.memory_space<hbm>>
      %dma_start3A_76 = tpu.memref_squeeze %dma_start3A_75 : memref<1x250x80xi32, #tpu.memory_space<hbm>> -> memref<250x80xi32, #tpu.memory_space<hbm>>
      tpu.enqueue_dma source(%dma_start3A_76 : memref<250x80xi32, #tpu.memory_space<hbm>>) target(%arg8 : memref<250x80xi32, #tpu.memory_space<vmem>>) target_semaphore(%run_scoped3A : memref<!tpu.dma_semaphore, #tpu.memory_space<semaphore_mem>>)
      %dma_wait3A = arith.constant 0 : i32
      %dma_wait3A_77 = arith.constant 0 : i32
      %dma_wait3A_78 = tpu.memref_slice %arg4[%arg1, %dma_wait3A, %dma_wait3A_77] : memref<16x250x80xi32, #tpu.memory_space<hbm>> -> memref<1x250x80xi32, #tpu.memory_space<hbm>>
      %dma_wait3A_79 = tpu.memref_squeeze %dma_wait3A_78 : memref<1x250x80xi32, #tpu.memory_space<hbm>> -> memref<250x80xi32, #tpu.memory_space<hbm>>
      %dma_wait3A_80 = arith.constant 0 : i32
      %dma_wait3A_81 = arith.constant 0 : i32
      %dma_wait3A_82 = tpu.memref_slice %arg4[%arg1, %dma_wait3A_80, %dma_wait3A_81] : memref<16x250x80xi32, #tpu.memory_space<hbm>> -> memref<1x250x80xi32, #tpu.memory_space<hbm>>
      %dma_wait3A_83 = tpu.memref_squeeze %dma_wait3A_82 : memref<1x250x80xi32, #tpu.memory_space<hbm>> -> memref<250x80xi32, #tpu.memory_space<hbm>>
      tpu.wait_dma2 semaphore(%run_scoped3A : memref<!tpu.dma_semaphore, #tpu.memory_space<semaphore_mem>>) src(%dma_wait3A_83 : memref<250x80xi32, #tpu.memory_space<hbm>>) dst(%arg8 : memref<250x80xi32, #tpu.memory_space<vmem>>)
      tpu.yield
    }) : () -> ()
    %dma_start3A = arith.constant 0 : i32
    %dma_start3A_3 = arith.constant 0 : i32
    %dma_start3A_4 = arith.constant 0 : i32
    %dma_start3A_5 = arith.constant 0 : i32
    %dma_start3A_6 = tpu.memref_slice %arg9[%dma_start3A_3, %dma_start3A_4, %dma_start3A_5] : memref<5x80x64xf32, #tpu.memory_space<vmem>> -> memref<1x80x64xf32, #tpu.memory_space<vmem>>
    %dma_start3A_7 = tpu.memref_squeeze %dma_start3A_6 : memref<1x80x64xf32, #tpu.memory_space<vmem>> -> memref<80x64xf32, #tpu.memory_space<vmem>>
    %dma_start3A_8 = arith.constant 0 : i32
    %dma_start3A_9 = tpu.memref_slice %arg7[%dma_start3A, %dma_start3A_8] : memref<250x80xi32, #tpu.memory_space<vmem>> -> memref<1x80xi32, #tpu.memory_space<vmem>>
    %dma_start3A_10 = tpu.memref_squeeze %dma_start3A_9 : memref<1x80xi32, #tpu.memory_space<vmem>> -> memref<80xi32, #tpu.memory_space<vmem>>
    %dma_start3A_11 = arith.constant 0 : i32
    %dma_start3A_12 = arith.constant 0 : i32
    %dma_start3A_13 = tpu.memref_slice %arg2[%dma_start3A_11, %dma_start3A_12] : memref<20000x64xf32, #tpu.memory_space<hbm>> -> memref<20000x64xf32, #tpu.memory_space<hbm>>
    tpu.enqueue_indirect_dma source(%dma_start3A_13 : memref<20000x64xf32, #tpu.memory_space<hbm>>) target(%dma_start3A_7 : memref<80x64xf32, #tpu.memory_space<vmem>>) offsets(%dma_start3A_10 : memref<80xi32, #tpu.memory_space<vmem>>) semaphore(%arg10 : memref<!tpu.dma_semaphore, #tpu.memory_space<semaphore_mem>>)
    %dma_start3A_14 = arith.constant 1 : i32
    %dma_start3A_15 = arith.constant 1 : i32
    %dma_start3A_16 = arith.constant 0 : i32
    %dma_start3A_17 = arith.constant 0 : i32
    %dma_start3A_18 = tpu.memref_slice %arg9[%dma_start3A_15, %dma_start3A_16, %dma_start3A_17] : memref<5x80x64xf32, #tpu.memory_space<vmem>> -> memref<1x80x64xf32, #tpu.memory_space<vmem>>
    %dma_start3A_19 = tpu.memref_squeeze %dma_start3A_18 : memref<1x80x64xf32, #tpu.memory_space<vmem>> -> memref<80x64xf32, #tpu.memory_space<vmem>>
    %dma_start3A_20 = arith.constant 0 : i32
    %dma_start3A_21 = tpu.memref_slice %arg7[%dma_start3A_14, %dma_start3A_20] : memref<250x80xi32, #tpu.memory_space<vmem>> -> memref<1x80xi32, #tpu.memory_space<vmem>>
    %dma_start3A_22 = tpu.memref_squeeze %dma_start3A_21 : memref<1x80xi32, #tpu.memory_space<vmem>> -> memref<80xi32, #tpu.memory_space<vmem>>
    %dma_start3A_23 = arith.constant 0 : i32
    %dma_start3A_24 = arith.constant 0 : i32
    %dma_start3A_25 = tpu.memref_slice %arg2[%dma_start3A_23, %dma_start3A_24] : memref<20000x64xf32, #tpu.memory_space<hbm>> -> memref<20000x64xf32, #tpu.memory_space<hbm>>
    tpu.enqueue_indirect_dma source(%dma_start3A_25 : memref<20000x64xf32, #tpu.memory_space<hbm>>) target(%dma_start3A_19 : memref<80x64xf32, #tpu.memory_space<vmem>>) offsets(%dma_start3A_22 : memref<80xi32, #tpu.memory_space<vmem>>) semaphore(%arg11 : memref<!tpu.dma_semaphore, #tpu.memory_space<semaphore_mem>>)
    %dma_start3A_26 = arith.constant 2 : i32
    %dma_start3A_27 = arith.constant 2 : i32
    %dma_start3A_28 = arith.constant 0 : i32
    %dma_start3A_29 = arith.constant 0 : i32
    %dma_start3A_30 = tpu.memref_slice %arg9[%dma_start3A_27, %dma_start3A_28, %dma_start3A_29] : memref<5x80x64xf32, #tpu.memory_space<vmem>> -> memref<1x80x64xf32, #tpu.memory_space<vmem>>
    %dma_start3A_31 = tpu.memref_squeeze %dma_start3A_30 : memref<1x80x64xf32, #tpu.memory_space<vmem>> -> memref<80x64xf32, #tpu.memory_space<vmem>>
    %dma_start3A_32 = arith.constant 0 : i32
    %dma_start3A_33 = tpu.memref_slice %arg7[%dma_start3A_26, %dma_start3A_32] : memref<250x80xi32, #tpu.memory_space<vmem>> -> memref<1x80xi32, #tpu.memory_space<vmem>>
    %dma_start3A_34 = tpu.memref_squeeze %dma_start3A_33 : memref<1x80xi32, #tpu.memory_space<vmem>> -> memref<80xi32, #tpu.memory_space<vmem>>
    %dma_start3A_35 = arith.constant 0 : i32
    %dma_start3A_36 = arith.constant 0 : i32
    %dma_start3A_37 = tpu.memref_slice %arg2[%dma_start3A_35, %dma_start3A_36] : memref<20000x64xf32, #tpu.memory_space<hbm>> -> memref<20000x64xf32, #tpu.memory_space<hbm>>
    tpu.enqueue_indirect_dma source(%dma_start3A_37 : memref<20000x64xf32, #tpu.memory_space<hbm>>) target(%dma_start3A_31 : memref<80x64xf32, #tpu.memory_space<vmem>>) offsets(%dma_start3A_34 : memref<80xi32, #tpu.memory_space<vmem>>) semaphore(%arg12 : memref<!tpu.dma_semaphore, #tpu.memory_space<semaphore_mem>>)
    %dma_start3A_38 = arith.constant 3 : i32
    %dma_start3A_39 = arith.constant 3 : i32
    %dma_start3A_40 = arith.constant 0 : i32
    %dma_start3A_41 = arith.constant 0 : i32
    %dma_start3A_42 = tpu.memref_slice %arg9[%dma_start3A_39, %dma_start3A_40, %dma_start3A_41] : memref<5x80x64xf32, #tpu.memory_space<vmem>> -> memref<1x80x64xf32, #tpu.memory_space<vmem>>
    %dma_start3A_43 = tpu.memref_squeeze %dma_start3A_42 : memref<1x80x64xf32, #tpu.memory_space<vmem>> -> memref<80x64xf32, #tpu.memory_space<vmem>>
    %dma_start3A_44 = arith.constant 0 : i32
    %dma_start3A_45 = tpu.memref_slice %arg7[%dma_start3A_38, %dma_start3A_44] : memref<250x80xi32, #tpu.memory_space<vmem>> -> memref<1x80xi32, #tpu.memory_space<vmem>>
    %dma_start3A_46 = tpu.memref_squeeze %dma_start3A_45 : memref<1x80xi32, #tpu.memory_space<vmem>> -> memref<80xi32, #tpu.memory_space<vmem>>
    %dma_start3A_47 = arith.constant 0 : i32
    %dma_start3A_48 = arith.constant 0 : i32
    %dma_start3A_49 = tpu.memref_slice %arg2[%dma_start3A_47, %dma_start3A_48] : memref<20000x64xf32, #tpu.memory_space<hbm>> -> memref<20000x64xf32, #tpu.memory_space<hbm>>
    tpu.enqueue_indirect_dma source(%dma_start3A_49 : memref<20000x64xf32, #tpu.memory_space<hbm>>) target(%dma_start3A_43 : memref<80x64xf32, #tpu.memory_space<vmem>>) offsets(%dma_start3A_46 : memref<80xi32, #tpu.memory_space<vmem>>) semaphore(%arg13 : memref<!tpu.dma_semaphore, #tpu.memory_space<semaphore_mem>>)
    %dma_start3A_50 = arith.constant 4 : i32
    %dma_start3A_51 = arith.constant 4 : i32
    %dma_start3A_52 = arith.constant 0 : i32
    %dma_start3A_53 = arith.constant 0 : i32
    %dma_start3A_54 = tpu.memref_slice %arg9[%dma_start3A_51, %dma_start3A_52, %dma_start3A_53] : memref<5x80x64xf32, #tpu.memory_space<vmem>> -> memref<1x80x64xf32, #tpu.memory_space<vmem>>
    %dma_start3A_55 = tpu.memref_squeeze %dma_start3A_54 : memref<1x80x64xf32, #tpu.memory_space<vmem>> -> memref<80x64xf32, #tpu.memory_space<vmem>>
    %dma_start3A_56 = arith.constant 0 : i32
    %dma_start3A_57 = tpu.memref_slice %arg7[%dma_start3A_50, %dma_start3A_56] : memref<250x80xi32, #tpu.memory_space<vmem>> -> memref<1x80xi32, #tpu.memory_space<vmem>>
    %dma_start3A_58 = tpu.memref_squeeze %dma_start3A_57 : memref<1x80xi32, #tpu.memory_space<vmem>> -> memref<80xi32, #tpu.memory_space<vmem>>
    %dma_start3A_59 = arith.constant 0 : i32
    %dma_start3A_60 = arith.constant 0 : i32
    %dma_start3A_61 = tpu.memref_slice %arg2[%dma_start3A_59, %dma_start3A_60] : memref<20000x64xf32, #tpu.memory_space<hbm>> -> memref<20000x64xf32, #tpu.memory_space<hbm>>
    tpu.enqueue_indirect_dma source(%dma_start3A_61 : memref<20000x64xf32, #tpu.memory_space<hbm>>) target(%dma_start3A_55 : memref<80x64xf32, #tpu.memory_space<vmem>>) offsets(%dma_start3A_58 : memref<80xi32, #tpu.memory_space<vmem>>) semaphore(%arg14 : memref<!tpu.dma_semaphore, #tpu.memory_space<semaphore_mem>>)
    "tpu.region"() ({
      %run_scoped3A = tpu.sem_alloc : memref<!tpu.dma_semaphore, #tpu.memory_space<semaphore_mem>>
      %dma_start3A_69 = arith.constant 0 : i32
      %dma_start3A_70 = tpu.memref_slice %arg15[%mul3A_2, %dma_start3A_69] : memref<10240x64xf32, #tpu.memory_space<vmem_shared>> -> memref<640x64xf32, #tpu.memory_space<vmem_shared>>
      %dma_start3A_71 = arith.constant 0 : i32
      %dma_start3A_72 = tpu.memref_slice %arg5[%mul3A_2, %dma_start3A_71] : memref<10240x64xf32, #tpu.memory_space<hbm>> -> memref<640x64xf32, #tpu.memory_space<hbm>>
      tpu.enqueue_dma source(%dma_start3A_72 : memref<640x64xf32, #tpu.memory_space<hbm>>) target(%dma_start3A_70 : memref<640x64xf32, #tpu.memory_space<vmem_shared>>) target_semaphore(%run_scoped3A : memref<!tpu.dma_semaphore, #tpu.memory_space<semaphore_mem>>)
      %dma_wait3A = arith.constant 0 : i32
      %dma_wait3A_73 = tpu.memref_slice %arg15[%mul3A_2, %dma_wait3A] : memref<10240x64xf32, #tpu.memory_space<vmem_shared>> -> memref<640x64xf32, #tpu.memory_space<vmem_shared>>
      %dma_wait3A_74 = arith.constant 0 : i32
      %dma_wait3A_75 = tpu.memref_slice %arg5[%mul3A_2, %dma_wait3A_74] : memref<10240x64xf32, #tpu.memory_space<hbm>> -> memref<640x64xf32, #tpu.memory_space<hbm>>
      tpu.wait_dma2 semaphore(%run_scoped3A : memref<!tpu.dma_semaphore, #tpu.memory_space<semaphore_mem>>) src(%dma_wait3A_75 : memref<640x64xf32, #tpu.memory_space<hbm>>) dst(%dma_wait3A_73 : memref<640x64xf32, #tpu.memory_space<vmem_shared>>)
      tpu.yield
    }) : () -> ()
    %barrier3A = arith.constant 0 : index
    tpu.barrier barrier_id(%barrier3A)
    %scan3A = arith.constant 0 : i32
    %scan3A_62 = arith.constant 50 : i32
    %scan3A_63 = arith.addi %scan3A, %scan3A_62 : i32
    %scan3A_64 = arith.constant 1 : i32
    scf.for %scan3A_69 = %scan3A to %scan3A_63 step %scan3A_64  : i32 {
      %mul3A_70 = arith.constant 5 : i32
      %mul3A_71 = arith.muli %scan3A_69, %mul3A_70 : i32
      %add3A_72 = arith.constant 0 : i32
      %add3A_73 = arith.addi %add3A_72, %mul3A_71 : i32
      %add3A_74 = arith.constant 0 : i32
      %add3A_75 = arith.addi %add3A_73, %add3A_74 : i32
      %add3A_76 = arith.constant 5 : i32
      %add3A_77 = arith.addi %add3A_75, %add3A_76 : i32
      %dma_wait3A = arith.constant 0 : i32
      %dma_wait3A_78 = arith.constant 0 : i32
      %dma_wait3A_79 = arith.constant 0 : i32
      %dma_wait3A_80 = tpu.memref_slice %arg9[%dma_wait3A, %dma_wait3A_78, %dma_wait3A_79] : memref<5x80x64xf32, #tpu.memory_space<vmem>> -> memref<1x80x64xf32, #tpu.memory_space<vmem>>
      %dma_wait3A_81 = tpu.memref_squeeze %dma_wait3A_80 : memref<1x80x64xf32, #tpu.memory_space<vmem>> -> memref<80x64xf32, #tpu.memory_space<vmem>>
      %dma_wait3A_82 = arith.constant 0 : i32
      %dma_wait3A_83 = arith.constant 0 : i32
      %dma_wait3A_84 = tpu.memref_slice %arg2[%dma_wait3A_82, %dma_wait3A_83] : memref<20000x64xf32, #tpu.memory_space<hbm>> -> memref<80x64xf32, #tpu.memory_space<hbm>>
      %dma_wait3A_85 = arith.constant 0 : i32
      %dma_wait3A_86 = arith.constant 0 : i32
      %dma_wait3A_87 = tpu.memref_slice %arg9[%dma_wait3A, %dma_wait3A_85, %dma_wait3A_86] : memref<5x80x64xf32, #tpu.memory_space<vmem>> -> memref<1x80x64xf32, #tpu.memory_space<vmem>>
      %dma_wait3A_88 = tpu.memref_squeeze %dma_wait3A_87 : memref<1x80x64xf32, #tpu.memory_space<vmem>> -> memref<80x64xf32, #tpu.memory_space<vmem>>
      %dma_wait3A_89 = arith.constant 0 : i32
      %dma_wait3A_90 = arith.constant 0 : i32
      %dma_wait3A_91 = tpu.memref_slice %arg2[%dma_wait3A_89, %dma_wait3A_90] : memref<20000x64xf32, #tpu.memory_space<hbm>> -> memref<80x64xf32, #tpu.memory_space<hbm>>
      tpu.wait_dma2 semaphore(%arg10 : memref<!tpu.dma_semaphore, #tpu.memory_space<semaphore_mem>>) src(%dma_wait3A_91 : memref<80x64xf32, #tpu.memory_space<hbm>>) dst(%dma_wait3A_88 : memref<80x64xf32, #tpu.memory_space<vmem>>)
      %run_scoped3A = arith.constant 0 : i32
      "tpu.region"() ({
        %run_scoped3A_194 = tpu.sem_alloc : memref<!tpu.dma_semaphore, #tpu.memory_space<semaphore_mem>>
        %dma_start3A_195 = arith.constant 0 : i32
        %dma_start3A_196 = arith.constant 0 : i32
        %dma_start3A_197 = tpu.memref_slice %arg9[%run_scoped3A, %dma_start3A_195, %dma_start3A_196] : memref<5x80x64xf32, #tpu.memory_space<vmem>> -> memref<1x80x64xf32, #tpu.memory_space<vmem>>
        %dma_start3A_198 = tpu.memref_squeeze %dma_start3A_197 : memref<1x80x64xf32, #tpu.memory_space<vmem>> -> memref<80x64xf32, #tpu.memory_space<vmem>>
        %dma_start3A_199 = arith.constant 0 : i32
        %dma_start3A_200 = tpu.memref_slice %arg8[%add3A_75, %dma_start3A_199] : memref<250x80xi32, #tpu.memory_space<vmem>> -> memref<1x80xi32, #tpu.memory_space<vmem>>
        %dma_start3A_201 = tpu.memref_squeeze %dma_start3A_200 : memref<1x80xi32, #tpu.memory_space<vmem>> -> memref<80xi32, #tpu.memory_space<vmem>>
        %dma_start3A_202 = arith.constant 0 : i32
        %dma_start3A_203 = arith.constant 0 : i32
        %dma_start3A_204 = tpu.memref_slice %arg15[%dma_start3A_202, %dma_start3A_203] : memref<10240x64xf32, #tpu.memory_space<vmem_shared>> -> memref<10240x64xf32, #tpu.memory_space<vmem_shared>>
        tpu.enqueue_indirect_dma source(%dma_start3A_198 : memref<80x64xf32, #tpu.memory_space<vmem>>) target(%dma_start3A_204 : memref<10240x64xf32, #tpu.memory_space<vmem_shared>>) offsets(%dma_start3A_201 : memref<80xi32, #tpu.memory_space<vmem>>) semaphore(%run_scoped3A_194 : memref<!tpu.dma_semaphore, #tpu.memory_space<semaphore_mem>>) {add = true}
        %dma_wait3A_205 = arith.constant 0 : i32
        %dma_wait3A_206 = arith.constant 0 : i32
        %dma_wait3A_207 = tpu.memref_slice %arg9[%run_scoped3A, %dma_wait3A_205, %dma_wait3A_206] : memref<5x80x64xf32, #tpu.memory_space<vmem>> -> memref<1x80x64xf32, #tpu.memory_space<vmem>>
        %dma_wait3A_208 = tpu.memref_squeeze %dma_wait3A_207 : memref<1x80x64xf32, #tpu.memory_space<vmem>> -> memref<80x64xf32, #tpu.memory_space<vmem>>
        %dma_wait3A_209 = arith.constant 0 : i32
        %dma_wait3A_210 = tpu.memref_slice %arg8[%add3A_75, %dma_wait3A_209] : memref<250x80xi32, #tpu.memory_space<vmem>> -> memref<1x80xi32, #tpu.memory_space<vmem>>
        %dma_wait3A_211 = tpu.memref_squeeze %dma_wait3A_210 : memref<1x80xi32, #tpu.memory_space<vmem>> -> memref<80xi32, #tpu.memory_space<vmem>>
        %dma_wait3A_212 = arith.constant 0 : i32
        %dma_wait3A_213 = arith.constant 0 : i32
        %dma_wait3A_214 = tpu.memref_slice %arg15[%dma_wait3A_212, %dma_wait3A_213] : memref<10240x64xf32, #tpu.memory_space<vmem_shared>> -> memref<10240x64xf32, #tpu.memory_space<vmem_shared>>
        tpu.wait_indirect_dma semaphore(%run_scoped3A_194 : memref<!tpu.dma_semaphore, #tpu.memory_space<semaphore_mem>>) src(%dma_wait3A_208 : memref<80x64xf32, #tpu.memory_space<vmem>>) dst(%dma_wait3A_214 : memref<10240x64xf32, #tpu.memory_space<vmem_shared>>)
        tpu.yield
      }) : () -> ()
      %lt3A = arith.constant 250 : i32
      %lt3A_92 = arith.cmpi slt, %add3A_77, %lt3A : i32
      %convert_element_type3A = arith.extui %lt3A_92 : i1 to i32
      %cond3A = arith.constant 0 : i32
      %cond3A_93 = arith.cmpi ne, %convert_element_type3A, %cond3A : i32
      scf.if %cond3A_93 {
        %dma_start3A_194 = arith.constant 0 : i32
        %dma_start3A_195 = arith.constant 0 : i32
        %dma_start3A_196 = arith.constant 0 : i32
        %dma_start3A_197 = tpu.memref_slice %arg9[%dma_start3A_194, %dma_start3A_195, %dma_start3A_196] : memref<5x80x64xf32, #tpu.memory_space<vmem>> -> memref<1x80x64xf32, #tpu.memory_space<vmem>>
        %dma_start3A_198 = tpu.memref_squeeze %dma_start3A_197 : memref<1x80x64xf32, #tpu.memory_space<vmem>> -> memref<80x64xf32, #tpu.memory_space<vmem>>
        %dma_start3A_199 = arith.constant 0 : i32
        %dma_start3A_200 = tpu.memref_slice %arg7[%add3A_77, %dma_start3A_199] : memref<250x80xi32, #tpu.memory_space<vmem>> -> memref<1x80xi32, #tpu.memory_space<vmem>>
        %dma_start3A_201 = tpu.memref_squeeze %dma_start3A_200 : memref<1x80xi32, #tpu.memory_space<vmem>> -> memref<80xi32, #tpu.memory_space<vmem>>
        %dma_start3A_202 = arith.constant 0 : i32
        %dma_start3A_203 = arith.constant 0 : i32
        %dma_start3A_204 = tpu.memref_slice %arg2[%dma_start3A_202, %dma_start3A_203] : memref<20000x64xf32, #tpu.memory_space<hbm>> -> memref<20000x64xf32, #tpu.memory_space<hbm>>
        tpu.enqueue_indirect_dma source(%dma_start3A_204 : memref<20000x64xf32, #tpu.memory_space<hbm>>) target(%dma_start3A_198 : memref<80x64xf32, #tpu.memory_space<vmem>>) offsets(%dma_start3A_201 : memref<80xi32, #tpu.memory_space<vmem>>) semaphore(%arg10 : memref<!tpu.dma_semaphore, #tpu.memory_space<semaphore_mem>>)
      } else {
      }
      %add3A_94 = arith.constant 1 : i32
      %add3A_95 = arith.addi %add3A_73, %add3A_94 : i32
      %add3A_96 = arith.constant 5 : i32
      %add3A_97 = arith.addi %add3A_95, %add3A_96 : i32
      %dma_wait3A_98 = arith.constant 1 : i32
      %dma_wait3A_99 = arith.constant 0 : i32
      %dma_wait3A_100 = arith.constant 0 : i32
      %dma_wait3A_101 = tpu.memref_slice %arg9[%dma_wait3A_98, %dma_wait3A_99, %dma_wait3A_100] : memref<5x80x64xf32, #tpu.memory_space<vmem>> -> memref<1x80x64xf32, #tpu.memory_space<vmem>>
      %dma_wait3A_102 = tpu.memref_squeeze %dma_wait3A_101 : memref<1x80x64xf32, #tpu.memory_space<vmem>> -> memref<80x64xf32, #tpu.memory_space<vmem>>
      %dma_wait3A_103 = arith.constant 0 : i32
      %dma_wait3A_104 = arith.constant 0 : i32
      %dma_wait3A_105 = tpu.memref_slice %arg2[%dma_wait3A_103, %dma_wait3A_104] : memref<20000x64xf32, #tpu.memory_space<hbm>> -> memref<80x64xf32, #tpu.memory_space<hbm>>
      %dma_wait3A_106 = arith.constant 0 : i32
      %dma_wait3A_107 = arith.constant 0 : i32
      %dma_wait3A_108 = tpu.memref_slice %arg9[%dma_wait3A_98, %dma_wait3A_106, %dma_wait3A_107] : memref<5x80x64xf32, #tpu.memory_space<vmem>> -> memref<1x80x64xf32, #tpu.memory_space<vmem>>
      %dma_wait3A_109 = tpu.memref_squeeze %dma_wait3A_108 : memref<1x80x64xf32, #tpu.memory_space<vmem>> -> memref<80x64xf32, #tpu.memory_space<vmem>>
      %dma_wait3A_110 = arith.constant 0 : i32
      %dma_wait3A_111 = arith.constant 0 : i32
      %dma_wait3A_112 = tpu.memref_slice %arg2[%dma_wait3A_110, %dma_wait3A_111] : memref<20000x64xf32, #tpu.memory_space<hbm>> -> memref<80x64xf32, #tpu.memory_space<hbm>>
      tpu.wait_dma2 semaphore(%arg11 : memref<!tpu.dma_semaphore, #tpu.memory_space<semaphore_mem>>) src(%dma_wait3A_112 : memref<80x64xf32, #tpu.memory_space<hbm>>) dst(%dma_wait3A_109 : memref<80x64xf32, #tpu.memory_space<vmem>>)
      %run_scoped3A_113 = arith.constant 1 : i32
      "tpu.region"() ({
        %run_scoped3A_194 = tpu.sem_alloc : memref<!tpu.dma_semaphore, #tpu.memory_space<semaphore_mem>>
        %dma_start3A_195 = arith.constant 0 : i32
        %dma_start3A_196 = arith.constant 0 : i32
        %dma_start3A_197 = tpu.memref_slice %arg9[%run_scoped3A_113, %dma_start3A_195, %dma_start3A_196] : memref<5x80x64xf32, #tpu.memory_space<vmem>> -> memref<1x80x64xf32, #tpu.memory_space<vmem>>
        %dma_start3A_198 = tpu.memref_squeeze %dma_start3A_197 : memref<1x80x64xf32, #tpu.memory_space<vmem>> -> memref<80x64xf32, #tpu.memory_space<vmem>>
        %dma_start3A_199 = arith.constant 0 : i32
        %dma_start3A_200 = tpu.memref_slice %arg8[%add3A_95, %dma_start3A_199] : memref<250x80xi32, #tpu.memory_space<vmem>> -> memref<1x80xi32, #tpu.memory_space<vmem>>
        %dma_start3A_201 = tpu.memref_squeeze %dma_start3A_200 : memref<1x80xi32, #tpu.memory_space<vmem>> -> memref<80xi32, #tpu.memory_space<vmem>>
        %dma_start3A_202 = arith.constant 0 : i32
        %dma_start3A_203 = arith.constant 0 : i32
        %dma_start3A_204 = tpu.memref_slice %arg15[%dma_start3A_202, %dma_start3A_203] : memref<10240x64xf32, #tpu.memory_space<vmem_shared>> -> memref<10240x64xf32, #tpu.memory_space<vmem_shared>>
        tpu.enqueue_indirect_dma source(%dma_start3A_198 : memref<80x64xf32, #tpu.memory_space<vmem>>) target(%dma_start3A_204 : memref<10240x64xf32, #tpu.memory_space<vmem_shared>>) offsets(%dma_start3A_201 : memref<80xi32, #tpu.memory_space<vmem>>) semaphore(%run_scoped3A_194 : memref<!tpu.dma_semaphore, #tpu.memory_space<semaphore_mem>>) {add = true}
        %dma_wait3A_205 = arith.constant 0 : i32
        %dma_wait3A_206 = arith.constant 0 : i32
        %dma_wait3A_207 = tpu.memref_slice %arg9[%run_scoped3A_113, %dma_wait3A_205, %dma_wait3A_206] : memref<5x80x64xf32, #tpu.memory_space<vmem>> -> memref<1x80x64xf32, #tpu.memory_space<vmem>>
        %dma_wait3A_208 = tpu.memref_squeeze %dma_wait3A_207 : memref<1x80x64xf32, #tpu.memory_space<vmem>> -> memref<80x64xf32, #tpu.memory_space<vmem>>
        %dma_wait3A_209 = arith.constant 0 : i32
        %dma_wait3A_210 = tpu.memref_slice %arg8[%add3A_95, %dma_wait3A_209] : memref<250x80xi32, #tpu.memory_space<vmem>> -> memref<1x80xi32, #tpu.memory_space<vmem>>
        %dma_wait3A_211 = tpu.memref_squeeze %dma_wait3A_210 : memref<1x80xi32, #tpu.memory_space<vmem>> -> memref<80xi32, #tpu.memory_space<vmem>>
        %dma_wait3A_212 = arith.constant 0 : i32
        %dma_wait3A_213 = arith.constant 0 : i32
        %dma_wait3A_214 = tpu.memref_slice %arg15[%dma_wait3A_212, %dma_wait3A_213] : memref<10240x64xf32, #tpu.memory_space<vmem_shared>> -> memref<10240x64xf32, #tpu.memory_space<vmem_shared>>
        tpu.wait_indirect_dma semaphore(%run_scoped3A_194 : memref<!tpu.dma_semaphore, #tpu.memory_space<semaphore_mem>>) src(%dma_wait3A_208 : memref<80x64xf32, #tpu.memory_space<vmem>>) dst(%dma_wait3A_214 : memref<10240x64xf32, #tpu.memory_space<vmem_shared>>)
        tpu.yield
      }) : () -> ()
      %lt3A_114 = arith.constant 250 : i32
      %lt3A_115 = arith.cmpi slt, %add3A_97, %lt3A_114 : i32
      %convert_element_type3A_116 = arith.extui %lt3A_115 : i1 to i32
      %cond3A_117 = arith.constant 0 : i32
      %cond3A_118 = arith.cmpi ne, %convert_element_type3A_116, %cond3A_117 : i32
      scf.if %cond3A_118 {
        %dma_start3A_194 = arith.constant 1 : i32
        %dma_start3A_195 = arith.constant 0 : i32
        %dma_start3A_196 = arith.constant 0 : i32
        %dma_start3A_197 = tpu.memref_slice %arg9[%dma_start3A_194, %dma_start3A_195, %dma_start3A_196] : memref<5x80x64xf32, #tpu.memory_space<vmem>> -> memref<1x80x64xf32, #tpu.memory_space<vmem>>
        %dma_start3A_198 = tpu.memref_squeeze %dma_start3A_197 : memref<1x80x64xf32, #tpu.memory_space<vmem>> -> memref<80x64xf32, #tpu.memory_space<vmem>>
        %dma_start3A_199 = arith.constant 0 : i32
        %dma_start3A_200 = tpu.memref_slice %arg7[%add3A_97, %dma_start3A_199] : memref<250x80xi32, #tpu.memory_space<vmem>> -> memref<1x80xi32, #tpu.memory_space<vmem>>
        %dma_start3A_201 = tpu.memref_squeeze %dma_start3A_200 : memref<1x80xi32, #tpu.memory_space<vmem>> -> memref<80xi32, #tpu.memory_space<vmem>>
        %dma_start3A_202 = arith.constant 0 : i32
        %dma_start3A_203 = arith.constant 0 : i32
        %dma_start3A_204 = tpu.memref_slice %arg2[%dma_start3A_202, %dma_start3A_203] : memref<20000x64xf32, #tpu.memory_space<hbm>> -> memref<20000x64xf32, #tpu.memory_space<hbm>>
        tpu.enqueue_indirect_dma source(%dma_start3A_204 : memref<20000x64xf32, #tpu.memory_space<hbm>>) target(%dma_start3A_198 : memref<80x64xf32, #tpu.memory_space<vmem>>) offsets(%dma_start3A_201 : memref<80xi32, #tpu.memory_space<vmem>>) semaphore(%arg11 : memref<!tpu.dma_semaphore, #tpu.memory_space<semaphore_mem>>)
      } else {
      }
      %add3A_119 = arith.constant 2 : i32
      %add3A_120 = arith.addi %add3A_73, %add3A_119 : i32
      %add3A_121 = arith.constant 5 : i32
      %add3A_122 = arith.addi %add3A_120, %add3A_121 : i32
      %dma_wait3A_123 = arith.constant 2 : i32
      %dma_wait3A_124 = arith.constant 0 : i32
      %dma_wait3A_125 = arith.constant 0 : i32
      %dma_wait3A_126 = tpu.memref_slice %arg9[%dma_wait3A_123, %dma_wait3A_124, %dma_wait3A_125] : memref<5x80x64xf32, #tpu.memory_space<vmem>> -> memref<1x80x64xf32, #tpu.memory_space<vmem>>
      %dma_wait3A_127 = tpu.memref_squeeze %dma_wait3A_126 : memref<1x80x64xf32, #tpu.memory_space<vmem>> -> memref<80x64xf32, #tpu.memory_space<vmem>>
      %dma_wait3A_128 = arith.constant 0 : i32
      %dma_wait3A_129 = arith.constant 0 : i32
      %dma_wait3A_130 = tpu.memref_slice %arg2[%dma_wait3A_128, %dma_wait3A_129] : memref<20000x64xf32, #tpu.memory_space<hbm>> -> memref<80x64xf32, #tpu.memory_space<hbm>>
      %dma_wait3A_131 = arith.constant 0 : i32
      %dma_wait3A_132 = arith.constant 0 : i32
      %dma_wait3A_133 = tpu.memref_slice %arg9[%dma_wait3A_123, %dma_wait3A_131, %dma_wait3A_132] : memref<5x80x64xf32, #tpu.memory_space<vmem>> -> memref<1x80x64xf32, #tpu.memory_space<vmem>>
      %dma_wait3A_134 = tpu.memref_squeeze %dma_wait3A_133 : memref<1x80x64xf32, #tpu.memory_space<vmem>> -> memref<80x64xf32, #tpu.memory_space<vmem>>
      %dma_wait3A_135 = arith.constant 0 : i32
      %dma_wait3A_136 = arith.constant 0 : i32
      %dma_wait3A_137 = tpu.memref_slice %arg2[%dma_wait3A_135, %dma_wait3A_136] : memref<20000x64xf32, #tpu.memory_space<hbm>> -> memref<80x64xf32, #tpu.memory_space<hbm>>
      tpu.wait_dma2 semaphore(%arg12 : memref<!tpu.dma_semaphore, #tpu.memory_space<semaphore_mem>>) src(%dma_wait3A_137 : memref<80x64xf32, #tpu.memory_space<hbm>>) dst(%dma_wait3A_134 : memref<80x64xf32, #tpu.memory_space<vmem>>)
      %run_scoped3A_138 = arith.constant 2 : i32
      "tpu.region"() ({
        %run_scoped3A_194 = tpu.sem_alloc : memref<!tpu.dma_semaphore, #tpu.memory_space<semaphore_mem>>
        %dma_start3A_195 = arith.constant 0 : i32
        %dma_start3A_196 = arith.constant 0 : i32
        %dma_start3A_197 = tpu.memref_slice %arg9[%run_scoped3A_138, %dma_start3A_195, %dma_start3A_196] : memref<5x80x64xf32, #tpu.memory_space<vmem>> -> memref<1x80x64xf32, #tpu.memory_space<vmem>>
        %dma_start3A_198 = tpu.memref_squeeze %dma_start3A_197 : memref<1x80x64xf32, #tpu.memory_space<vmem>> -> memref<80x64xf32, #tpu.memory_space<vmem>>
        %dma_start3A_199 = arith.constant 0 : i32
        %dma_start3A_200 = tpu.memref_slice %arg8[%add3A_120, %dma_start3A_199] : memref<250x80xi32, #tpu.memory_space<vmem>> -> memref<1x80xi32, #tpu.memory_space<vmem>>
        %dma_start3A_201 = tpu.memref_squeeze %dma_start3A_200 : memref<1x80xi32, #tpu.memory_space<vmem>> -> memref<80xi32, #tpu.memory_space<vmem>>
        %dma_start3A_202 = arith.constant 0 : i32
        %dma_start3A_203 = arith.constant 0 : i32
        %dma_start3A_204 = tpu.memref_slice %arg15[%dma_start3A_202, %dma_start3A_203] : memref<10240x64xf32, #tpu.memory_space<vmem_shared>> -> memref<10240x64xf32, #tpu.memory_space<vmem_shared>>
        tpu.enqueue_indirect_dma source(%dma_start3A_198 : memref<80x64xf32, #tpu.memory_space<vmem>>) target(%dma_start3A_204 : memref<10240x64xf32, #tpu.memory_space<vmem_shared>>) offsets(%dma_start3A_201 : memref<80xi32, #tpu.memory_space<vmem>>) semaphore(%run_scoped3A_194 : memref<!tpu.dma_semaphore, #tpu.memory_space<semaphore_mem>>) {add = true}
        %dma_wait3A_205 = arith.constant 0 : i32
        %dma_wait3A_206 = arith.constant 0 : i32
        %dma_wait3A_207 = tpu.memref_slice %arg9[%run_scoped3A_138, %dma_wait3A_205, %dma_wait3A_206] : memref<5x80x64xf32, #tpu.memory_space<vmem>> -> memref<1x80x64xf32, #tpu.memory_space<vmem>>
        %dma_wait3A_208 = tpu.memref_squeeze %dma_wait3A_207 : memref<1x80x64xf32, #tpu.memory_space<vmem>> -> memref<80x64xf32, #tpu.memory_space<vmem>>
        %dma_wait3A_209 = arith.constant 0 : i32
        %dma_wait3A_210 = tpu.memref_slice %arg8[%add3A_120, %dma_wait3A_209] : memref<250x80xi32, #tpu.memory_space<vmem>> -> memref<1x80xi32, #tpu.memory_space<vmem>>
        %dma_wait3A_211 = tpu.memref_squeeze %dma_wait3A_210 : memref<1x80xi32, #tpu.memory_space<vmem>> -> memref<80xi32, #tpu.memory_space<vmem>>
        %dma_wait3A_212 = arith.constant 0 : i32
        %dma_wait3A_213 = arith.constant 0 : i32
        %dma_wait3A_214 = tpu.memref_slice %arg15[%dma_wait3A_212, %dma_wait3A_213] : memref<10240x64xf32, #tpu.memory_space<vmem_shared>> -> memref<10240x64xf32, #tpu.memory_space<vmem_shared>>
        tpu.wait_indirect_dma semaphore(%run_scoped3A_194 : memref<!tpu.dma_semaphore, #tpu.memory_space<semaphore_mem>>) src(%dma_wait3A_208 : memref<80x64xf32, #tpu.memory_space<vmem>>) dst(%dma_wait3A_214 : memref<10240x64xf32, #tpu.memory_space<vmem_shared>>)
        tpu.yield
      }) : () -> ()
      %lt3A_139 = arith.constant 250 : i32
      %lt3A_140 = arith.cmpi slt, %add3A_122, %lt3A_139 : i32
      %convert_element_type3A_141 = arith.extui %lt3A_140 : i1 to i32
      %cond3A_142 = arith.constant 0 : i32
      %cond3A_143 = arith.cmpi ne, %convert_element_type3A_141, %cond3A_142 : i32
      scf.if %cond3A_143 {
        %dma_start3A_194 = arith.constant 2 : i32
        %dma_start3A_195 = arith.constant 0 : i32
        %dma_start3A_196 = arith.constant 0 : i32
        %dma_start3A_197 = tpu.memref_slice %arg9[%dma_start3A_194, %dma_start3A_195, %dma_start3A_196] : memref<5x80x64xf32, #tpu.memory_space<vmem>> -> memref<1x80x64xf32, #tpu.memory_space<vmem>>
        %dma_start3A_198 = tpu.memref_squeeze %dma_start3A_197 : memref<1x80x64xf32, #tpu.memory_space<vmem>> -> memref<80x64xf32, #tpu.memory_space<vmem>>
        %dma_start3A_199 = arith.constant 0 : i32
        %dma_start3A_200 = tpu.memref_slice %arg7[%add3A_122, %dma_start3A_199] : memref<250x80xi32, #tpu.memory_space<vmem>> -> memref<1x80xi32, #tpu.memory_space<vmem>>
        %dma_start3A_201 = tpu.memref_squeeze %dma_start3A_200 : memref<1x80xi32, #tpu.memory_space<vmem>> -> memref<80xi32, #tpu.memory_space<vmem>>
        %dma_start3A_202 = arith.constant 0 : i32
        %dma_start3A_203 = arith.constant 0 : i32
        %dma_start3A_204 = tpu.memref_slice %arg2[%dma_start3A_202, %dma_start3A_203] : memref<20000x64xf32, #tpu.memory_space<hbm>> -> memref<20000x64xf32, #tpu.memory_space<hbm>>
        tpu.enqueue_indirect_dma source(%dma_start3A_204 : memref<20000x64xf32, #tpu.memory_space<hbm>>) target(%dma_start3A_198 : memref<80x64xf32, #tpu.memory_space<vmem>>) offsets(%dma_start3A_201 : memref<80xi32, #tpu.memory_space<vmem>>) semaphore(%arg12 : memref<!tpu.dma_semaphore, #tpu.memory_space<semaphore_mem>>)
      } else {
      }
      %add3A_144 = arith.constant 3 : i32
      %add3A_145 = arith.addi %add3A_73, %add3A_144 : i32
      %add3A_146 = arith.constant 5 : i32
      %add3A_147 = arith.addi %add3A_145, %add3A_146 : i32
      %dma_wait3A_148 = arith.constant 3 : i32
      %dma_wait3A_149 = arith.constant 0 : i32
      %dma_wait3A_150 = arith.constant 0 : i32
      %dma_wait3A_151 = tpu.memref_slice %arg9[%dma_wait3A_148, %dma_wait3A_149, %dma_wait3A_150] : memref<5x80x64xf32, #tpu.memory_space<vmem>> -> memref<1x80x64xf32, #tpu.memory_space<vmem>>
      %dma_wait3A_152 = tpu.memref_squeeze %dma_wait3A_151 : memref<1x80x64xf32, #tpu.memory_space<vmem>> -> memref<80x64xf32, #tpu.memory_space<vmem>>
      %dma_wait3A_153 = arith.constant 0 : i32
      %dma_wait3A_154 = arith.constant 0 : i32
      %dma_wait3A_155 = tpu.memref_slice %arg2[%dma_wait3A_153, %dma_wait3A_154] : memref<20000x64xf32, #tpu.memory_space<hbm>> -> memref<80x64xf32, #tpu.memory_space<hbm>>
      %dma_wait3A_156 = arith.constant 0 : i32
      %dma_wait3A_157 = arith.constant 0 : i32
      %dma_wait3A_158 = tpu.memref_slice %arg9[%dma_wait3A_148, %dma_wait3A_156, %dma_wait3A_157] : memref<5x80x64xf32, #tpu.memory_space<vmem>> -> memref<1x80x64xf32, #tpu.memory_space<vmem>>
      %dma_wait3A_159 = tpu.memref_squeeze %dma_wait3A_158 : memref<1x80x64xf32, #tpu.memory_space<vmem>> -> memref<80x64xf32, #tpu.memory_space<vmem>>
      %dma_wait3A_160 = arith.constant 0 : i32
      %dma_wait3A_161 = arith.constant 0 : i32
      %dma_wait3A_162 = tpu.memref_slice %arg2[%dma_wait3A_160, %dma_wait3A_161] : memref<20000x64xf32, #tpu.memory_space<hbm>> -> memref<80x64xf32, #tpu.memory_space<hbm>>
      tpu.wait_dma2 semaphore(%arg13 : memref<!tpu.dma_semaphore, #tpu.memory_space<semaphore_mem>>) src(%dma_wait3A_162 : memref<80x64xf32, #tpu.memory_space<hbm>>) dst(%dma_wait3A_159 : memref<80x64xf32, #tpu.memory_space<vmem>>)
      %run_scoped3A_163 = arith.constant 3 : i32
      "tpu.region"() ({
        %run_scoped3A_194 = tpu.sem_alloc : memref<!tpu.dma_semaphore, #tpu.memory_space<semaphore_mem>>
        %dma_start3A_195 = arith.constant 0 : i32
        %dma_start3A_196 = arith.constant 0 : i32
        %dma_start3A_197 = tpu.memref_slice %arg9[%run_scoped3A_163, %dma_start3A_195, %dma_start3A_196] : memref<5x80x64xf32, #tpu.memory_space<vmem>> -> memref<1x80x64xf32, #tpu.memory_space<vmem>>
        %dma_start3A_198 = tpu.memref_squeeze %dma_start3A_197 : memref<1x80x64xf32, #tpu.memory_space<vmem>> -> memref<80x64xf32, #tpu.memory_space<vmem>>
        %dma_start3A_199 = arith.constant 0 : i32
        %dma_start3A_200 = tpu.memref_slice %arg8[%add3A_145, %dma_start3A_199] : memref<250x80xi32, #tpu.memory_space<vmem>> -> memref<1x80xi32, #tpu.memory_space<vmem>>
        %dma_start3A_201 = tpu.memref_squeeze %dma_start3A_200 : memref<1x80xi32, #tpu.memory_space<vmem>> -> memref<80xi32, #tpu.memory_space<vmem>>
        %dma_start3A_202 = arith.constant 0 : i32
        %dma_start3A_203 = arith.constant 0 : i32
        %dma_start3A_204 = tpu.memref_slice %arg15[%dma_start3A_202, %dma_start3A_203] : memref<10240x64xf32, #tpu.memory_space<vmem_shared>> -> memref<10240x64xf32, #tpu.memory_space<vmem_shared>>
        tpu.enqueue_indirect_dma source(%dma_start3A_198 : memref<80x64xf32, #tpu.memory_space<vmem>>) target(%dma_start3A_204 : memref<10240x64xf32, #tpu.memory_space<vmem_shared>>) offsets(%dma_start3A_201 : memref<80xi32, #tpu.memory_space<vmem>>) semaphore(%run_scoped3A_194 : memref<!tpu.dma_semaphore, #tpu.memory_space<semaphore_mem>>) {add = true}
        %dma_wait3A_205 = arith.constant 0 : i32
        %dma_wait3A_206 = arith.constant 0 : i32
        %dma_wait3A_207 = tpu.memref_slice %arg9[%run_scoped3A_163, %dma_wait3A_205, %dma_wait3A_206] : memref<5x80x64xf32, #tpu.memory_space<vmem>> -> memref<1x80x64xf32, #tpu.memory_space<vmem>>
        %dma_wait3A_208 = tpu.memref_squeeze %dma_wait3A_207 : memref<1x80x64xf32, #tpu.memory_space<vmem>> -> memref<80x64xf32, #tpu.memory_space<vmem>>
        %dma_wait3A_209 = arith.constant 0 : i32
        %dma_wait3A_210 = tpu.memref_slice %arg8[%add3A_145, %dma_wait3A_209] : memref<250x80xi32, #tpu.memory_space<vmem>> -> memref<1x80xi32, #tpu.memory_space<vmem>>
        %dma_wait3A_211 = tpu.memref_squeeze %dma_wait3A_210 : memref<1x80xi32, #tpu.memory_space<vmem>> -> memref<80xi32, #tpu.memory_space<vmem>>
        %dma_wait3A_212 = arith.constant 0 : i32
        %dma_wait3A_213 = arith.constant 0 : i32
        %dma_wait3A_214 = tpu.memref_slice %arg15[%dma_wait3A_212, %dma_wait3A_213] : memref<10240x64xf32, #tpu.memory_space<vmem_shared>> -> memref<10240x64xf32, #tpu.memory_space<vmem_shared>>
        tpu.wait_indirect_dma semaphore(%run_scoped3A_194 : memref<!tpu.dma_semaphore, #tpu.memory_space<semaphore_mem>>) src(%dma_wait3A_208 : memref<80x64xf32, #tpu.memory_space<vmem>>) dst(%dma_wait3A_214 : memref<10240x64xf32, #tpu.memory_space<vmem_shared>>)
        tpu.yield
      }) : () -> ()
      %lt3A_164 = arith.constant 250 : i32
      %lt3A_165 = arith.cmpi slt, %add3A_147, %lt3A_164 : i32
      %convert_element_type3A_166 = arith.extui %lt3A_165 : i1 to i32
      %cond3A_167 = arith.constant 0 : i32
      %cond3A_168 = arith.cmpi ne, %convert_element_type3A_166, %cond3A_167 : i32
      scf.if %cond3A_168 {
        %dma_start3A_194 = arith.constant 3 : i32
        %dma_start3A_195 = arith.constant 0 : i32
        %dma_start3A_196 = arith.constant 0 : i32
        %dma_start3A_197 = tpu.memref_slice %arg9[%dma_start3A_194, %dma_start3A_195, %dma_start3A_196] : memref<5x80x64xf32, #tpu.memory_space<vmem>> -> memref<1x80x64xf32, #tpu.memory_space<vmem>>
        %dma_start3A_198 = tpu.memref_squeeze %dma_start3A_197 : memref<1x80x64xf32, #tpu.memory_space<vmem>> -> memref<80x64xf32, #tpu.memory_space<vmem>>
        %dma_start3A_199 = arith.constant 0 : i32
        %dma_start3A_200 = tpu.memref_slice %arg7[%add3A_147, %dma_start3A_199] : memref<250x80xi32, #tpu.memory_space<vmem>> -> memref<1x80xi32, #tpu.memory_space<vmem>>
        %dma_start3A_201 = tpu.memref_squeeze %dma_start3A_200 : memref<1x80xi32, #tpu.memory_space<vmem>> -> memref<80xi32, #tpu.memory_space<vmem>>
        %dma_start3A_202 = arith.constant 0 : i32
        %dma_start3A_203 = arith.constant 0 : i32
        %dma_start3A_204 = tpu.memref_slice %arg2[%dma_start3A_202, %dma_start3A_203] : memref<20000x64xf32, #tpu.memory_space<hbm>> -> memref<20000x64xf32, #tpu.memory_space<hbm>>
        tpu.enqueue_indirect_dma source(%dma_start3A_204 : memref<20000x64xf32, #tpu.memory_space<hbm>>) target(%dma_start3A_198 : memref<80x64xf32, #tpu.memory_space<vmem>>) offsets(%dma_start3A_201 : memref<80xi32, #tpu.memory_space<vmem>>) semaphore(%arg13 : memref<!tpu.dma_semaphore, #tpu.memory_space<semaphore_mem>>)
      } else {
      }
      %add3A_169 = arith.constant 4 : i32
      %add3A_170 = arith.addi %add3A_73, %add3A_169 : i32
      %add3A_171 = arith.constant 5 : i32
      %add3A_172 = arith.addi %add3A_170, %add3A_171 : i32
      %dma_wait3A_173 = arith.constant 4 : i32
      %dma_wait3A_174 = arith.constant 0 : i32
      %dma_wait3A_175 = arith.constant 0 : i32
      %dma_wait3A_176 = tpu.memref_slice %arg9[%dma_wait3A_173, %dma_wait3A_174, %dma_wait3A_175] : memref<5x80x64xf32, #tpu.memory_space<vmem>> -> memref<1x80x64xf32, #tpu.memory_space<vmem>>
      %dma_wait3A_177 = tpu.memref_squeeze %dma_wait3A_176 : memref<1x80x64xf32, #tpu.memory_space<vmem>> -> memref<80x64xf32, #tpu.memory_space<vmem>>
      %dma_wait3A_178 = arith.constant 0 : i32
      %dma_wait3A_179 = arith.constant 0 : i32
      %dma_wait3A_180 = tpu.memref_slice %arg2[%dma_wait3A_178, %dma_wait3A_179] : memref<20000x64xf32, #tpu.memory_space<hbm>> -> memref<80x64xf32, #tpu.memory_space<hbm>>
      %dma_wait3A_181 = arith.constant 0 : i32
      %dma_wait3A_182 = arith.constant 0 : i32
      %dma_wait3A_183 = tpu.memref_slice %arg9[%dma_wait3A_173, %dma_wait3A_181, %dma_wait3A_182] : memref<5x80x64xf32, #tpu.memory_space<vmem>> -> memref<1x80x64xf32, #tpu.memory_space<vmem>>
      %dma_wait3A_184 = tpu.memref_squeeze %dma_wait3A_183 : memref<1x80x64xf32, #tpu.memory_space<vmem>> -> memref<80x64xf32, #tpu.memory_space<vmem>>
      %dma_wait3A_185 = arith.constant 0 : i32
      %dma_wait3A_186 = arith.constant 0 : i32
      %dma_wait3A_187 = tpu.memref_slice %arg2[%dma_wait3A_185, %dma_wait3A_186] : memref<20000x64xf32, #tpu.memory_space<hbm>> -> memref<80x64xf32, #tpu.memory_space<hbm>>
      tpu.wait_dma2 semaphore(%arg14 : memref<!tpu.dma_semaphore, #tpu.memory_space<semaphore_mem>>) src(%dma_wait3A_187 : memref<80x64xf32, #tpu.memory_space<hbm>>) dst(%dma_wait3A_184 : memref<80x64xf32, #tpu.memory_space<vmem>>)
      %run_scoped3A_188 = arith.constant 4 : i32
      "tpu.region"() ({
        %run_scoped3A_194 = tpu.sem_alloc : memref<!tpu.dma_semaphore, #tpu.memory_space<semaphore_mem>>
        %dma_start3A_195 = arith.constant 0 : i32
        %dma_start3A_196 = arith.constant 0 : i32
        %dma_start3A_197 = tpu.memref_slice %arg9[%run_scoped3A_188, %dma_start3A_195, %dma_start3A_196] : memref<5x80x64xf32, #tpu.memory_space<vmem>> -> memref<1x80x64xf32, #tpu.memory_space<vmem>>
        %dma_start3A_198 = tpu.memref_squeeze %dma_start3A_197 : memref<1x80x64xf32, #tpu.memory_space<vmem>> -> memref<80x64xf32, #tpu.memory_space<vmem>>
        %dma_start3A_199 = arith.constant 0 : i32
        %dma_start3A_200 = tpu.memref_slice %arg8[%add3A_170, %dma_start3A_199] : memref<250x80xi32, #tpu.memory_space<vmem>> -> memref<1x80xi32, #tpu.memory_space<vmem>>
        %dma_start3A_201 = tpu.memref_squeeze %dma_start3A_200 : memref<1x80xi32, #tpu.memory_space<vmem>> -> memref<80xi32, #tpu.memory_space<vmem>>
        %dma_start3A_202 = arith.constant 0 : i32
        %dma_start3A_203 = arith.constant 0 : i32
        %dma_start3A_204 = tpu.memref_slice %arg15[%dma_start3A_202, %dma_start3A_203] : memref<10240x64xf32, #tpu.memory_space<vmem_shared>> -> memref<10240x64xf32, #tpu.memory_space<vmem_shared>>
        tpu.enqueue_indirect_dma source(%dma_start3A_198 : memref<80x64xf32, #tpu.memory_space<vmem>>) target(%dma_start3A_204 : memref<10240x64xf32, #tpu.memory_space<vmem_shared>>) offsets(%dma_start3A_201 : memref<80xi32, #tpu.memory_space<vmem>>) semaphore(%run_scoped3A_194 : memref<!tpu.dma_semaphore, #tpu.memory_space<semaphore_mem>>) {add = true}
        %dma_wait3A_205 = arith.constant 0 : i32
        %dma_wait3A_206 = arith.constant 0 : i32
        %dma_wait3A_207 = tpu.memref_slice %arg9[%run_scoped3A_188, %dma_wait3A_205, %dma_wait3A_206] : memref<5x80x64xf32, #tpu.memory_space<vmem>> -> memref<1x80x64xf32, #tpu.memory_space<vmem>>
        %dma_wait3A_208 = tpu.memref_squeeze %dma_wait3A_207 : memref<1x80x64xf32, #tpu.memory_space<vmem>> -> memref<80x64xf32, #tpu.memory_space<vmem>>
        %dma_wait3A_209 = arith.constant 0 : i32
        %dma_wait3A_210 = tpu.memref_slice %arg8[%add3A_170, %dma_wait3A_209] : memref<250x80xi32, #tpu.memory_space<vmem>> -> memref<1x80xi32, #tpu.memory_space<vmem>>
        %dma_wait3A_211 = tpu.memref_squeeze %dma_wait3A_210 : memref<1x80xi32, #tpu.memory_space<vmem>> -> memref<80xi32, #tpu.memory_space<vmem>>
        %dma_wait3A_212 = arith.constant 0 : i32
        %dma_wait3A_213 = arith.constant 0 : i32
        %dma_wait3A_214 = tpu.memref_slice %arg15[%dma_wait3A_212, %dma_wait3A_213] : memref<10240x64xf32, #tpu.memory_space<vmem_shared>> -> memref<10240x64xf32, #tpu.memory_space<vmem_shared>>
        tpu.wait_indirect_dma semaphore(%run_scoped3A_194 : memref<!tpu.dma_semaphore, #tpu.memory_space<semaphore_mem>>) src(%dma_wait3A_208 : memref<80x64xf32, #tpu.memory_space<vmem>>) dst(%dma_wait3A_214 : memref<10240x64xf32, #tpu.memory_space<vmem_shared>>)
        tpu.yield
      }) : () -> ()
      %lt3A_189 = arith.constant 250 : i32
      %lt3A_190 = arith.cmpi slt, %add3A_172, %lt3A_189 : i32
      %convert_element_type3A_191 = arith.extui %lt3A_190 : i1 to i32
      %cond3A_192 = arith.constant 0 : i32
      %cond3A_193 = arith.cmpi ne, %convert_element_type3A_191, %cond3A_192 : i32
      scf.if %cond3A_193 {
        %dma_start3A_194 = arith.constant 4 : i32
        %dma_start3A_195 = arith.constant 0 : i32
        %dma_start3A_196 = arith.constant 0 : i32
        %dma_start3A_197 = tpu.memref_slice %arg9[%dma_start3A_194, %dma_start3A_195, %dma_start3A_196] : memref<5x80x64xf32, #tpu.memory_space<vmem>> -> memref<1x80x64xf32, #tpu.memory_space<vmem>>
        %dma_start3A_198 = tpu.memref_squeeze %dma_start3A_197 : memref<1x80x64xf32, #tpu.memory_space<vmem>> -> memref<80x64xf32, #tpu.memory_space<vmem>>
        %dma_start3A_199 = arith.constant 0 : i32
        %dma_start3A_200 = tpu.memref_slice %arg7[%add3A_172, %dma_start3A_199] : memref<250x80xi32, #tpu.memory_space<vmem>> -> memref<1x80xi32, #tpu.memory_space<vmem>>
        %dma_start3A_201 = tpu.memref_squeeze %dma_start3A_200 : memref<1x80xi32, #tpu.memory_space<vmem>> -> memref<80xi32, #tpu.memory_space<vmem>>
        %dma_start3A_202 = arith.constant 0 : i32
        %dma_start3A_203 = arith.constant 0 : i32
        %dma_start3A_204 = tpu.memref_slice %arg2[%dma_start3A_202, %dma_start3A_203] : memref<20000x64xf32, #tpu.memory_space<hbm>> -> memref<20000x64xf32, #tpu.memory_space<hbm>>
        tpu.enqueue_indirect_dma source(%dma_start3A_204 : memref<20000x64xf32, #tpu.memory_space<hbm>>) target(%dma_start3A_198 : memref<80x64xf32, #tpu.memory_space<vmem>>) offsets(%dma_start3A_201 : memref<80xi32, #tpu.memory_space<vmem>>) semaphore(%arg14 : memref<!tpu.dma_semaphore, #tpu.memory_space<semaphore_mem>>)
      } else {
      }
    }
    %scan3A_65 = arith.constant 50 : i32
    %barrier3A_66 = arith.constant 0 : index
    tpu.barrier barrier_id(%barrier3A_66)
    %mul3A_67 = arith.constant 64 : i32
    %mul3A_68 = arith.muli %arg0, %mul3A_67 : i32
    "tpu.region"() ({
      %run_scoped3A = tpu.sem_alloc : memref<!tpu.dma_semaphore, #tpu.memory_space<semaphore_mem>>
      %dma_start3A_69 = tpu.memref_slice %arg6[%mul3A_2, %mul3A_68] : memref<10240x128xf32, #tpu.memory_space<hbm>> -> memref<640x64xf32, #tpu.memory_space<hbm>>
      %dma_start3A_70 = arith.constant 0 : i32
      %dma_start3A_71 = tpu.memref_slice %arg15[%mul3A_2, %dma_start3A_70] : memref<10240x64xf32, #tpu.memory_space<vmem_shared>> -> memref<640x64xf32, #tpu.memory_space<vmem_shared>>
      tpu.enqueue_dma source(%dma_start3A_71 : memref<640x64xf32, #tpu.memory_space<vmem_shared>>) target(%dma_start3A_69 : memref<640x64xf32, #tpu.memory_space<hbm>>) target_semaphore(%run_scoped3A : memref<!tpu.dma_semaphore, #tpu.memory_space<semaphore_mem>>)
      %dma_wait3A = tpu.memref_slice %arg6[%mul3A_2, %mul3A_68] : memref<10240x128xf32, #tpu.memory_space<hbm>> -> memref<640x64xf32, #tpu.memory_space<hbm>>
      %dma_wait3A_72 = arith.constant 0 : i32
      %dma_wait3A_73 = tpu.memref_slice %arg15[%mul3A_2, %dma_wait3A_72] : memref<10240x64xf32, #tpu.memory_space<vmem_shared>> -> memref<640x64xf32, #tpu.memory_space<vmem_shared>>
      tpu.wait_dma2 semaphore(%run_scoped3A : memref<!tpu.dma_semaphore, #tpu.memory_space<semaphore_mem>>) src(%dma_wait3A_73 : memref<640x64xf32, #tpu.memory_space<vmem_shared>>) dst(%dma_wait3A : memref<640x64xf32, #tpu.memory_space<hbm>>)
      tpu.yield
    }) : () -> ()
    return
  }
}

module attributes {stable_mosaic.version = 14 : i64} {
  func.func @_tc_apply_body(%arg0: i32, %arg1: memref<2000x128xf32, #tpu.memory_space<vmem>>, %arg2: memref<2x2000x16xf32, #tpu.memory_space<vmem>>, %arg3: memref<2000x128xf32, #tpu.memory_space<vmem>>, %arg4: memref<144x128xf32, #tpu.memory_space<vmem>>, %arg5: memref<1x128xf32, #tpu.memory_space<vmem>>, %arg6: memref<256x128xf32, #tpu.memory_space<vmem>>, %arg7: memref<1x128xf32, #tpu.memory_space<vmem>>, %arg8: memref<2000x128xf32, #tpu.memory_space<vmem>>) attributes {dimension_semantics = [#tpu.dimension_semantics<arbitrary>], iteration_bounds = array<i64: 5>, scalar_prefetch = 0 : i64, scratch_operands = 0 : i64, tpu.core_type = #tpu.core_type<tc>, window_params = [{transform_indices = @transform_0, window_bounds = array<i64: 2000, 128>}, {transform_indices = @transform_1, window_bounds = array<i64: 2, 2000, 16>}, {transform_indices = @transform_2, window_bounds = array<i64: 2000, 128>}, {pipeline_mode = #tpu.pipeline_mode<synchronous>, transform_indices = @transform_3, window_bounds = array<i64: 144, 128>}, {pipeline_mode = #tpu.pipeline_mode<synchronous>, transform_indices = @transform_4, window_bounds = array<i64: 1, 128>}, {pipeline_mode = #tpu.pipeline_mode<synchronous>, transform_indices = @transform_5, window_bounds = array<i64: 256, 128>}, {pipeline_mode = #tpu.pipeline_mode<synchronous>, transform_indices = @transform_6, window_bounds = array<i64: 1, 128>}, {transform_indices = @transform_7, window_bounds = array<i64: 2000, 128>}]} {
    %get3A = arith.constant 0 : index
    %get3A_0 = arith.constant 0 : index
    %get3A_1 = arith.constant 0 : index
    %get3A_2 = vector.load %arg2[%get3A, %get3A_0, %get3A_1] : memref<2x2000x16xf32, #tpu.memory_space<vmem>>, vector<1x2000x16xf32>
    %get3A_3 = vector.shape_cast %get3A_2 : vector<1x2000x16xf32> to vector<2000x16xf32>
    %get3A_4 = arith.constant 1 : index
    %get3A_5 = arith.constant 0 : index
    %get3A_6 = arith.constant 0 : index
    %get3A_7 = vector.load %arg2[%get3A_4, %get3A_5, %get3A_6] : memref<2x2000x16xf32, #tpu.memory_space<vmem>>, vector<1x2000x16xf32>
    %get3A_8 = vector.shape_cast %get3A_7 : vector<1x2000x16xf32> to vector<2000x16xf32>
    %slice3A = vector.extract_strided_slice %get3A_8 {offsets = [0, 0], sizes = [2000, 1], strides = [1, 1]} : vector<2000x16xf32> to vector<2000x1xf32>
    %get3A_9 = arith.constant 0 : index
    %get3A_10 = arith.constant 0 : index
    %get3A_11 = vector.load %arg1[%get3A_9, %get3A_10] : memref<2000x128xf32, #tpu.memory_space<vmem>>, vector<2000x128xf32>
    %get3A_12 = arith.constant 0 : index
    %get3A_13 = arith.constant 0 : index
    %get3A_14 = vector.load %arg4[%get3A_12, %get3A_13] : memref<144x128xf32, #tpu.memory_space<vmem>>, vector<128x128xf32>
    %dot_general3A = arith.constant dense<0.000000e+00> : vector<2000x128xf32>
    %dot_general3A_15 = tpu.matmul %get3A_11, %get3A_14, %dot_general3A {dimension_numbers = #tpu.dot_dimension_numbers<[1], [0], [0], [1], [0, 0, 1, 1], [], []>, transpose_lhs_hint = false} : vector<2000x128xf32>, vector<128x128xf32>, vector<2000x128xf32> -> vector<2000x128xf32>
    %get3A_16 = arith.constant 128 : index
    %get3A_17 = arith.constant 0 : index
    %get3A_18 = vector.load %arg4[%get3A_16, %get3A_17] : memref<144x128xf32, #tpu.memory_space<vmem>>, vector<16x128xf32>
    %dot_general3A_19 = arith.constant dense<0.000000e+00> : vector<2000x128xf32>
    %dot_general3A_20 = tpu.matmul %get3A_3, %get3A_18, %dot_general3A_19 {dimension_numbers = #tpu.dot_dimension_numbers<[1], [0], [0], [1], [0, 0, 1, 1], [], []>, transpose_lhs_hint = false} : vector<2000x16xf32>, vector<16x128xf32>, vector<2000x128xf32> -> vector<2000x128xf32>
    %add3A = arith.addf %dot_general3A_15, %dot_general3A_20 : vector<2000x128xf32>
    %get3A_21 = arith.constant 0 : index
    %get3A_22 = arith.constant 0 : index
    %get3A_23 = vector.load %arg5[%get3A_21, %get3A_22] : memref<1x128xf32, #tpu.memory_space<vmem>>, vector<1x128xf32>
    %mul3A = vector.broadcast %slice3A : vector<2000x1xf32> to vector<2000x128xf32>
    %mul3A_24 = vector.broadcast %get3A_23 : vector<1x128xf32> to vector<2000x128xf32>
    %mul3A_25 = arith.mulf %mul3A, %mul3A_24 : vector<2000x128xf32>
    %add3A_26 = arith.addf %add3A, %mul3A_25 : vector<2000x128xf32>
    %max3A = arith.constant 1.000000e+00 : f32
    %max3A_27 = vector.broadcast %max3A : f32 to vector<2000x1xf32>
    %max3A_28 = arith.maximumf %slice3A, %max3A_27 : vector<2000x1xf32>
    %div3A = vector.broadcast %max3A_28 : vector<2000x1xf32> to vector<2000x128xf32>
    %div3A_29 = arith.divf %add3A_26, %div3A : vector<2000x128xf32>
    %get3A_30 = arith.constant 0 : index
    %get3A_31 = arith.constant 0 : index
    %get3A_32 = vector.load %arg3[%get3A_30, %get3A_31] : memref<2000x128xf32, #tpu.memory_space<vmem>>, vector<2000x128xf32>
    %get3A_33 = arith.constant 0 : index
    %get3A_34 = arith.constant 0 : index
    %get3A_35 = vector.load %arg6[%get3A_33, %get3A_34] : memref<256x128xf32, #tpu.memory_space<vmem>>, vector<128x128xf32>
    %dot_general3A_36 = arith.constant dense<0.000000e+00> : vector<2000x128xf32>
    %dot_general3A_37 = tpu.matmul %get3A_32, %get3A_35, %dot_general3A_36 {dimension_numbers = #tpu.dot_dimension_numbers<[1], [0], [0], [1], [0, 0, 1, 1], [], []>, transpose_lhs_hint = false} : vector<2000x128xf32>, vector<128x128xf32>, vector<2000x128xf32> -> vector<2000x128xf32>
    %get3A_38 = arith.constant 128 : index
    %get3A_39 = arith.constant 0 : index
    %get3A_40 = vector.load %arg6[%get3A_38, %get3A_39] : memref<256x128xf32, #tpu.memory_space<vmem>>, vector<128x128xf32>
    %dot_general3A_41 = arith.constant dense<0.000000e+00> : vector<2000x128xf32>
    %dot_general3A_42 = tpu.matmul %div3A_29, %get3A_40, %dot_general3A_41 {dimension_numbers = #tpu.dot_dimension_numbers<[1], [0], [0], [1], [0, 0, 1, 1], [], []>, transpose_lhs_hint = false} : vector<2000x128xf32>, vector<128x128xf32>, vector<2000x128xf32> -> vector<2000x128xf32>
    %add3A_43 = arith.addf %dot_general3A_37, %dot_general3A_42 : vector<2000x128xf32>
    %get3A_44 = arith.constant 0 : index
    %get3A_45 = arith.constant 0 : index
    %get3A_46 = vector.load %arg7[%get3A_44, %get3A_45] : memref<1x128xf32, #tpu.memory_space<vmem>>, vector<1x128xf32>
    %add3A_47 = vector.broadcast %get3A_46 : vector<1x128xf32> to vector<2000x128xf32>
    %add3A_48 = arith.addf %add3A_43, %add3A_47 : vector<2000x128xf32>
    %max3A_49 = arith.constant 0.000000e+00 : f32
    %max3A_50 = vector.broadcast %max3A_49 : f32 to vector<2000x128xf32>
    %max3A_51 = arith.maximumf %add3A_48, %max3A_50 : vector<2000x128xf32>
    %swap3A = arith.constant 0 : index
    %swap3A_52 = arith.constant 0 : index
    %swap3A_53 = vector.load %arg8[%swap3A, %swap3A_52] : memref<2000x128xf32, #tpu.memory_space<vmem>>, vector<2000x128xf32>
    tpu.vector_store %arg8[%swap3A, %swap3A_52], %max3A_51 {strides = array<i32>} : memref<2000x128xf32, #tpu.memory_space<vmem>>, vector<2000x128xf32>,
    return
  }
  func.func @transform_0(%arg0: i32) -> (i32, i32) {
    %c0_i32 = arith.constant 0 : i32
    %c0_i32_0 = arith.constant 0 : i32
    return %arg0, %c0_i32 : i32, i32
  }
  func.func @transform_1(%arg0: i32) -> (i32, i32, i32) {
    %c0_i32 = arith.constant 0 : i32
    %c0_i32_0 = arith.constant 0 : i32
    %c0_i32_1 = arith.constant 0 : i32
    return %c0_i32, %arg0, %c0_i32_0 : i32, i32, i32
  }
  func.func @transform_2(%arg0: i32) -> (i32, i32) {
    %c0_i32 = arith.constant 0 : i32
    %c0_i32_0 = arith.constant 0 : i32
    return %arg0, %c0_i32 : i32, i32
  }
  func.func @transform_3(%arg0: i32) -> (i32, i32) {
    %c0_i32 = arith.constant 0 : i32
    %c0_i32_0 = arith.constant 0 : i32
    %c0_i32_1 = arith.constant 0 : i32
    return %c0_i32, %c0_i32_0 : i32, i32
  }
  func.func @transform_4(%arg0: i32) -> (i32, i32) {
    %c0_i32 = arith.constant 0 : i32
    %c0_i32_0 = arith.constant 0 : i32
    %c0_i32_1 = arith.constant 0 : i32
    return %c0_i32, %c0_i32_0 : i32, i32
  }
  func.func @transform_5(%arg0: i32) -> (i32, i32) {
    %c0_i32 = arith.constant 0 : i32
    %c0_i32_0 = arith.constant 0 : i32
    %c0_i32_1 = arith.constant 0 : i32
    return %c0_i32, %c0_i32_0 : i32, i32
  }
  func.func @transform_6(%arg0: i32) -> (i32, i32) {
    %c0_i32 = arith.constant 0 : i32
    %c0_i32_0 = arith.constant 0 : i32
    %c0_i32_1 = arith.constant 0 : i32
    return %c0_i32, %c0_i32_0 : i32, i32
  }
  func.func @transform_7(%arg0: i32) -> (i32, i32) {
    %c0_i32 = arith.constant 0 : i32
    %c0_i32_0 = arith.constant 0 : i32
    return %arg0, %c0_i32 : i32, i32
  }
}

module attributes {stable_mosaic.version = 14 : i64} {
  func.func @_tc_apply_body(%arg0: i32, %arg1: memref<2000x128xf32, #tpu.memory_space<vmem>>, %arg2: memref<2x2000x16xf32, #tpu.memory_space<vmem>>, %arg3: memref<2000x128xf32, #tpu.memory_space<vmem>>, %arg4: memref<144x128xf32, #tpu.memory_space<vmem>>, %arg5: memref<1x128xf32, #tpu.memory_space<vmem>>, %arg6: memref<256x128xf32, #tpu.memory_space<vmem>>, %arg7: memref<1x128xf32, #tpu.memory_space<vmem>>, %arg8: memref<2000x128xf32, #tpu.memory_space<vmem>>) attributes {dimension_semantics = [#tpu.dimension_semantics<arbitrary>], iteration_bounds = array<i64: 5>, scalar_prefetch = 0 : i64, scratch_operands = 0 : i64, tpu.core_type = #tpu.core_type<tc>, window_params = [{transform_indices = @transform_0, window_bounds = array<i64: 2000, 128>}, {transform_indices = @transform_1, window_bounds = array<i64: 2, 2000, 16>}, {transform_indices = @transform_2, window_bounds = array<i64: 2000, 128>}, {pipeline_mode = #tpu.pipeline_mode<synchronous>, transform_indices = @transform_3, window_bounds = array<i64: 144, 128>}, {pipeline_mode = #tpu.pipeline_mode<synchronous>, transform_indices = @transform_4, window_bounds = array<i64: 1, 128>}, {pipeline_mode = #tpu.pipeline_mode<synchronous>, transform_indices = @transform_5, window_bounds = array<i64: 256, 128>}, {pipeline_mode = #tpu.pipeline_mode<synchronous>, transform_indices = @transform_6, window_bounds = array<i64: 1, 128>}, {transform_indices = @transform_7, window_bounds = array<i64: 2000, 128>}]} {
    %get3A = arith.constant 0 : index
    %get3A_0 = arith.constant 0 : index
    %get3A_1 = arith.constant 0 : index
    %get3A_2 = vector.load %arg2[%get3A, %get3A_0, %get3A_1] : memref<2x2000x16xf32, #tpu.memory_space<vmem>>, vector<1x2000x16xf32>
    %get3A_3 = vector.shape_cast %get3A_2 : vector<1x2000x16xf32> to vector<2000x16xf32>
    %get3A_4 = arith.constant 1 : index
    %get3A_5 = arith.constant 0 : index
    %get3A_6 = arith.constant 0 : index
    %get3A_7 = vector.load %arg2[%get3A_4, %get3A_5, %get3A_6] : memref<2x2000x16xf32, #tpu.memory_space<vmem>>, vector<1x2000x16xf32>
    %get3A_8 = vector.shape_cast %get3A_7 : vector<1x2000x16xf32> to vector<2000x16xf32>
    %slice3A = vector.extract_strided_slice %get3A_8 {offsets = [0, 0], sizes = [2000, 1], strides = [1, 1]} : vector<2000x16xf32> to vector<2000x1xf32>
    %get3A_9 = arith.constant 0 : index
    %get3A_10 = arith.constant 0 : index
    %get3A_11 = vector.load %arg1[%get3A_9, %get3A_10] : memref<2000x128xf32, #tpu.memory_space<vmem>>, vector<2000x128xf32>
    %get3A_12 = arith.constant 0 : index
    %get3A_13 = arith.constant 0 : index
    %get3A_14 = vector.load %arg4[%get3A_12, %get3A_13] : memref<144x128xf32, #tpu.memory_space<vmem>>, vector<128x128xf32>
    %dot_general3A = arith.constant dense<0.000000e+00> : vector<2000x128xf32>
    %dot_general3A_15 = tpu.matmul %get3A_11, %get3A_14, %dot_general3A {dimension_numbers = #tpu.dot_dimension_numbers<[1], [0], [0], [1], [0, 0, 1, 1], [], []>, transpose_lhs_hint = false} : vector<2000x128xf32>, vector<128x128xf32>, vector<2000x128xf32> -> vector<2000x128xf32>
    %get3A_16 = arith.constant 128 : index
    %get3A_17 = arith.constant 0 : index
    %get3A_18 = vector.load %arg4[%get3A_16, %get3A_17] : memref<144x128xf32, #tpu.memory_space<vmem>>, vector<16x128xf32>
    %dot_general3A_19 = arith.constant dense<0.000000e+00> : vector<2000x128xf32>
    %dot_general3A_20 = tpu.matmul %get3A_3, %get3A_18, %dot_general3A_19 {dimension_numbers = #tpu.dot_dimension_numbers<[1], [0], [0], [1], [0, 0, 1, 1], [], []>, transpose_lhs_hint = false} : vector<2000x16xf32>, vector<16x128xf32>, vector<2000x128xf32> -> vector<2000x128xf32>
    %add3A = arith.addf %dot_general3A_15, %dot_general3A_20 : vector<2000x128xf32>
    %get3A_21 = arith.constant 0 : index
    %get3A_22 = arith.constant 0 : index
    %get3A_23 = vector.load %arg5[%get3A_21, %get3A_22] : memref<1x128xf32, #tpu.memory_space<vmem>>, vector<1x128xf32>
    %mul3A = vector.broadcast %slice3A : vector<2000x1xf32> to vector<2000x128xf32>
    %mul3A_24 = vector.broadcast %get3A_23 : vector<1x128xf32> to vector<2000x128xf32>
    %mul3A_25 = arith.mulf %mul3A, %mul3A_24 : vector<2000x128xf32>
    %add3A_26 = arith.addf %add3A, %mul3A_25 : vector<2000x128xf32>
    %max3A = arith.constant 1.000000e+00 : f32
    %max3A_27 = vector.broadcast %max3A : f32 to vector<2000x1xf32>
    %max3A_28 = arith.maximumf %slice3A, %max3A_27 : vector<2000x1xf32>
    %div3A = vector.broadcast %max3A_28 : vector<2000x1xf32> to vector<2000x128xf32>
    %div3A_29 = arith.divf %add3A_26, %div3A : vector<2000x128xf32>
    %get3A_30 = arith.constant 0 : index
    %get3A_31 = arith.constant 0 : index
    %get3A_32 = vector.load %arg3[%get3A_30, %get3A_31] : memref<2000x128xf32, #tpu.memory_space<vmem>>, vector<2000x128xf32>
    %get3A_33 = arith.constant 0 : index
    %get3A_34 = arith.constant 0 : index
    %get3A_35 = vector.load %arg6[%get3A_33, %get3A_34] : memref<256x128xf32, #tpu.memory_space<vmem>>, vector<128x128xf32>
    %dot_general3A_36 = arith.constant dense<0.000000e+00> : vector<2000x128xf32>
    %dot_general3A_37 = tpu.matmul %get3A_32, %get3A_35, %dot_general3A_36 {dimension_numbers = #tpu.dot_dimension_numbers<[1], [0], [0], [1], [0, 0, 1, 1], [], []>, transpose_lhs_hint = false} : vector<2000x128xf32>, vector<128x128xf32>, vector<2000x128xf32> -> vector<2000x128xf32>
    %get3A_38 = arith.constant 128 : index
    %get3A_39 = arith.constant 0 : index
    %get3A_40 = vector.load %arg6[%get3A_38, %get3A_39] : memref<256x128xf32, #tpu.memory_space<vmem>>, vector<128x128xf32>
    %dot_general3A_41 = arith.constant dense<0.000000e+00> : vector<2000x128xf32>
    %dot_general3A_42 = tpu.matmul %div3A_29, %get3A_40, %dot_general3A_41 {dimension_numbers = #tpu.dot_dimension_numbers<[1], [0], [0], [1], [0, 0, 1, 1], [], []>, transpose_lhs_hint = false} : vector<2000x128xf32>, vector<128x128xf32>, vector<2000x128xf32> -> vector<2000x128xf32>
    %add3A_43 = arith.addf %dot_general3A_37, %dot_general3A_42 : vector<2000x128xf32>
    %get3A_44 = arith.constant 0 : index
    %get3A_45 = arith.constant 0 : index
    %get3A_46 = vector.load %arg7[%get3A_44, %get3A_45] : memref<1x128xf32, #tpu.memory_space<vmem>>, vector<1x128xf32>
    %add3A_47 = vector.broadcast %get3A_46 : vector<1x128xf32> to vector<2000x128xf32>
    %add3A_48 = arith.addf %add3A_43, %add3A_47 : vector<2000x128xf32>
    %max3A_49 = arith.constant 0.000000e+00 : f32
    %max3A_50 = vector.broadcast %max3A_49 : f32 to vector<2000x128xf32>
    %max3A_51 = arith.maximumf %add3A_48, %max3A_50 : vector<2000x128xf32>
    %swap3A = arith.constant 0 : index
    %swap3A_52 = arith.constant 0 : index
    %swap3A_53 = vector.load %arg8[%swap3A, %swap3A_52] : memref<2000x128xf32, #tpu.memory_space<vmem>>, vector<2000x128xf32>
    tpu.vector_store %arg8[%swap3A, %swap3A_52], %max3A_51 {strides = array<i32>} : memref<2000x128xf32, #tpu.memory_space<vmem>>, vector<2000x128xf32>,
    return
  }
  func.func @transform_0(%arg0: i32) -> (i32, i32) {
    %c0_i32 = arith.constant 0 : i32
    %c0_i32_0 = arith.constant 0 : i32
    return %arg0, %c0_i32 : i32, i32
  }
  func.func @transform_1(%arg0: i32) -> (i32, i32, i32) {
    %c0_i32 = arith.constant 0 : i32
    %c0_i32_0 = arith.constant 0 : i32
    %c0_i32_1 = arith.constant 0 : i32
    return %c0_i32, %arg0, %c0_i32_0 : i32, i32, i32
  }
  func.func @transform_2(%arg0: i32) -> (i32, i32) {
    %c0_i32 = arith.constant 0 : i32
    %c0_i32_0 = arith.constant 0 : i32
    return %arg0, %c0_i32 : i32, i32
  }
  func.func @transform_3(%arg0: i32) -> (i32, i32) {
    %c0_i32 = arith.constant 0 : i32
    %c0_i32_0 = arith.constant 0 : i32
    %c0_i32_1 = arith.constant 0 : i32
    return %c0_i32, %c0_i32_0 : i32, i32
  }
  func.func @transform_4(%arg0: i32) -> (i32, i32) {
    %c0_i32 = arith.constant 0 : i32
    %c0_i32_0 = arith.constant 0 : i32
    %c0_i32_1 = arith.constant 0 : i32
    return %c0_i32, %c0_i32_0 : i32, i32
  }
  func.func @transform_5(%arg0: i32) -> (i32, i32) {
    %c0_i32 = arith.constant 0 : i32
    %c0_i32_0 = arith.constant 0 : i32
    %c0_i32_1 = arith.constant 0 : i32
    return %c0_i32, %c0_i32_0 : i32, i32
  }
  func.func @transform_6(%arg0: i32) -> (i32, i32) {
    %c0_i32 = arith.constant 0 : i32
    %c0_i32_0 = arith.constant 0 : i32
    %c0_i32_1 = arith.constant 0 : i32
    return %c0_i32, %c0_i32_0 : i32, i32
  }
  func.func @transform_7(%arg0: i32) -> (i32, i32) {
    %c0_i32 = arith.constant 0 : i32
    %c0_i32_0 = arith.constant 0 : i32
    return %arg0, %c0_i32 : i32, i32
  }
}

</mosaic_0001>

<sc_bundles>
// kernel: kernel.10.cloned.1.call-start
scs
__scs_entry_jumppad:
0x0: {  	(pc) =	sbr.rel $0x88, $3  }
0x1: {  	(tag) =	ssettag $0x0;
	lr =	simm.s32 $0x1  }
0x2: {  	[smem:$0x3F96] =	sst lr;
	_ =	strace $0xD0000000  }
0x3: {  	_ = 	snop  }
0x4: {  	_ = 	snop  }
0x5: {  	_ = 	snop  }
0x6: {  	_ = 	snop  }
0x7: {  	_ = 	snop  }
__scs_overlays_trampoline_lowered:
0x8: {  	[smem:$0x3FA5] =	sst s0  }
0x9: {  	[smem:$0x3FA6] =	sst s1  }
0xa: {  	[smem:$0x3FA7] =	sst s2  }
0xb: {  	[smem:$0x3FA8] =	sst s3  }
0xc: {  	[smem:$0x3FA9] =	sst s4  }
0xd: {  	[smem:$0x3FAA] =	sst s5  }
0xe: {  	[smem:$0x3FAB] =	sst s6  }
0xf: {  	[smem:$0x3FAC] =	sst s7  }
0x10: {  	[smem:$0x3FAD] =	sst s8  }
0x11: {  	[smem:$0x3FAE] =	sst s9;
	s0 =	simm.s32 @!p0 $0x0  }
0x12: {  	s1 =	sld [smem:$0x3F94];
	s0 =	simm.s32 @p0 $0x1  }
0x13: {  	[smem:$0x3FAF] =	sst s0;
	s0 =	simm.s32 @!p1 $0x0  }
0x14: {  	s2 =	sld [smem:$0x3F93];
	s0 =	simm.s32 @p1 $0x1  }
0x15: {  	[smem:$0x3FB0] =	sst s0;
	s0 =	simm.s32 @!p2 $0x0  }
0x16: {  	s3 =	sld [smem:$0x3FDB];
	s0 =	simm.s32 @p2 $0x1  }
0x17: {  	s4 =	simm.s32 $0x1BF5;
	[smem:$0x3FB2] =	sst s0  }
0x18: {  	s0 =	sld [smem:$0x3F95];
	_ =	swait.ge [sflag:s4], $0x0  }
0x19: {  	s7 =	sld [smem:$0x3F96]  }
0x1a: {  	s8 =	sadd.s32 $0xFFFFE003, lr  }
0x1b: {  	s9 =	sadd.s32 $0xFFFFFEF7, lr;
	s5 =	simm.s32 $0xFFFFFFFF;
	p2 =	slt.u32 s8, $0xFFFFF086  }
0x1c: {  	p1 =	slt.u32 s9, $0xF7A;
	s5 =	simm.s32 @!p2 $0x0  }
0x1d: {  	s5 =	simm.s32 @p1 $0x1;
	p0 =	seq.s32 s7, s2  }
0x1e: {  	s7 =	smul.u32 @!p0 $0xF7A, s2;
	p2 =	seq.s32 @!p0 s5, $0x0  }
0x1f: {  	s9 =	smul.u32 $0xF7A, s1;
	s8 =	simm.s32 @!p0 $0x1BF5;
	p2 =	por !p2, p0  }
0x20: {  	[sflag:s8] =	ssyncset.s32 @!p0 $0xFFFFF086;
	s6 =	sadd.s32 @!p0 s3, s7;
	s7 =	simm.s32 @!p0 $0x108  }
0x21: {  	s3 =	sadd.s32 s3, s9;
	s6 =	sadd.s32 @!p0 $0x88, s6;
	s7 =	simm.s32 @p2 $0x1082  }
0x22: {  	[simem:s7], [sflag:s8] =	dma.local @!p0 [hbm:s6], $0xF7A  }
0x23: {  	s9 =	sor.u32 $0xD0000000, s2;
	s6 =	simm.s32 $0x108;
	_ =	swait.ge @!p0 [sflag:s8], $0x0  }
0x24: {  	s3 =	sadd.s32 $0x88, s3;
	s6 =	simm.s32 @!p1 $0x1082;
	[sflag:s4] =	ssyncset.s32 $0xFFFFF086  }
0x25: {  	[simem:s6], [sflag:s4] =	dma.local [hbm:s3], $0xF7A  }
0x26: {  	[smem:$0x3F96] =	sst s1;
	(tag) =	ssettag s2;
	_ =	strace s9  }
0x27: {  	s1 =	sld [smem:$0x3FA6]  }
0x28: {  	s2 =	sld [smem:$0x3FA7]  }
0x29: {  	s4 =	sld [smem:$0x3FA9]  }
0x2a: {  	p0 =	seq.s32 s5, $0x0;
	s5 =	sld [smem:$0x3FAA]  }
0x2b: {  	s6 =	sld [smem:$0x3FAB]  }
0x2c: {  	s7 =	sld [smem:$0x3FAC]  }
0x2d: {  	s3 =	simm.s32 $0x108;
	s8 =	sld [smem:$0x3FAD]  }
0x2e: {  	s3 =	simm.s32 @!p0 $0x1082;
	s9 =	sld [smem:$0x3FAE]  }
0x2f: {  	lr =	sadd.s32 s0, s3;
	s0 =	sld [smem:$0x3FA5]  }
0x30: {  	s3 =	sld [smem:$0x3FA8]  }
0x31: {  	[smem:$0x3FB1] =	sst s10  }
0x32: {  	s10 =	sld [smem:$0x3FAF];
	_ =	sdelay $0x3  }
0x33: {  	p0 =	seq.s32 s10, $0x1;
	s10 =	sld [smem:$0x3FB1];
	_ =	sdelay $0x3  }
0x34: {  	[smem:$0x3FB1] =	sst s10  }
0x35: {  	s10 =	sld [smem:$0x3FB0];
	_ =	sdelay $0x3  }
0x36: {  	p1 =	seq.s32 s10, $0x1;
	s10 =	sld [smem:$0x3FB1];
	_ =	sdelay $0x3  }
0x37: {  	[smem:$0x3FB1] =	sst s10  }
0x38: {  	s10 =	sld [smem:$0x3FB2]  }
0x39: {  	_ = 	snop;
	(pc) =	sbr.ind lr, $3  }
0x3a: {  	_ = 	snop  }
0x3b: {  	_ = 	snop  }
0x3c: {  	p2 =	seq.s32 s10, $0x1;
	s10 =	sld [smem:$0x3FB1]  }
0x3d: {  	_ =	shalt  }
0x3e: {  	_ =	shalt  }
0x3f: {  	_ =	shalt  }
0x40: {  	_ =	shalt  }
0x41: {  	_ =	shalt  }
0x42: {  	_ =	shalt  }
0x43: {  	_ =	shalt  }
0x44: {  	_ =	shalt  }
0x45: {  	_ =	shalt  }
0x46: {  	_ =	shalt  }
0x47: {  	_ =	shalt  }
0x48: {  	_ =	shalt  }
0x49: {  	_ =	shalt  }
0x4a: {  	_ =	shalt  }
0x4b: {  	_ =	shalt  }
0x4c: {  	_ =	shalt  }
0x4d: {  	_ =	shalt  }
0x4e: {  	_ =	shalt  }
0x4f: {  	_ =	shalt  }
0x50: {  	_ =	shalt  }
0x51: {  	_ =	shalt  }
0x52: {  	_ =	shalt  }
0x53: {  	_ =	shalt  }
0x54: {  	_ =	shalt  }
0x55: {  	_ =	shalt  }
0x56: {  	_ =	shalt  }
0x57: {  	_ =	shalt  }
0x58: {  	_ =	shalt  }
0x59: {  	_ =	shalt  }
0x5a: {  	_ =	shalt  }
0x5b: {  	_ =	shalt  }
0x5c: {  	_ =	shalt  }
0x5d: {  	_ =	shalt  }
0x5e: {  	_ =	shalt  }
0x5f: {  	_ =	shalt  }
0x60: {  	_ =	shalt  }
0x61: {  	_ =	shalt  }
0x62: {  	_ =	shalt  }
0x63: {  	_ =	shalt  }
0x64: {  	_ =	shalt  }
0x65: {  	_ =	shalt  }
0x66: {  	_ =	shalt  }
0x67: {  	_ =	shalt  }
0x68: {  	_ =	shalt  }
0x69: {  	_ =	shalt  }
0x6a: {  	_ =	shalt  }
0x6b: {  	_ =	shalt  }
0x6c: {  	_ =	shalt  }
0x6d: {  	_ =	shalt  }
0x6e: {  	_ =	shalt  }
0x6f: {  	_ =	shalt  }
0x70: {  	_ =	shalt  }
0x71: {  	_ =	shalt  }
0x72: {  	_ =	shalt  }
0x73: {  	_ =	shalt  }
0x74: {  	_ =	shalt  }
0x75: {  	_ =	shalt  }
0x76: {  	_ =	shalt  }
0x77: {  	_ =	shalt  }
0x78: {  	_ =	shalt  }
0x79: {  	_ =	shalt  }
0x7a: {  	_ =	shalt  }
0x7b: {  	_ =	shalt  }
0x7c: {  	_ =	shalt  }
0x7d: {  	_ =	shalt  }
0x7e: {  	_ =	shalt  }
0x7f: {  	_ =	shalt  }
0x80: {  	_ =	shalt  }
0x81: {  	_ =	shalt  }
0x82: {  	_ =	shalt  }
0x83: {  	_ =	shalt  }
0x84: {  	_ =	shalt  }
0x85: {  	_ =	shalt  }
0x86: {  	_ =	shalt  }
0x87: {  	_ =	shalt  }
.Lfunc_end0:
.L_simem_size_0:
called_computation.1_lowered:
.L_overlay_start_0:
0x88: {  	s2 =	sld [smem:$0x3FD9]  }
0x89: {  	s3 =	sld [smem:$0x3FFE];
	_ =	sdelay $0x1  }
0x8a: {  	s1 =	srdreg.scid  }
0x8b: {  	s0 =	sand.u32 $0x1, s1  }
0x8c: {  	s17 =	sshll.u32 s0, $0xA;
	s2 =	sadd.s32 s3, s2  }
0x8d: {  	s2 =	sadd.s32 s2, s17  }
0x8e: {  	[smem:$0x3FBD] =	sst s2  }
0x8f: {  	_ = 	snop  }
0x90: {  	s2 =	sld [smem:$0x3FD0];
	(tm) =	ssettm $0x1  }
0x91: {  	s18 =	sld [smem:$0x3FFB];
	_ =	sdelay $0x3  }
0x92: {  	_ =	strace s18  }
0x93: {  	s3 =	sld [smem:$0x3FFC];
	_ =	sdelay $0x3  }
0x94: {  	_ =	strace s3  }
0x95: {  	s3 =	sld [smem:$0x3FFD];
	_ =	sdelay $0x3  }
0x96: {  	_ =	strace s3  }
0x97: {  	_ =	strace $0x8FFFFFFF  }
0x98: {  	s19 =	sld [smem:$0x3FDB];
	_ =	sdelay $0x1  }
0x99: {  	s4 =	simm.s32 $_scs_section_size  }
0x9a: {  	s5 =	simm.s32 $_size__tile_overlayer_lowered;
	s6 =	simm.s32 $_tile_overlayer_lowered  }
0x9b: {  	s22 =	simm.s32 $0x1BFF;
	s21 =	sshll.u32 s6, $0x1;
	s3 =	sadd.s32 s4, s19  }
0x9c: {  	s7 =	simm.s32 $0x0;
	s20 =	sshll.u32 s5, $0x1;
	s5 =	sadd.s32 s21, s3  }
0x9d: {  	[timem:s7], [sflag:s22] =	dma.local [hbm:s5], s20  }
0x9e: {  	_ =	swait.ge [sflag:s22], s20  }
0x9f: {  	s4 =	ssub.s32 $0x0, s20;
	[sflag:s22] =	ssyncset.done $0x0  }
0xa0: {  	[sflag:s22] =	ssyncadd.s32 s4;
	_ =	sdelay $0x1  }
0xa1: {  	s23 =	simm.s32 $0x1B8B  }
0xa2: {  	_ =	swait.ge [sflag:s23], $0x1  }
0xa3: {  	[sflag:s23] =	ssyncset.done $0x0  }
0xa4: {  	s25 =	simm.s32 $0x1B8E;
	s24 =	sld [smem:$0x3FFE];
	[sflag:s23] =	ssyncadd.s32 $0xFFFFFFFF  }
0xa5: {  	s26 =	simm.s32 $execute0_lowered;
	[smem:$0x3FD2] =	sst s25  }
0xa6: {  	s5 =	sshll.u32 s26, $0x1;
	_ =	strace $0x80000049;
	[dreg:$0x1] =	wrdreg $0xFFFFFFFF  }
0xa7: {  	s28 =	simm.s32 $_size_execute0_lowered;
	s3 =	sadd.s32 s3, s5;
	[dreg:$0x0] =	wrdreg $0x0  }
0xa8: {  	s5 =	sshll.u32 s28, $0x1;
	[dreg:$0x2] =	wrdreg s3  }
0xa9: {  	[dreg:$0x3] =	wrdreg s5  }
0xaa: {  	[dreg:$0x4] =	wrdreg $0xC0  }
0xab: {  	_ =	task [dreg:s7], $0x5FFFF  }
0xac: {  	[dreg:$0x1] =	wrdreg $0xFFFFFFFF  }
0xad: {  	[dreg:$0x0] =	wrdreg $0x60  }
0xae: {  	[dreg:$0x2] =	wrdreg s24  }
0xaf: {  	[dreg:$0x3] =	wrdreg s2  }
0xb0: {  	[dreg:$0x4] =	wrdreg $0x67200  }
0xb1: {  	[dreg:$0x5] =	wrdreg $0x9  }
0xb2: {  	_ =	task.clear_ibuf [dreg:s7], $0x6FFFF;
	_ =	strace $0x90000049  }
0xb3: {  	s29 =	simm.s32 $0x9;
	_ =	strace $0x8000004B  }
0xb4: {  	_ =	swait.ge [sflag:s29], $0x1  }
0xb5: {  	[sflag:s29] =	ssyncadd.s32 $0xFFFFFFFF  }
0xb6: {  	_ =	strace $0x9000004B  }
0xb7: {  	_ =	sfence  }
0xb8: {  	s30 =	sld [smem:$0x0];
	_ =	sdelay $0x2  }
0xb9: {  	s31 =	sshll.u32 s1, $0xD;
	s1 =	sshrl.u32 s1, $0x2  }
0xba: {  	s3 =	sand.u32 $0x4000, s31;
	s1 =	sadd.s32 s1, s30  }
0xbb: {  	s0 =	sor.u32 s3, s0;
	s1 =	sshll.u32 s1, $0x11  }
0xbc: {  	s0 =	sor.u32 s1, s0  }
0xbd: {  	s0 =	sadd.s32 $0x8F2B, s0  }
0xbe: {  	[sflag:s0] =	ssyncadd.remote.s32 $0x1  }
0xbf: {  	_ =	sfence.sel $0xFFFF  }
0xc0: {  	[dreg:$0x0] =	wrdreg $0xFFFFFFFF;
	(pc) =	sbr.abs _section_cstart, $3  }
0xc1: {  	[dreg:$0x1] =	wrdreg $0xFFFFFFFF  }
0xc2: {  	_ =	task.clear_ibuf [dreg:s7], $0x2FFFF;
	_ =	strace $0x9FFFFFFF  }
0xc3: {  	(tm) =	ssettm $0x7FFFFFFF  }
tec
execute0_lowered:
.L_overlay_start_1:
0x0: {  	(tag) =	ssettag $0x1  }
0x1: {  	s0 =	rddreg [dreg:$0x0]  }
0x2: {  	s1 =	rddreg [dreg:$0x1]  }
0x3: {  	s2 =	rddreg [dreg:$0x2]  }
0x4: {  	s3 =	simm.s32 $0x0;
	s16 =	stileid.u32;
	s5 =	srdreg.scid  }
0x5: {  	s17 =	simm.s32 $0x6;
	s28 =	simm.s32 $0x5D20;
	s4 =	smul.u32 $0x9C4, s16  }
0x6: {  	s29 =	simm.s32 $0x5;
	s30 =	simm.s32 $0x6220;
	s6 =	smul.u32 $0x2800, s16  }
0x7: {  	s31 =	simm.s32 $0x0;
	[smem:$0x7FF] =	sst s3;
	s11 =	smul.u32 $0x4E200, s16  }
0x8: {  	s8 =	sand.u32 $0x1, s5;
	s5 =	sadd.s32 $0x5DC00, s0;
	s13 =	smul.u32 $0x9C40, s16  }
0x9: {  	s26 =	sshll.u32 s16, $0x6;
	_ =	strace $0x8000004A;
	s10 =	ssub.s32 $0x2, s8  }
0xa: {  	s12 =	sshll.u32 s8, $0x4;
	p0 =	sne.s32 s8, $0x0;
	s18 =	sor.u32 $0x1C06, s26  }
0xb: {  	p1 =	seq.s32 s8, $0x0;
	s26 =	simm.s32 $0x4;
	s7 =	sadd.s32 s4, s0  }
0xc: {  	s4 =	sadd.s32 $0x53FC00, s0;
	s9 =	sshrl.u32 s6, $0x3;
	s20 =	sshrl.u32 s10, $0x1  }
0xd: {  	s11 =	sshrl.u32 s11, $0x3;
	s21 =	sor.u32 s16, s12;
	s6 =	sadd.s32 s6, s2  }
0xe: {  	s0 =	sadd.s32 s9, s0;
	s9 =	ssub.s32 s10, s20;
	s11 =	sadd.s32 s4, s11  }
0xf: {  	s7 =	sadd.s32 $0x4400, s7;
	s22 =	sadd.s32 s4, s13;
	s10 =	smul.u32 $0x500, s21  }
0x10: {  	s13 =	smul.u32 $0xFA, s16;
	[dreg:$0x4] =	wrdreg s7;
	s23 =	sadd.s32 $0xA0, s11  }
0x11: {  	s19 =	sshrl.u32 s6, $0x3;
	s24 =	sadd.s32 $0x140, s11;
	[dreg:$0x5] =	wrdreg s23  }
0x12: {  	s20 =	simm.s32 $0x50;
	s25 =	sadd.s32 $0x1E0, s11;
	[dreg:$0x6] =	wrdreg s24  }
.Ltmp0:
0x13: {  	s11 =	sadd.s32 $0x280, s11;
	[dreg:$0x7] =	wrdreg s25;
	(pc) =	sbr.rel .LBB2_1-.Ltmp0, $4  }
0x14: {  	s21 =	simm.s32 $0x4E20;
	s0 =	sadd.s32 $0x5DE00, s0;
	[dreg:$0x8] =	wrdreg s11  }
0x15: {  	s15 =	smax.u32 s9, $0x1;
	s12 =	smov.u32 s22;
	[dreg:$0x9] =	wrdreg s0  }
0x16: {  	s14 =	sadd.s32 s1, s10;
	s1 =	sadd.s32 $0x320, s22;
	s22 =	simm.s32 $0x2  }
0x17: {  	s23 =	simm.s32 $0x5320;
	s24 =	simm.s32 $0x3;
	s25 =	simm.s32 $0x5820  }
.LBB2_23:
0x18: {  	s31 =	sadd.s32 $0x1, s31  }
0x19: {  	p2 =	sne.s32 s31, s15  }
.Ltmp1:
0x1a: {  	[bflag:$0x0] =	sbarrier.arrive $0xFFFF;
	(pc) =	sbr.rel @!p2 .LBB2_24-.Ltmp1, $4  }
0x1b: {  	[hbm:s14], [sflag:s18] =	dma.local [spmem:s19], $0x500  }
0x1c: {  	_ =	swait.ge [sflag:s17], $0x500  }
0x1d: {  	[sflag:s17] =	ssyncset.done $0x0  }
0x1e: {  	[sflag:s17] =	ssyncadd.s32 $0xFFFFFB00  }
.LBB2_1:
0x1f: {  	s0 =	rddreg [dreg:$0x4]  }
0x20: {  	[tilespmem:s3], [sflag:$0x6] =	stream.linear.gather [hbm4b:s0+s3], $0x4E20, $0x38;
	[tilespmem:$0x8F20] =	vst v63  }
0x21: {  	_ =	swait.ge [sflag:s17], $0x4E20  }
0x22: {  	[sflag:s17] =	ssyncset.done $0x0  }
0x23: {  	s6 =	simm.s32 @p0 $0x4E20;
	s0 =	simm.s32 @p0 $0x0;
	[sflag:s17] =	ssyncadd.s32 $0xFFFFB1E0  }
0x24: {  	[tilespmem:s6], [sflag:$0x6] =	stream.linear.gather @p0 [hbm4b:s5+s0], $0x500, $0x38;
	[tilespmem:$0x8F20] =	vst v63  }
0x25: {  	s6 =	simm.s32 @p0 $0x6  }
0x26: {  	_ =	swait.ge @p0 [sflag:s6], $0x500  }
0x27: {  	[sflag:s6] =	ssyncset.done @p0 $0x0  }
0x28: {  	s8 =	simm.s32 @p0 $0x5320;
	[sflag:s6] =	ssyncadd.s32 @p0 $0xFFFFFB00  }
0x29: {  	[tilespmem:s8], [sflag:$0x6] =	stream.linear.gather @p0 [hbm4b:s5+s0], $0x500, $0x38;
	[tilespmem:$0x8F20] =	vst v63  }
0x2a: {  	_ =	swait.ge @p0 [sflag:s6], $0x500  }
0x2b: {  	[sflag:s6] =	ssyncset.done @p0 $0x0  }
0x2c: {  	s8 =	simm.s32 @p0 $0x5820;
	[sflag:s6] =	ssyncadd.s32 @p0 $0xFFFFFB00  }
0x2d: {  	[tilespmem:s8], [sflag:$0x6] =	stream.linear.gather @p0 [hbm4b:s5+s0], $0x500, $0x38;
	[tilespmem:$0x8F20] =	vst v63  }
0x2e: {  	_ =	swait.ge @p0 [sflag:s6], $0x500  }
0x2f: {  	[sflag:s6] =	ssyncset.done @p0 $0x0  }
0x30: {  	s8 =	simm.s32 @p0 $0x5D20;
	[sflag:s6] =	ssyncadd.s32 @p0 $0xFFFFFB00  }
0x31: {  	[tilespmem:s8], [sflag:$0x6] =	stream.linear.gather @p0 [hbm4b:s5+s0], $0x500, $0x38;
	[tilespmem:$0x8F20] =	vst v63  }
0x32: {  	_ =	swait.ge @p0 [sflag:s6], $0x500  }
0x33: {  	[sflag:s6] =	ssyncset.done @p0 $0x0  }
0x34: {  	s8 =	simm.s32 @p0 $0x6220;
	[sflag:s6] =	ssyncadd.s32 @p0 $0xFFFFFB00  }
0x35: {  	[tilespmem:s8], [sflag:$0x6] =	stream.linear.gather @p0 [hbm4b:s5+s0], $0x500, $0x38;
	[tilespmem:$0x8F20] =	vst v63  }
0x36: {  	_ =	swait.ge @p0 [sflag:s6], $0x500  }
0x37: {  	s0 =	simm.s32 @!p0 $0x0;
	[sflag:s6] =	ssyncset.done @p0 $0x0  }
0x38: {  	s7 =	rddreg [dreg:$0x5];
	[sflag:s6] =	ssyncadd.s32 @p0 $0xFFFFFB00;
	s6 =	simm.s32 @!p0 $0x4E20  }
0x39: {  	[tilespmem:s6], [sflag:$0x1] =	stream.linear.gather @!p0 [hbm4b:s12+s0], $0x500, $0x38;
	[tilespmem:$0x8F20] =	vst v63  }
0x3a: {  	s16 =	rddreg [dreg:$0x9];
	s6 =	simm.s32 @!p0 $0x5320  }
0x3b: {  	[tilespmem:s6], [sflag:$0x2] =	stream.linear.gather @!p0 [hbm4b:s7+s0], $0x500, $0x38;
	[tilespmem:$0x8F20] =	vst v63  }
0x3c: {  	s6 =	simm.s32 @!p0 $0x5820;
	s7 =	rddreg [dreg:$0x6]  }
0x3d: {  	[tilespmem:s6], [sflag:$0x3] =	stream.linear.gather @!p0 [hbm4b:s7+s0], $0x500, $0x38;
	[tilespmem:$0x8F20] =	vst v63  }
0x3e: {  	s6 =	simm.s32 @!p0 $0x5D20;
	s7 =	rddreg [dreg:$0x7]  }
0x3f: {  	[tilespmem:s6], [sflag:$0x4] =	stream.linear.gather @!p0 [hbm4b:s7+s0], $0x500, $0x38;
	[tilespmem:$0x8F20] =	vst v63  }
0x40: {  	s6 =	simm.s32 @!p0 $0x6220;
	s7 =	rddreg [dreg:$0x8]  }
0x41: {  	[tilespmem:s6], [sflag:$0x5] =	stream.linear.gather @!p0 [hbm4b:s7+s0], $0x500, $0x38;
	[tilespmem:$0x8F20] =	vst v63  }
0x42: {  	[spmem:s19], [sflag:s18] =	dma.local [hbm:s16], $0x500  }
.Ltmp2:
0x43: {  	_ =	swait.ge [sflag:s17], $0x500;
	(pc) =	sbr.rel .LBB2_2-.Ltmp2, $4  }
0x44: {  	[sflag:s17] =	ssyncset.done $0x0  }
0x45: {  	[sflag:s17] =	ssyncadd.s32 $0xFFFFFB00  }
0x46: {  	s8 =	simm.s32 $0x0;
	[bflag:$0x0] =	sbarrier.arrive $0xFFFF  }
0x47: {  	s0 =	simm.s32 $0x9;
	s6 =	simm.s32 $0x0;
	s16 =	smov.u32 s1  }
.LBB2_21:
0x48: {  	s10 =	sadd.s32 $0x9, s10  }
.LBB2_22:
0x49: {  	s7 =	sadd.s32 $0x140, s9  }
0x4a: {  	[spmem:s2] =	stream.indirect.scatter.add.f32 [tilespmem:s30], [sflag:$0x6], $0x10, s7, s20, $0xb8;
	[tilespmem:$0x8F20] =	vst v63  }
0x4b: {  	s7 =	sadd.s32 @p2 s13, s10  }
0x4c: {  	_ =	swait.ge [sflag:s17], $0x500;
	s7 =	smul.u32 @p2 $0xA0, s7  }
0x4d: {  	s9 =	simm.s32 @p2 $0x0;
	s6 =	sadd.s32 $0x640, s6;
	[sflag:s17] =	ssyncset.done $0x0  }
0x4e: {  	s10 =	simm.s32 @p2 $0x6220;
	[sflag:s17] =	ssyncadd.s32 $0xFFFFFB00;
	s7 =	sadd.s32 @p2 s4, s7  }
0x4f: {  	[tilespmem:s10], [sflag:$0x5] =	stream.linear.gather @p2 [hbm4b:s7+s9], $0x500, $0x38;
	[tilespmem:$0x8F20] =	vst v63  }
0x50: {  	p2 =	sne.s32 s6, $0x13880  }
.Ltmp3:
0x51: {  	_ = 	snop;
	(pc) =	sbr.rel @!p2 .LBB2_23-.Ltmp3, $2  }
0x52: {  	_ =	sdelay $0x2  }
0x53: {  	s8 =	sadd.s32 $0x1, s8;
	s16 =	sadd.s32 $0x320, s16;
	s0 =	sadd.s32 $0x5, s0  }
.LBB2_2:
0x54: {  	s9 =	simm.s32 @!p0 $0x1;
	p2 =	sne.s32 s6, $0x13240  }
0x55: {  	_ =	swait.ge @!p0 [sflag:s9], $0x500;
	p2 =	por !p1, !p2  }
0x56: {  	[sflag:s9] =	ssyncset.done @!p0 $0x0;
	p2 =	por !p2, !p2  }
.Ltmp4:
0x57: {  	[sflag:s9] =	ssyncadd.s32 @!p0 $0xFFFFFB00;
	s9 =	sshra.s32 s6, $0x2;
	(pc) =	sbr.rel @!p2 .LBB2_5-.Ltmp4, $4  }
0x58: {  	[spmem:s2] =	stream.indirect.scatter.add.f32 [tilespmem:s21], [sflag:$0x6], $0x10, s9, s20, $0xb8;
	[tilespmem:$0x8F20] =	vst v63  }
0x59: {  	_ =	swait.ge [sflag:s17], $0x500  }
0x5a: {  	s10 =	smul.u32 $0x5, s8;
	[sflag:s17] =	ssyncset.done $0x0  }
0x5b: {  	[sflag:s17] =	ssyncadd.s32 $0xFFFFFB00  }
.Ltmp5:
0x5c: {  	(pc) =	sbr.rel .LBB2_4-.Ltmp5, $2  }
0x5d: {  	_ =	sdelay $0x2  }
0x5e: {  	[tilespmem:s21], [sflag:$0x1] =	stream.linear.gather [hbm4b:s16+s3], $0x500, $0x38;
	[tilespmem:$0x8F20] =	vst v63  }
.LBB2_5:
.Ltmp6:
0x5f: {  	(pc) =	sbr.rel @p0 .LBB2_6-.Ltmp6, $1  }
0x60: {  	_ =	sdelay $0x3  }
.LBB2_4:
.Ltmp7:
0x61: {  	(pc) =	sbr.rel .LBB2_7-.Ltmp7, $4  }
0x62: {  	_ = 	snop  }
0x63: {  	_ =	swait.ge [sflag:s22], $0x500  }
0x64: {  	[sflag:s22] =	ssyncset.done $0x0  }
0x65: {  	s11 =	sadd.s32 $0xFFFFFFFD, s0;
	[sflag:s22] =	ssyncadd.s32 $0xFFFFFB00  }
.LBB2_6:
0x66: {  	s11 =	sadd.s32 $0x6, s10  }
.LBB2_7:
.Ltmp8:
0x67: {  	s7 =	sadd.s32 $0x50, s9;
	(pc) =	sbr.rel @!p2 .LBB2_10-.Ltmp8, $4  }
0x68: {  	[spmem:s2] =	stream.indirect.scatter.add.f32 [tilespmem:s23], [sflag:$0x6], $0x10, s7, s20, $0xb8;
	[tilespmem:$0x8F20] =	vst v63  }
0x69: {  	_ =	swait.ge [sflag:s17], $0x500  }
0x6a: {  	[sflag:s17] =	ssyncset.done $0x0  }
0x6b: {  	[sflag:s17] =	ssyncadd.s32 $0xFFFFFB00  }
.Ltmp9:
0x6c: {  	s7 =	sadd.s32 s13, s11;
	(pc) =	sbr.rel .LBB2_9-.Ltmp9, $3  }
0x6d: {  	s7 =	smul.u32 $0xA0, s7;
	_ =	sdelay $0x1  }
0x6e: {  	s7 =	sadd.s32 s4, s7  }
0x6f: {  	[tilespmem:s23], [sflag:$0x2] =	stream.linear.gather [hbm4b:s7+s3], $0x500, $0x38;
	[tilespmem:$0x8F20] =	vst v63  }
.LBB2_10:
.Ltmp10:
0x70: {  	(pc) =	sbr.rel @p0 .LBB2_11-.Ltmp10, $1  }
0x71: {  	_ =	sdelay $0x3  }
.LBB2_9:
.Ltmp11:
0x72: {  	(pc) =	sbr.rel .LBB2_12-.Ltmp11, $4  }
0x73: {  	_ = 	snop  }
0x74: {  	_ =	swait.ge [sflag:s24], $0x500  }
0x75: {  	[sflag:s24] =	ssyncset.done $0x0  }
0x76: {  	s11 =	sadd.s32 $0xFFFFFFFE, s0;
	[sflag:s24] =	ssyncadd.s32 $0xFFFFFB00  }
.LBB2_11:
0x77: {  	s11 =	sadd.s32 $0x7, s10  }
.LBB2_12:
.Ltmp12:
0x78: {  	s7 =	sadd.s32 $0xA0, s9;
	(pc) =	sbr.rel @!p2 .LBB2_15-.Ltmp12, $4  }
0x79: {  	[spmem:s2] =	stream.indirect.scatter.add.f32 [tilespmem:s25], [sflag:$0x6], $0x10, s7, s20, $0xb8;
	[tilespmem:$0x8F20] =	vst v63  }
0x7a: {  	_ =	swait.ge [sflag:s17], $0x500  }
0x7b: {  	[sflag:s17] =	ssyncset.done $0x0  }
0x7c: {  	[sflag:s17] =	ssyncadd.s32 $0xFFFFFB00  }
.Ltmp13:
0x7d: {  	s7 =	sadd.s32 s13, s11;
	(pc) =	sbr.rel .LBB2_14-.Ltmp13, $3  }
0x7e: {  	s7 =	smul.u32 $0xA0, s7;
	_ =	sdelay $0x1  }
0x7f: {  	s7 =	sadd.s32 s4, s7  }
0x80: {  	[tilespmem:s25], [sflag:$0x3] =	stream.linear.gather [hbm4b:s7+s3], $0x500, $0x38;
	[tilespmem:$0x8F20] =	vst v63  }
.LBB2_15:
.Ltmp14:
0x81: {  	(pc) =	sbr.rel @p0 .LBB2_16-.Ltmp14, $1  }
0x82: {  	_ =	sdelay $0x3  }
.LBB2_14:
.Ltmp15:
0x83: {  	(pc) =	sbr.rel .LBB2_17-.Ltmp15, $4  }
0x84: {  	_ = 	snop  }
0x85: {  	_ =	swait.ge [sflag:s26], $0x500  }
0x86: {  	[sflag:s26] =	ssyncset.done $0x0  }
0x87: {  	s11 =	sadd.s32 $0xFFFFFFFF, s0;
	[sflag:s26] =	ssyncadd.s32 $0xFFFFFB00  }
.LBB2_16:
0x88: {  	s11 =	sadd.s32 $0x8, s10  }
.LBB2_17:
.Ltmp16:
0x89: {  	s7 =	sadd.s32 $0xF0, s9;
	(pc) =	sbr.rel @!p2 .LBB2_20-.Ltmp16, $4  }
0x8a: {  	[spmem:s2] =	stream.indirect.scatter.add.f32 [tilespmem:s28], [sflag:$0x6], $0x10, s7, s20, $0xb8;
	[tilespmem:$0x8F20] =	vst v63  }
0x8b: {  	_ =	swait.ge [sflag:s17], $0x500  }
0x8c: {  	[sflag:s17] =	ssyncset.done $0x0  }
0x8d: {  	[sflag:s17] =	ssyncadd.s32 $0xFFFFFB00  }
.Ltmp17:
0x8e: {  	s7 =	sadd.s32 s13, s11;
	(pc) =	sbr.rel .LBB2_19-.Ltmp17, $3  }
0x8f: {  	s7 =	smul.u32 $0xA0, s7;
	_ =	sdelay $0x1  }
0x90: {  	s7 =	sadd.s32 s4, s7  }
0x91: {  	[tilespmem:s28], [sflag:$0x4] =	stream.linear.gather [hbm4b:s7+s3], $0x500, $0x38;
	[tilespmem:$0x8F20] =	vst v63  }
.LBB2_20:
.Ltmp18:
0x92: {  	(pc) =	sbr.rel @p0 .LBB2_21-.Ltmp18, $1  }
0x93: {  	_ =	sdelay $0x3  }
.LBB2_19:
.Ltmp19:
0x94: {  	(pc) =	sbr.rel .LBB2_22-.Ltmp19, $4  }
0x95: {  	_ = 	snop  }
0x96: {  	_ =	swait.ge [sflag:s29], $0x500  }
0x97: {  	[sflag:s29] =	ssyncset.done $0x0  }
0x98: {  	s10 =	smov.u32 s0;
	[sflag:s29] =	ssyncadd.s32 $0xFFFFFB00  }
.LBB2_24:
0x99: {  	_ =	sfence.sel $0x180000  }
0x9a: {  	[bflag:$0x0] =	sbarrier.arrive $0xFFFF  }
0x9b: {  	_ =	strace $0x9000004A  }
0x9c: {  	s0 =	stileid.u32;
	[bflag:$0x2] =	sbarrier.arrive $0xFFFF  }
0x9d: {  	p0 =	sne.s32 s0, $0x0;
	s0 =	rddreg [dreg:$0x3]  }
0x9e: {  	s0 =	sadd.s32 @!p0 $0x100000, s0  }
0x9f: {  	[sflag:s0] =	ssyncadd.tile.s32 @!p0 $0x1;
	_ =	shalt  }
.Lfunc_end2:
_tile_overlayer_lowered:
.L_overlay_start_2:
0xa0: {  	(tag) =	ssettag $0x2  }
0xa1: {  	s0 =	rddreg [dreg:$0x0];
	s2 =	stileid.u32  }
0xa2: {  	s1 =	rddreg [dreg:$0x1];
	p0 =	sne.s32 s2, $0x0  }
0xa3: {  	s3 =	rddreg [dreg:$0x2];
	[bflag:$0x3] =	sbarrier.arrive $0xFFFF;
	s2 =	simm.s32 @!p0 $0x1C06  }
0xa4: {  	[timem:s3], [sflag:s2] =	dma.local @!p0 [hbm:s0], s1  }
0xa5: {  	s0 =	simm.s32 @!p0 $0x6  }
0xa6: {  	_ =	swait.ge @!p0 [sflag:s0], s1  }
0xa7: {  	s1 =	ssub.s32 @!p0 $0x0, s1;
	[sflag:s0] =	ssyncset.done @!p0 $0x0  }
0xa8: {  	[sflag:s0] =	ssyncadd.s32 @!p0 s1  }
0xa9: {  	[bflag:$0x3] =	sbarrier.arrive $0xFFFF  }
0xaa: {  	_ =	shalt  }

// kernel: kernel.13.cloned.1.call-start
scs
__scs_entry_jumppad:
0x0: {  	(pc) =	sbr.rel $0x88, $3  }
0x1: {  	(tag) =	ssettag $0x0;
	lr =	simm.s32 $0x1  }
0x2: {  	[smem:$0x3F96] =	sst lr;
	_ =	strace $0xD0000000  }
0x3: {  	_ = 	snop  }
0x4: {  	_ = 	snop  }
0x5: {  	_ = 	snop  }
0x6: {  	_ = 	snop  }
0x7: {  	_ = 	snop  }
__scs_overlays_trampoline_lowered:
0x8: {  	[smem:$0x3FA5] =	sst s0  }
0x9: {  	[smem:$0x3FA6] =	sst s1  }
0xa: {  	[smem:$0x3FA7] =	sst s2  }
0xb: {  	[smem:$0x3FA8] =	sst s3  }
0xc: {  	[smem:$0x3FA9] =	sst s4  }
0xd: {  	[smem:$0x3FAA] =	sst s5  }
0xe: {  	[smem:$0x3FAB] =	sst s6  }
0xf: {  	[smem:$0x3FAC] =	sst s7  }
0x10: {  	[smem:$0x3FAD] =	sst s8  }
0x11: {  	[smem:$0x3FAE] =	sst s9;
	s0 =	simm.s32 @!p0 $0x0  }
0x12: {  	s1 =	sld [smem:$0x3F94];
	s0 =	simm.s32 @p0 $0x1  }
0x13: {  	[smem:$0x3FAF] =	sst s0;
	s0 =	simm.s32 @!p1 $0x0  }
0x14: {  	s2 =	sld [smem:$0x3F93];
	s0 =	simm.s32 @p1 $0x1  }
0x15: {  	[smem:$0x3FB0] =	sst s0;
	s0 =	simm.s32 @!p2 $0x0  }
0x16: {  	s3 =	sld [smem:$0x3FDB];
	s0 =	simm.s32 @p2 $0x1  }
0x17: {  	s4 =	simm.s32 $0x1BF5;
	[smem:$0x3FB2] =	sst s0  }
0x18: {  	s0 =	sld [smem:$0x3F95];
	_ =	swait.ge [sflag:s4], $0x0  }
0x19: {  	s7 =	sld [smem:$0x3F96]  }
0x1a: {  	s8 =	sadd.s32 $0xFFFFE003, lr  }
0x1b: {  	s9 =	sadd.s32 $0xFFFFFEF7, lr;
	s5 =	simm.s32 $0xFFFFFFFF;
	p2 =	slt.u32 s8, $0xFFFFF086  }
0x1c: {  	p1 =	slt.u32 s9, $0xF7A;
	s5 =	simm.s32 @!p2 $0x0  }
0x1d: {  	s5 =	simm.s32 @p1 $0x1;
	p0 =	seq.s32 s7, s2  }
0x1e: {  	s7 =	smul.u32 @!p0 $0xF7A, s2;
	p2 =	seq.s32 @!p0 s5, $0x0  }
0x1f: {  	s9 =	smul.u32 $0xF7A, s1;
	s8 =	simm.s32 @!p0 $0x1BF5;
	p2 =	por !p2, p0  }
0x20: {  	[sflag:s8] =	ssyncset.s32 @!p0 $0xFFFFF086;
	s6 =	sadd.s32 @!p0 s3, s7;
	s7 =	simm.s32 @!p0 $0x108  }
0x21: {  	s3 =	sadd.s32 s3, s9;
	s6 =	sadd.s32 @!p0 $0x88, s6;
	s7 =	simm.s32 @p2 $0x1082  }
0x22: {  	[simem:s7], [sflag:s8] =	dma.local @!p0 [hbm:s6], $0xF7A  }
0x23: {  	s9 =	sor.u32 $0xD0000000, s2;
	s6 =	simm.s32 $0x108;
	_ =	swait.ge @!p0 [sflag:s8], $0x0  }
0x24: {  	s3 =	sadd.s32 $0x88, s3;
	s6 =	simm.s32 @!p1 $0x1082;
	[sflag:s4] =	ssyncset.s32 $0xFFFFF086  }
0x25: {  	[simem:s6], [sflag:s4] =	dma.local [hbm:s3], $0xF7A  }
0x26: {  	[smem:$0x3F96] =	sst s1;
	(tag) =	ssettag s2;
	_ =	strace s9  }
0x27: {  	s1 =	sld [smem:$0x3FA6]  }
0x28: {  	s2 =	sld [smem:$0x3FA7]  }
0x29: {  	s4 =	sld [smem:$0x3FA9]  }
0x2a: {  	p0 =	seq.s32 s5, $0x0;
	s5 =	sld [smem:$0x3FAA]  }
0x2b: {  	s6 =	sld [smem:$0x3FAB]  }
0x2c: {  	s7 =	sld [smem:$0x3FAC]  }
0x2d: {  	s3 =	simm.s32 $0x108;
	s8 =	sld [smem:$0x3FAD]  }
0x2e: {  	s3 =	simm.s32 @!p0 $0x1082;
	s9 =	sld [smem:$0x3FAE]  }
0x2f: {  	lr =	sadd.s32 s0, s3;
	s0 =	sld [smem:$0x3FA5]  }
0x30: {  	s3 =	sld [smem:$0x3FA8]  }
0x31: {  	[smem:$0x3FB1] =	sst s10  }
0x32: {  	s10 =	sld [smem:$0x3FAF];
	_ =	sdelay $0x3  }
0x33: {  	p0 =	seq.s32 s10, $0x1;
	s10 =	sld [smem:$0x3FB1];
	_ =	sdelay $0x3  }
0x34: {  	[smem:$0x3FB1] =	sst s10  }
0x35: {  	s10 =	sld [smem:$0x3FB0];
	_ =	sdelay $0x3  }
0x36: {  	p1 =	seq.s32 s10, $0x1;
	s10 =	sld [smem:$0x3FB1];
	_ =	sdelay $0x3  }
0x37: {  	[smem:$0x3FB1] =	sst s10  }
0x38: {  	s10 =	sld [smem:$0x3FB2]  }
0x39: {  	_ = 	snop;
	(pc) =	sbr.ind lr, $3  }
0x3a: {  	_ = 	snop  }
0x3b: {  	_ = 	snop  }
0x3c: {  	p2 =	seq.s32 s10, $0x1;
	s10 =	sld [smem:$0x3FB1]  }
0x3d: {  	_ =	shalt  }
0x3e: {  	_ =	shalt  }
0x3f: {  	_ =	shalt  }
0x40: {  	_ =	shalt  }
0x41: {  	_ =	shalt  }
0x42: {  	_ =	shalt  }
0x43: {  	_ =	shalt  }
0x44: {  	_ =	shalt  }
0x45: {  	_ =	shalt  }
0x46: {  	_ =	shalt  }
0x47: {  	_ =	shalt  }
0x48: {  	_ =	shalt  }
0x49: {  	_ =	shalt  }
0x4a: {  	_ =	shalt  }
0x4b: {  	_ =	shalt  }
0x4c: {  	_ =	shalt  }
0x4d: {  	_ =	shalt  }
0x4e: {  	_ =	shalt  }
0x4f: {  	_ =	shalt  }
0x50: {  	_ =	shalt  }
0x51: {  	_ =	shalt  }
0x52: {  	_ =	shalt  }
0x53: {  	_ =	shalt  }
0x54: {  	_ =	shalt  }
0x55: {  	_ =	shalt  }
0x56: {  	_ =	shalt  }
0x57: {  	_ =	shalt  }
0x58: {  	_ =	shalt  }
0x59: {  	_ =	shalt  }
0x5a: {  	_ =	shalt  }
0x5b: {  	_ =	shalt  }
0x5c: {  	_ =	shalt  }
0x5d: {  	_ =	shalt  }
0x5e: {  	_ =	shalt  }
0x5f: {  	_ =	shalt  }
0x60: {  	_ =	shalt  }
0x61: {  	_ =	shalt  }
0x62: {  	_ =	shalt  }
0x63: {  	_ =	shalt  }
0x64: {  	_ =	shalt  }
0x65: {  	_ =	shalt  }
0x66: {  	_ =	shalt  }
0x67: {  	_ =	shalt  }
0x68: {  	_ =	shalt  }
0x69: {  	_ =	shalt  }
0x6a: {  	_ =	shalt  }
0x6b: {  	_ =	shalt  }
0x6c: {  	_ =	shalt  }
0x6d: {  	_ =	shalt  }
0x6e: {  	_ =	shalt  }
0x6f: {  	_ =	shalt  }
0x70: {  	_ =	shalt  }
0x71: {  	_ =	shalt  }
0x72: {  	_ =	shalt  }
0x73: {  	_ =	shalt  }
0x74: {  	_ =	shalt  }
0x75: {  	_ =	shalt  }
0x76: {  	_ =	shalt  }
0x77: {  	_ =	shalt  }
0x78: {  	_ =	shalt  }
0x79: {  	_ =	shalt  }
0x7a: {  	_ =	shalt  }
0x7b: {  	_ =	shalt  }
0x7c: {  	_ =	shalt  }
0x7d: {  	_ =	shalt  }
0x7e: {  	_ =	shalt  }
0x7f: {  	_ =	shalt  }
0x80: {  	_ =	shalt  }
0x81: {  	_ =	shalt  }
0x82: {  	_ =	shalt  }
0x83: {  	_ =	shalt  }
0x84: {  	_ =	shalt  }
0x85: {  	_ =	shalt  }
0x86: {  	_ =	shalt  }
0x87: {  	_ =	shalt  }
.Lfunc_end0:
.L_simem_size_0:
called_computation.2_lowered:
.L_overlay_start_0:
0x88: {  	s2 =	sld [smem:$0x3FD9]  }
0x89: {  	s3 =	sld [smem:$0x3FFE];
	_ =	sdelay $0x1  }
0x8a: {  	s1 =	srdreg.scid  }
0x8b: {  	s0 =	sand.u32 $0x1, s1  }
0x8c: {  	s17 =	sshll.u32 s0, $0xA;
	s2 =	sadd.s32 s3, s2  }
0x8d: {  	s2 =	sadd.s32 s2, s17  }
0x8e: {  	[smem:$0x3FBD] =	sst s2  }
0x8f: {  	_ = 	snop  }
0x90: {  	s2 =	sld [smem:$0x3FD0];
	(tm) =	ssettm $0x1  }
0x91: {  	s18 =	sld [smem:$0x3FFB];
	_ =	sdelay $0x3  }
0x92: {  	_ =	strace s18  }
0x93: {  	s3 =	sld [smem:$0x3FFC];
	_ =	sdelay $0x3  }
0x94: {  	_ =	strace s3  }
0x95: {  	s3 =	sld [smem:$0x3FFD];
	_ =	sdelay $0x3  }
0x96: {  	_ =	strace s3  }
0x97: {  	_ =	strace $0x8FFFFFFF  }
0x98: {  	s19 =	sld [smem:$0x3FDB];
	_ =	sdelay $0x1  }
0x99: {  	s4 =	simm.s32 $_scs_section_size  }
0x9a: {  	s5 =	simm.s32 $_size__tile_overlayer_lowered;
	s6 =	simm.s32 $_tile_overlayer_lowered  }
0x9b: {  	s22 =	simm.s32 $0x1BFF;
	s21 =	sshll.u32 s6, $0x1;
	s3 =	sadd.s32 s4, s19  }
0x9c: {  	s7 =	simm.s32 $0x0;
	s20 =	sshll.u32 s5, $0x1;
	s5 =	sadd.s32 s21, s3  }
0x9d: {  	[timem:s7], [sflag:s22] =	dma.local [hbm:s5], s20  }
0x9e: {  	_ =	swait.ge [sflag:s22], s20  }
0x9f: {  	s4 =	ssub.s32 $0x0, s20;
	[sflag:s22] =	ssyncset.done $0x0  }
0xa0: {  	[sflag:s22] =	ssyncadd.s32 s4;
	_ =	sdelay $0x1  }
0xa1: {  	s23 =	simm.s32 $0x1B8B  }
0xa2: {  	_ =	swait.ge [sflag:s23], $0x1  }
0xa3: {  	[sflag:s23] =	ssyncset.done $0x0  }
0xa4: {  	s25 =	simm.s32 $0x1B8E;
	s24 =	sld [smem:$0x3FFE];
	[sflag:s23] =	ssyncadd.s32 $0xFFFFFFFF  }
0xa5: {  	s26 =	simm.s32 $execute0_lowered;
	[smem:$0x3FD2] =	sst s25  }
0xa6: {  	s5 =	sshll.u32 s26, $0x1;
	_ =	strace $0x8000004C;
	[dreg:$0x1] =	wrdreg $0xFFFFFFFF  }
0xa7: {  	s28 =	simm.s32 $_size_execute0_lowered;
	s3 =	sadd.s32 s3, s5;
	[dreg:$0x0] =	wrdreg $0x0  }
0xa8: {  	s5 =	sshll.u32 s28, $0x1;
	[dreg:$0x2] =	wrdreg s3  }
0xa9: {  	[dreg:$0x3] =	wrdreg s5  }
0xaa: {  	[dreg:$0x4] =	wrdreg $0xC0  }
0xab: {  	_ =	task [dreg:s7], $0x5FFFF  }
0xac: {  	[dreg:$0x1] =	wrdreg $0xFFFFFFFF  }
0xad: {  	[dreg:$0x0] =	wrdreg $0x60  }
0xae: {  	[dreg:$0x2] =	wrdreg s2  }
0xaf: {  	[dreg:$0x3] =	wrdreg s24  }
0xb0: {  	[dreg:$0x4] =	wrdreg $0x100400  }
0xb1: {  	[dreg:$0x5] =	wrdreg $0x9  }
0xb2: {  	_ =	task.clear_ibuf [dreg:s7], $0x6FFFF;
	_ =	strace $0x9000004C  }
0xb3: {  	s29 =	simm.s32 $0x9;
	_ =	strace $0x8000004E  }
0xb4: {  	_ =	swait.ge [sflag:s29], $0x1  }
0xb5: {  	[sflag:s29] =	ssyncadd.s32 $0xFFFFFFFF  }
0xb6: {  	_ =	strace $0x9000004E  }
0xb7: {  	_ =	sfence  }
0xb8: {  	s30 =	sld [smem:$0x0];
	_ =	sdelay $0x2  }
0xb9: {  	s31 =	sshll.u32 s1, $0xD;
	s1 =	sshrl.u32 s1, $0x2  }
0xba: {  	s3 =	sand.u32 $0x4000, s31;
	s1 =	sadd.s32 s1, s30  }
0xbb: {  	s0 =	sor.u32 s3, s0;
	s1 =	sshll.u32 s1, $0x11  }
0xbc: {  	s0 =	sor.u32 s1, s0  }
0xbd: {  	s0 =	sadd.s32 $0x8F2B, s0  }
0xbe: {  	[sflag:s0] =	ssyncadd.remote.s32 $0x1  }
0xbf: {  	_ =	sfence.sel $0xFFFF  }
0xc0: {  	[dreg:$0x0] =	wrdreg $0xFFFFFFFF;
	(pc) =	sbr.abs _section_cstart, $3  }
0xc1: {  	[dreg:$0x1] =	wrdreg $0xFFFFFFFF  }
0xc2: {  	_ =	task.clear_ibuf [dreg:s7], $0x2FFFF;
	_ =	strace $0x9FFFFFFF  }
0xc3: {  	(tm) =	ssettm $0x7FFFFFFF  }
tec
execute0_lowered:
.L_overlay_start_1:
0x0: {  	(tag) =	ssettag $0x1  }
0x1: {  	s1 =	rddreg [dreg:$0x0]  }
0x2: {  	s0 =	srdreg.scid;
	s2 =	rddreg [dreg:$0x1]  }
0x3: {  	s15 =	stileid.u32;
	s3 =	rddreg [dreg:$0x2]  }
0x4: {  	s12 =	simm.s32 $0x50;
	s13 =	simm.s32 $0x9C40;
	s14 =	simm.s32 $0xB040  }
0x5: {  	s16 =	simm.s32 $0xC440;
	s18 =	simm.s32 $0xD840;
	s20 =	simm.s32 $0xEC40  }
0x6: {  	s23 =	simm.s32 $0x1;
	s24 =	simm.s32 $0x2;
	s25 =	simm.s32 $0x3  }
0x7: {  	s26 =	simm.s32 $0x4;
	s28 =	simm.s32 $0x5;
	s6 =	smul.u32 $0x9C4, s15  }
0x8: {  	s31 =	simm.s32 $0x9B50;
	s17 =	simm.s32 $0x0;
	s7 =	smul.u32 $0x14000, s15  }
0x9: {  	s0 =	sand.u32 $0x1, s0;
	s8 =	smul.u32 $0xA000, s15;
	s30 =	sshll.u32 s15, $0x6  }
0xa: {  	s4 =	sshll.u32 s0, $0x4;
	s9 =	sshll.u32 s0, $0x6;
	s0 =	ssub.s32 $0x2, s0  }
0xb: {  	s21 =	sor.u32 $0x1C06, s30;
	s5 =	sor.u32 s15, s4;
	s4 =	simm.s32 $0x0  }
0xc: {  	s6 =	sadd.s32 s6, s2;
	s7 =	sor.u32 s9, s7;
	s29 =	sshrl.u32 s8, $0x3  }
0xd: {  	s10 =	sshrl.u32 s0, $0x1;
	s11 =	sadd.s32 s8, s3;
	s15 =	simm.s32 $0x8  }
0xe: {  	s5 =	smul.u32 $0x9C4, s5;
	[smem:$0x7FF] =	sst s4;
	s7 =	sshrl.u32 s7, $0x3  }
0xf: {  	s9 =	sadd.s32 s29, s2;
	s0 =	ssub.s32 s0, s10;
	s6 =	sadd.s32 $0x4400, s6  }
0x10: {  	s10 =	simm.s32 $0x6;
	s22 =	sshrl.u32 s11, $0x3;
	s11 =	simm.s32 $0x10  }
0x11: {  	_ =	strace $0x8000004D;
	s5 =	sadd.s32 s5, s2;
	s2 =	sadd.s32 s7, s2  }
0x12: {  	s7 =	sadd.s32 $0x21C00, s9;
	s9 =	smax.u32 s0, $0x1;
	s0 =	simm.s32 $0x9BF0  }
0x13: {  	s5 =	sadd.s32 $0xE200, s5;
	s8 =	sadd.s32 $0x35C00, s2;
	s2 =	simm.s32 $0x9BA0  }
.LBB2_1:
0x14: {  	[tilespmem:s4], [sflag:$0x6] =	stream.linear.gather [hbm4b:s5+s4], $0x4E20, $0x38;
	[tilespmem:$0x1A040] =	vst v63  }
0x15: {  	_ =	swait.ge [sflag:s10], $0x4E20  }
0x16: {  	[sflag:s10] =	ssyncset.done $0x0  }
0x17: {  	s19 =	simm.s32 $0x4E20;
	[sflag:s10] =	ssyncadd.s32 $0xFFFFB1E0  }
0x18: {  	[tilespmem:s19], [sflag:$0x6] =	stream.linear.gather [hbm4b:s6+s4], $0x4E20, $0x38;
	[tilespmem:$0x1A040] =	vst v63  }
0x19: {  	_ =	swait.ge [sflag:s10], $0x4E20  }
0x1a: {  	[sflag:s10] =	ssyncset.done $0x0  }
0x1b: {  	[sflag:s10] =	ssyncadd.s32 $0xFFFFB1E0  }
0x1c: {  	[tilespmem:s13], [sflag:$0x1] =	stream.indirect.gather [hbm4b:s1+s12], $0x40, s4, s12, $0xb8;
	[tilespmem:$0x1A040] =	vst v63  }
0x1d: {  	_ = 	snop  }
0x1e: {  	[tilespmem:s14], [sflag:$0x2] =	stream.indirect.gather [hbm4b:s1+s12], $0x40, s12, s12, $0xb8;
	[tilespmem:$0x1A040] =	vst v63  }
0x1f: {  	s30 =	simm.s32 $0xA0  }
0x20: {  	[tilespmem:s16], [sflag:$0x3] =	stream.indirect.gather [hbm4b:s1+s12], $0x40, s30, s12, $0xb8;
	[tilespmem:$0x1A040] =	vst v63  }
0x21: {  	s30 =	simm.s32 $0xF0  }
0x22: {  	[tilespmem:s18], [sflag:$0x4] =	stream.indirect.gather [hbm4b:s1+s12], $0x40, s30, s12, $0xb8;
	[tilespmem:$0x1A040] =	vst v63  }
0x23: {  	s30 =	simm.s32 $0x140  }
0x24: {  	[tilespmem:s20], [sflag:$0x5] =	stream.indirect.gather [hbm4b:s1+s12], $0x40, s30, s12, $0xb8;
	[tilespmem:$0x1A040] =	vst v63  }
0x25: {  	[spmem:s22], [sflag:s21] =	dma.local [hbm:s7], $0x1400  }
0x26: {  	_ =	swait.ge [sflag:s10], $0x1400  }
0x27: {  	[sflag:s10] =	ssyncset.done $0x0  }
0x28: {  	[sflag:s10] =	ssyncadd.s32 $0xFFFFEC00  }
0x29: {  	[bflag:$0x0] =	sbarrier.arrive $0xFFFF  }
0x2a: {  	_ =	swait.ge [sflag:s23], $0x1400  }
0x2b: {  	[sflag:s23] =	ssyncset.done $0x0  }
0x2c: {  	s30 =	simm.s32 $0x4E20;
	[sflag:s23] =	ssyncadd.s32 $0xFFFFEC00  }
0x2d: {  	[spmem:s3] =	stream.indirect.scatter.add.f32 [tilespmem:s13], [sflag:$0x6], $0x40, s30, s12, $0xb8;
	[tilespmem:$0x1A040] =	vst v63  }
0x2e: {  	_ =	swait.ge [sflag:s10], $0x1400  }
0x2f: {  	[sflag:s10] =	ssyncset.done $0x0  }
0x30: {  	s30 =	simm.s32 $0x190;
	[sflag:s10] =	ssyncadd.s32 $0xFFFFEC00  }
0x31: {  	[tilespmem:s13], [sflag:$0x1] =	stream.indirect.gather [hbm4b:s1+s12], $0x40, s30, s12, $0xb8;
	[tilespmem:$0x1A040] =	vst v63  }
0x32: {  	_ =	swait.ge [sflag:s24], $0x1400  }
0x33: {  	[sflag:s24] =	ssyncset.done $0x0  }
0x34: {  	s30 =	simm.s32 $0x4E70;
	[sflag:s24] =	ssyncadd.s32 $0xFFFFEC00  }
0x35: {  	[spmem:s3] =	stream.indirect.scatter.add.f32 [tilespmem:s14], [sflag:$0x6], $0x40, s30, s12, $0xb8;
	[tilespmem:$0x1A040] =	vst v63  }
0x36: {  	_ =	swait.ge [sflag:s10], $0x1400  }
0x37: {  	[sflag:s10] =	ssyncset.done $0x0  }
0x38: {  	s30 =	simm.s32 $0x1E0;
	[sflag:s10] =	ssyncadd.s32 $0xFFFFEC00  }
0x39: {  	[tilespmem:s14], [sflag:$0x2] =	stream.indirect.gather [hbm4b:s1+s12], $0x40, s30, s12, $0xb8;
	[tilespmem:$0x1A040] =	vst v63  }
0x3a: {  	_ =	swait.ge [sflag:s25], $0x1400  }
0x3b: {  	[sflag:s25] =	ssyncset.done $0x0  }
0x3c: {  	s30 =	simm.s32 $0x4EC0;
	[sflag:s25] =	ssyncadd.s32 $0xFFFFEC00  }
0x3d: {  	[spmem:s3] =	stream.indirect.scatter.add.f32 [tilespmem:s16], [sflag:$0x6], $0x40, s30, s12, $0xb8;
	[tilespmem:$0x1A040] =	vst v63  }
0x3e: {  	_ =	swait.ge [sflag:s10], $0x1400  }
0x3f: {  	[sflag:s10] =	ssyncset.done $0x0  }
0x40: {  	s30 =	simm.s32 $0x230;
	[sflag:s10] =	ssyncadd.s32 $0xFFFFEC00  }
0x41: {  	[tilespmem:s16], [sflag:$0x3] =	stream.indirect.gather [hbm4b:s1+s12], $0x40, s30, s12, $0xb8;
	[tilespmem:$0x1A040] =	vst v63  }
0x42: {  	_ =	swait.ge [sflag:s26], $0x1400  }
0x43: {  	[sflag:s26] =	ssyncset.done $0x0  }
0x44: {  	s30 =	simm.s32 $0x4F10;
	[sflag:s26] =	ssyncadd.s32 $0xFFFFEC00  }
0x45: {  	[spmem:s3] =	stream.indirect.scatter.add.f32 [tilespmem:s18], [sflag:$0x6], $0x40, s30, s12, $0xb8;
	[tilespmem:$0x1A040] =	vst v63  }
0x46: {  	_ =	swait.ge [sflag:s10], $0x1400  }
0x47: {  	[sflag:s10] =	ssyncset.done $0x0  }
0x48: {  	s30 =	simm.s32 $0x280;
	[sflag:s10] =	ssyncadd.s32 $0xFFFFEC00  }
0x49: {  	[tilespmem:s18], [sflag:$0x4] =	stream.indirect.gather [hbm4b:s1+s12], $0x40, s30, s12, $0xb8;
	[tilespmem:$0x1A040] =	vst v63  }
0x4a: {  	_ =	swait.ge [sflag:s28], $0x1400  }
0x4b: {  	[sflag:s28] =	ssyncset.done $0x0  }
0x4c: {  	s30 =	simm.s32 $0x4F60;
	[sflag:s28] =	ssyncadd.s32 $0xFFFFEC00  }
0x4d: {  	[spmem:s3] =	stream.indirect.scatter.add.f32 [tilespmem:s20], [sflag:$0x6], $0x40, s30, s12, $0xb8;
	[tilespmem:$0x1A040] =	vst v63  }
0x4e: {  	_ =	swait.ge [sflag:s10], $0x1400  }
0x4f: {  	[sflag:s10] =	ssyncset.done $0x0  }
0x50: {  	s29 =	simm.s32 $0x2D0;
	s19 =	simm.s32 $0x640;
	[sflag:s10] =	ssyncadd.s32 $0xFFFFEC00  }
.LBB2_2:
0x51: {  	[tilespmem:s20], [sflag:$0x5] =	stream.indirect.gather [hbm4b:s1+s12], $0x40, s29, s12, $0xb8;
	[tilespmem:$0x1A040] =	vst v63  }
0x52: {  	s29 =	smov.u32 s19  }
0x53: {  	p0 =	sne.s32 s19, $0x12C00;
	s19 =	sadd.s32 $0x640, s19;
	_ =	swait.ge [sflag:s23], $0x1400  }
0x54: {  	s29 =	sshra.s32 s29, $0x2;
	[sflag:s23] =	ssyncset.done $0x0  }
0x55: {  	s30 =	sadd.s32 $0x4E20, s29;
	[sflag:s23] =	ssyncadd.s32 $0xFFFFEC00  }
0x56: {  	[spmem:s3] =	stream.indirect.scatter.add.f32 [tilespmem:s13], [sflag:$0x6], $0x40, s30, s12, $0xb8;
	[tilespmem:$0x1A040] =	vst v63  }
0x57: {  	_ =	swait.ge [sflag:s10], $0x1400  }
0x58: {  	[sflag:s10] =	ssyncset.done $0x0  }
0x59: {  	s30 =	sadd.s32 $0x190, s29;
	[sflag:s10] =	ssyncadd.s32 $0xFFFFEC00  }
0x5a: {  	[tilespmem:s13], [sflag:$0x1] =	stream.indirect.gather [hbm4b:s1+s12], $0x40, s30, s12, $0xb8;
	[tilespmem:$0x1A040] =	vst v63  }
0x5b: {  	_ =	swait.ge [sflag:s24], $0x1400  }
0x5c: {  	[sflag:s24] =	ssyncset.done $0x0  }
0x5d: {  	s30 =	sadd.s32 $0x4E70, s29;
	[sflag:s24] =	ssyncadd.s32 $0xFFFFEC00  }
0x5e: {  	[spmem:s3] =	stream.indirect.scatter.add.f32 [tilespmem:s14], [sflag:$0x6], $0x40, s30, s12, $0xb8;
	[tilespmem:$0x1A040] =	vst v63  }
0x5f: {  	_ =	swait.ge [sflag:s10], $0x1400  }
0x60: {  	[sflag:s10] =	ssyncset.done $0x0  }
0x61: {  	s30 =	sadd.s32 $0x1E0, s29;
	[sflag:s10] =	ssyncadd.s32 $0xFFFFEC00  }
0x62: {  	[tilespmem:s14], [sflag:$0x2] =	stream.indirect.gather [hbm4b:s1+s12], $0x40, s30, s12, $0xb8;
	[tilespmem:$0x1A040] =	vst v63  }
0x63: {  	_ =	swait.ge [sflag:s25], $0x1400  }
0x64: {  	[sflag:s25] =	ssyncset.done $0x0  }
0x65: {  	s30 =	sadd.s32 $0x4EC0, s29;
	[sflag:s25] =	ssyncadd.s32 $0xFFFFEC00  }
0x66: {  	[spmem:s3] =	stream.indirect.scatter.add.f32 [tilespmem:s16], [sflag:$0x6], $0x40, s30, s12, $0xb8;
	[tilespmem:$0x1A040] =	vst v63  }
0x67: {  	_ =	swait.ge [sflag:s10], $0x1400  }
0x68: {  	[sflag:s10] =	ssyncset.done $0x0  }
0x69: {  	s30 =	sadd.s32 $0x230, s29;
	[sflag:s10] =	ssyncadd.s32 $0xFFFFEC00  }
0x6a: {  	[tilespmem:s16], [sflag:$0x3] =	stream.indirect.gather [hbm4b:s1+s12], $0x40, s30, s12, $0xb8;
	[tilespmem:$0x1A040] =	vst v63  }
0x6b: {  	_ =	swait.ge [sflag:s26], $0x1400  }
0x6c: {  	[sflag:s26] =	ssyncset.done $0x0  }
0x6d: {  	s30 =	sadd.s32 $0x4F10, s29;
	[sflag:s26] =	ssyncadd.s32 $0xFFFFEC00  }
0x6e: {  	[spmem:s3] =	stream.indirect.scatter.add.f32 [tilespmem:s18], [sflag:$0x6], $0x40, s30, s12, $0xb8;
	[tilespmem:$0x1A040] =	vst v63  }
0x6f: {  	_ =	swait.ge [sflag:s10], $0x1400  }
0x70: {  	[sflag:s10] =	ssyncset.done $0x0  }
0x71: {  	s30 =	sadd.s32 $0x280, s29;
	[sflag:s10] =	ssyncadd.s32 $0xFFFFEC00  }
0x72: {  	[tilespmem:s18], [sflag:$0x4] =	stream.indirect.gather [hbm4b:s1+s12], $0x40, s30, s12, $0xb8;
	[tilespmem:$0x1A040] =	vst v63  }
0x73: {  	_ =	swait.ge [sflag:s28], $0x1400  }
0x74: {  	[sflag:s28] =	ssyncset.done $0x0  }
.Ltmp0:
0x75: {  	s30 =	sadd.s32 $0x4F60, s29;
	[sflag:s28] =	ssyncadd.s32 $0xFFFFEC00;
	(pc) =	sbr.rel @p0 .LBB2_2-.Ltmp0, $4  }
0x76: {  	[spmem:s3] =	stream.indirect.scatter.add.f32 [tilespmem:s20], [sflag:$0x6], $0x40, s30, s12, $0xb8;
	[tilespmem:$0x1A040] =	vst v63  }
0x77: {  	_ =	swait.ge [sflag:s10], $0x1400  }
0x78: {  	[sflag:s10] =	ssyncset.done $0x0  }
0x79: {  	s29 =	sadd.s32 $0x2D0, s29;
	[sflag:s10] =	ssyncadd.s32 $0xFFFFEC00  }
0x7a: {  	[tilespmem:s20], [sflag:$0x5] =	stream.indirect.gather [hbm4b:s1+s12], $0x40, s29, s12, $0xb8;
	[tilespmem:$0x1A040] =	vst v63  }
0x7b: {  	_ =	swait.ge [sflag:s23], $0x1400  }
0x7c: {  	[sflag:s23] =	ssyncset.done $0x0  }
0x7d: {  	s19 =	simm.s32 $0x9AB0;
	[sflag:s23] =	ssyncadd.s32 $0xFFFFEC00  }
0x7e: {  	[spmem:s3] =	stream.indirect.scatter.add.f32 [tilespmem:s13], [sflag:$0x6], $0x40, s19, s12, $0xb8;
	[tilespmem:$0x1A040] =	vst v63  }
0x7f: {  	_ =	swait.ge [sflag:s10], $0x1400  }
0x80: {  	[sflag:s10] =	ssyncset.done $0x0  }
0x81: {  	[sflag:s10] =	ssyncadd.s32 $0xFFFFEC00  }
0x82: {  	_ =	swait.ge [sflag:s24], $0x1400  }
0x83: {  	[sflag:s24] =	ssyncset.done $0x0  }
0x84: {  	s30 =	simm.s32 $0x9B00;
	[sflag:s24] =	ssyncadd.s32 $0xFFFFEC00  }
0x85: {  	[spmem:s3] =	stream.indirect.scatter.add.f32 [tilespmem:s14], [sflag:$0x6], $0x40, s30, s12, $0xb8;
	[tilespmem:$0x1A040] =	vst v63  }
0x86: {  	_ =	swait.ge [sflag:s10], $0x1400  }
0x87: {  	[sflag:s10] =	ssyncset.done $0x0  }
0x88: {  	[sflag:s10] =	ssyncadd.s32 $0xFFFFEC00  }
0x89: {  	_ =	swait.ge [sflag:s25], $0x1400  }
0x8a: {  	[sflag:s25] =	ssyncset.done $0x0  }
0x8b: {  	[sflag:s25] =	ssyncadd.s32 $0xFFFFEC00  }
0x8c: {  	[spmem:s3] =	stream.indirect.scatter.add.f32 [tilespmem:s16], [sflag:$0x6], $0x40, s31, s12, $0xb8;
	[tilespmem:$0x1A040] =	vst v63  }
0x8d: {  	_ =	swait.ge [sflag:s10], $0x1400  }
0x8e: {  	[sflag:s10] =	ssyncset.done $0x0  }
0x8f: {  	[sflag:s10] =	ssyncadd.s32 $0xFFFFEC00  }
0x90: {  	_ =	swait.ge [sflag:s26], $0x1400  }
0x91: {  	[sflag:s26] =	ssyncset.done $0x0  }
0x92: {  	[sflag:s26] =	ssyncadd.s32 $0xFFFFEC00  }
0x93: {  	[spmem:s3] =	stream.indirect.scatter.add.f32 [tilespmem:s18], [sflag:$0x6], $0x40, s2, s12, $0xb8;
	[tilespmem:$0x1A040] =	vst v63  }
0x94: {  	_ =	swait.ge [sflag:s10], $0x1400  }
0x95: {  	[sflag:s10] =	ssyncset.done $0x0  }
0x96: {  	[sflag:s10] =	ssyncadd.s32 $0xFFFFEC00  }
0x97: {  	_ =	swait.ge [sflag:s28], $0x1400  }
0x98: {  	[sflag:s28] =	ssyncset.done $0x0  }
0x99: {  	[sflag:s28] =	ssyncadd.s32 $0xFFFFEC00  }
0x9a: {  	[spmem:s3] =	stream.indirect.scatter.add.f32 [tilespmem:s20], [sflag:$0x6], $0x40, s0, s12, $0xb8;
	[tilespmem:$0x1A040] =	vst v63  }
0x9b: {  	_ =	swait.ge [sflag:s10], $0x1400  }
0x9c: {  	s17 =	sadd.s32 $0x1, s17;
	[sflag:s10] =	ssyncset.done $0x0  }
0x9d: {  	p0 =	sne.s32 s17, s9;
	[sflag:s10] =	ssyncadd.s32 $0xFFFFEC00  }
.Ltmp1:
0x9e: {  	[bflag:$0x0] =	sbarrier.arrive $0xFFFF;
	(pc) =	sbr.rel @p0 .LBB2_1-.Ltmp1, $4  }
0x9f: {  	[hbm:s8@s11], [sflag:s21] =	dma.strided [spmem:s22@s15], $0x1400, s23, $0x8   }
0xa0: {  	_ =	swait.ge [sflag:s10], $0x1400  }
0xa1: {  	[sflag:s10] =	ssyncset.done $0x0  }
0xa2: {  	[sflag:s10] =	ssyncadd.s32 $0xFFFFEC00  }
0xa3: {  	_ =	sfence.sel $0x180000  }
0xa4: {  	[bflag:$0x0] =	sbarrier.arrive $0xFFFF  }
0xa5: {  	_ =	strace $0x9000004D  }
0xa6: {  	s0 =	stileid.u32;
	[bflag:$0x2] =	sbarrier.arrive $0xFFFF  }
0xa7: {  	p0 =	sne.s32 s0, $0x0;
	s0 =	rddreg [dreg:$0x3]  }
0xa8: {  	s0 =	sadd.s32 @!p0 $0x100000, s0  }
0xa9: {  	[sflag:s0] =	ssyncadd.tile.s32 @!p0 $0x1;
	_ =	shalt  }
.Lfunc_end2:
_tile_overlayer_lowered:
.L_overlay_start_2:
0xaa: {  	(tag) =	ssettag $0x2  }
0xab: {  	s0 =	rddreg [dreg:$0x0];
	s2 =	stileid.u32  }
0xac: {  	s1 =	rddreg [dreg:$0x1];
	p0 =	sne.s32 s2, $0x0  }
0xad: {  	s3 =	rddreg [dreg:$0x2];
	[bflag:$0x3] =	sbarrier.arrive $0xFFFF;
	s2 =	simm.s32 @!p0 $0x1C06  }
0xae: {  	[timem:s3], [sflag:s2] =	dma.local @!p0 [hbm:s0], s1  }
0xaf: {  	s0 =	simm.s32 @!p0 $0x6  }
0xb0: {  	_ =	swait.ge @!p0 [sflag:s0], s1  }
0xb1: {  	s1 =	ssub.s32 @!p0 $0x0, s1;
	[sflag:s0] =	ssyncset.done @!p0 $0x0  }
0xb2: {  	[sflag:s0] =	ssyncadd.s32 @!p0 s1  }
0xb3: {  	[bflag:$0x3] =	sbarrier.arrive $0xFFFF  }
0xb4: {  	_ =	shalt  }

// kernel: kernel.7.cloned.1.call-start
scs
__scs_entry_jumppad:
0x0: {  	(pc) =	sbr.rel $0x88, $3  }
0x1: {  	(tag) =	ssettag $0x0;
	lr =	simm.s32 $0x1  }
0x2: {  	[smem:$0x3F96] =	sst lr;
	_ =	strace $0xD0000000  }
0x3: {  	_ = 	snop  }
0x4: {  	_ = 	snop  }
0x5: {  	_ = 	snop  }
0x6: {  	_ = 	snop  }
0x7: {  	_ = 	snop  }
__scs_overlays_trampoline_lowered:
0x8: {  	[smem:$0x3FA5] =	sst s0  }
0x9: {  	[smem:$0x3FA6] =	sst s1  }
0xa: {  	[smem:$0x3FA7] =	sst s2  }
0xb: {  	[smem:$0x3FA8] =	sst s3  }
0xc: {  	[smem:$0x3FA9] =	sst s4  }
0xd: {  	[smem:$0x3FAA] =	sst s5  }
0xe: {  	[smem:$0x3FAB] =	sst s6  }
0xf: {  	[smem:$0x3FAC] =	sst s7  }
0x10: {  	[smem:$0x3FAD] =	sst s8  }
0x11: {  	[smem:$0x3FAE] =	sst s9;
	s0 =	simm.s32 @!p0 $0x0  }
0x12: {  	s1 =	sld [smem:$0x3F94];
	s0 =	simm.s32 @p0 $0x1  }
0x13: {  	[smem:$0x3FAF] =	sst s0;
	s0 =	simm.s32 @!p1 $0x0  }
0x14: {  	s2 =	sld [smem:$0x3F93];
	s0 =	simm.s32 @p1 $0x1  }
0x15: {  	[smem:$0x3FB0] =	sst s0;
	s0 =	simm.s32 @!p2 $0x0  }
0x16: {  	s3 =	sld [smem:$0x3FDB];
	s0 =	simm.s32 @p2 $0x1  }
0x17: {  	s4 =	simm.s32 $0x1BF5;
	[smem:$0x3FB2] =	sst s0  }
0x18: {  	s0 =	sld [smem:$0x3F95];
	_ =	swait.ge [sflag:s4], $0x0  }
0x19: {  	s7 =	sld [smem:$0x3F96]  }
0x1a: {  	s8 =	sadd.s32 $0xFFFFE003, lr  }
0x1b: {  	s9 =	sadd.s32 $0xFFFFFEF7, lr;
	s5 =	simm.s32 $0xFFFFFFFF;
	p2 =	slt.u32 s8, $0xFFFFF086  }
0x1c: {  	p1 =	slt.u32 s9, $0xF7A;
	s5 =	simm.s32 @!p2 $0x0  }
0x1d: {  	s5 =	simm.s32 @p1 $0x1;
	p0 =	seq.s32 s7, s2  }
0x1e: {  	s7 =	smul.u32 @!p0 $0xF7A, s2;
	p2 =	seq.s32 @!p0 s5, $0x0  }
0x1f: {  	s9 =	smul.u32 $0xF7A, s1;
	s8 =	simm.s32 @!p0 $0x1BF5;
	p2 =	por !p2, p0  }
0x20: {  	[sflag:s8] =	ssyncset.s32 @!p0 $0xFFFFF086;
	s6 =	sadd.s32 @!p0 s3, s7;
	s7 =	simm.s32 @!p0 $0x108  }
0x21: {  	s3 =	sadd.s32 s3, s9;
	s6 =	sadd.s32 @!p0 $0x88, s6;
	s7 =	simm.s32 @p2 $0x1082  }
0x22: {  	[simem:s7], [sflag:s8] =	dma.local @!p0 [hbm:s6], $0xF7A  }
0x23: {  	s9 =	sor.u32 $0xD0000000, s2;
	s6 =	simm.s32 $0x108;
	_ =	swait.ge @!p0 [sflag:s8], $0x0  }
0x24: {  	s3 =	sadd.s32 $0x88, s3;
	s6 =	simm.s32 @!p1 $0x1082;
	[sflag:s4] =	ssyncset.s32 $0xFFFFF086  }
0x25: {  	[simem:s6], [sflag:s4] =	dma.local [hbm:s3], $0xF7A  }
0x26: {  	[smem:$0x3F96] =	sst s1;
	(tag) =	ssettag s2;
	_ =	strace s9  }
0x27: {  	s1 =	sld [smem:$0x3FA6]  }
0x28: {  	s2 =	sld [smem:$0x3FA7]  }
0x29: {  	s4 =	sld [smem:$0x3FA9]  }
0x2a: {  	p0 =	seq.s32 s5, $0x0;
	s5 =	sld [smem:$0x3FAA]  }
0x2b: {  	s6 =	sld [smem:$0x3FAB]  }
0x2c: {  	s7 =	sld [smem:$0x3FAC]  }
0x2d: {  	s3 =	simm.s32 $0x108;
	s8 =	sld [smem:$0x3FAD]  }
0x2e: {  	s3 =	simm.s32 @!p0 $0x1082;
	s9 =	sld [smem:$0x3FAE]  }
0x2f: {  	lr =	sadd.s32 s0, s3;
	s0 =	sld [smem:$0x3FA5]  }
0x30: {  	s3 =	sld [smem:$0x3FA8]  }
0x31: {  	[smem:$0x3FB1] =	sst s10  }
0x32: {  	s10 =	sld [smem:$0x3FAF];
	_ =	sdelay $0x3  }
0x33: {  	p0 =	seq.s32 s10, $0x1;
	s10 =	sld [smem:$0x3FB1];
	_ =	sdelay $0x3  }
0x34: {  	[smem:$0x3FB1] =	sst s10  }
0x35: {  	s10 =	sld [smem:$0x3FB0];
	_ =	sdelay $0x3  }
0x36: {  	p1 =	seq.s32 s10, $0x1;
	s10 =	sld [smem:$0x3FB1];
	_ =	sdelay $0x3  }
0x37: {  	[smem:$0x3FB1] =	sst s10  }
0x38: {  	s10 =	sld [smem:$0x3FB2]  }
0x39: {  	_ = 	snop;
	(pc) =	sbr.ind lr, $3  }
0x3a: {  	_ = 	snop  }
0x3b: {  	_ = 	snop  }
0x3c: {  	p2 =	seq.s32 s10, $0x1;
	s10 =	sld [smem:$0x3FB1]  }
0x3d: {  	_ =	shalt  }
0x3e: {  	_ =	shalt  }
0x3f: {  	_ =	shalt  }
0x40: {  	_ =	shalt  }
0x41: {  	_ =	shalt  }
0x42: {  	_ =	shalt  }
0x43: {  	_ =	shalt  }
0x44: {  	_ =	shalt  }
0x45: {  	_ =	shalt  }
0x46: {  	_ =	shalt  }
0x47: {  	_ =	shalt  }
0x48: {  	_ =	shalt  }
0x49: {  	_ =	shalt  }
0x4a: {  	_ =	shalt  }
0x4b: {  	_ =	shalt  }
0x4c: {  	_ =	shalt  }
0x4d: {  	_ =	shalt  }
0x4e: {  	_ =	shalt  }
0x4f: {  	_ =	shalt  }
0x50: {  	_ =	shalt  }
0x51: {  	_ =	shalt  }
0x52: {  	_ =	shalt  }
0x53: {  	_ =	shalt  }
0x54: {  	_ =	shalt  }
0x55: {  	_ =	shalt  }
0x56: {  	_ =	shalt  }
0x57: {  	_ =	shalt  }
0x58: {  	_ =	shalt  }
0x59: {  	_ =	shalt  }
0x5a: {  	_ =	shalt  }
0x5b: {  	_ =	shalt  }
0x5c: {  	_ =	shalt  }
0x5d: {  	_ =	shalt  }
0x5e: {  	_ =	shalt  }
0x5f: {  	_ =	shalt  }
0x60: {  	_ =	shalt  }
0x61: {  	_ =	shalt  }
0x62: {  	_ =	shalt  }
0x63: {  	_ =	shalt  }
0x64: {  	_ =	shalt  }
0x65: {  	_ =	shalt  }
0x66: {  	_ =	shalt  }
0x67: {  	_ =	shalt  }
0x68: {  	_ =	shalt  }
0x69: {  	_ =	shalt  }
0x6a: {  	_ =	shalt  }
0x6b: {  	_ =	shalt  }
0x6c: {  	_ =	shalt  }
0x6d: {  	_ =	shalt  }
0x6e: {  	_ =	shalt  }
0x6f: {  	_ =	shalt  }
0x70: {  	_ =	shalt  }
0x71: {  	_ =	shalt  }
0x72: {  	_ =	shalt  }
0x73: {  	_ =	shalt  }
0x74: {  	_ =	shalt  }
0x75: {  	_ =	shalt  }
0x76: {  	_ =	shalt  }
0x77: {  	_ =	shalt  }
0x78: {  	_ =	shalt  }
0x79: {  	_ =	shalt  }
0x7a: {  	_ =	shalt  }
0x7b: {  	_ =	shalt  }
0x7c: {  	_ =	shalt  }
0x7d: {  	_ =	shalt  }
0x7e: {  	_ =	shalt  }
0x7f: {  	_ =	shalt  }
0x80: {  	_ =	shalt  }
0x81: {  	_ =	shalt  }
0x82: {  	_ =	shalt  }
0x83: {  	_ =	shalt  }
0x84: {  	_ =	shalt  }
0x85: {  	_ =	shalt  }
0x86: {  	_ =	shalt  }
0x87: {  	_ =	shalt  }
.Lfunc_end0:
.L_simem_size_0:
called_computation_lowered:
.L_overlay_start_0:
0x88: {  	s2 =	sld [smem:$0x3FD9]  }
0x89: {  	s3 =	sld [smem:$0x3FFE];
	_ =	sdelay $0x1  }
0x8a: {  	s1 =	srdreg.scid  }
0x8b: {  	s0 =	sand.u32 $0x1, s1  }
0x8c: {  	s17 =	sshll.u32 s0, $0xA;
	s2 =	sadd.s32 s3, s2  }
0x8d: {  	s2 =	sadd.s32 s2, s17  }
0x8e: {  	[smem:$0x3FBD] =	sst s2  }
0x8f: {  	_ = 	snop  }
0x90: {  	s2 =	sld [smem:$0x3FC9];
	(tm) =	ssettm $0x1  }
0x91: {  	s18 =	sld [smem:$0x3FFB];
	_ =	sdelay $0x3  }
0x92: {  	_ =	strace s18  }
0x93: {  	s3 =	sld [smem:$0x3FFC];
	_ =	sdelay $0x3  }
0x94: {  	_ =	strace s3  }
0x95: {  	s3 =	sld [smem:$0x3FFD];
	_ =	sdelay $0x3  }
0x96: {  	_ =	strace s3  }
0x97: {  	_ =	strace $0x8FFFFFFF  }
0x98: {  	s19 =	sld [smem:$0x3FDB];
	_ =	sdelay $0x1  }
0x99: {  	s4 =	simm.s32 $_scs_section_size  }
0x9a: {  	s5 =	simm.s32 $_size__tile_overlayer_lowered;
	s6 =	simm.s32 $_tile_overlayer_lowered  }
0x9b: {  	s22 =	simm.s32 $0x1BFF;
	s21 =	sshll.u32 s6, $0x1;
	s3 =	sadd.s32 s4, s19  }
0x9c: {  	s7 =	simm.s32 $0x0;
	s20 =	sshll.u32 s5, $0x1;
	s5 =	sadd.s32 s21, s3  }
0x9d: {  	[timem:s7], [sflag:s22] =	dma.local [hbm:s5], s20  }
0x9e: {  	_ =	swait.ge [sflag:s22], s20  }
0x9f: {  	s4 =	ssub.s32 $0x0, s20;
	[sflag:s22] =	ssyncset.done $0x0  }
0xa0: {  	[sflag:s22] =	ssyncadd.s32 s4;
	_ =	sdelay $0x1  }
0xa1: {  	s23 =	simm.s32 $0x1B8B  }
0xa2: {  	_ =	swait.ge [sflag:s23], $0x1  }
0xa3: {  	[sflag:s23] =	ssyncset.done $0x0  }
0xa4: {  	s25 =	simm.s32 $0x1B8E;
	s24 =	sld [smem:$0x3FFE];
	[sflag:s23] =	ssyncadd.s32 $0xFFFFFFFF  }
0xa5: {  	s26 =	simm.s32 $execute0_lowered;
	[smem:$0x3FD2] =	sst s25  }
0xa6: {  	s5 =	sshll.u32 s26, $0x1;
	_ =	strace $0x80000046;
	[dreg:$0x1] =	wrdreg $0xFFFFFFFF  }
0xa7: {  	s28 =	simm.s32 $_size_execute0_lowered;
	s3 =	sadd.s32 s3, s5;
	[dreg:$0x0] =	wrdreg $0x0  }
0xa8: {  	s5 =	sshll.u32 s28, $0x1;
	[dreg:$0x2] =	wrdreg s3  }
0xa9: {  	[dreg:$0x3] =	wrdreg s5  }
0xaa: {  	[dreg:$0x4] =	wrdreg $0xC0  }
0xab: {  	_ =	task [dreg:s7], $0x5FFFF  }
0xac: {  	[dreg:$0x1] =	wrdreg $0xFFFFFFFF  }
0xad: {  	[dreg:$0x0] =	wrdreg $0x60  }
0xae: {  	[dreg:$0x2] =	wrdreg s2  }
0xaf: {  	[dreg:$0x3] =	wrdreg s24  }
0xb0: {  	[dreg:$0x4] =	wrdreg $0x100400  }
0xb1: {  	[dreg:$0x5] =	wrdreg $0x9  }
0xb2: {  	_ =	task.clear_ibuf [dreg:s7], $0x6FFFF;
	_ =	strace $0x90000046  }
0xb3: {  	s29 =	simm.s32 $0x9;
	_ =	strace $0x80000048  }
0xb4: {  	_ =	swait.ge [sflag:s29], $0x1  }
0xb5: {  	[sflag:s29] =	ssyncadd.s32 $0xFFFFFFFF  }
0xb6: {  	_ =	strace $0x90000048  }
0xb7: {  	_ =	sfence  }
0xb8: {  	s30 =	sld [smem:$0x0];
	_ =	sdelay $0x2  }
0xb9: {  	s31 =	sshll.u32 s1, $0xD;
	s1 =	sshrl.u32 s1, $0x2  }
0xba: {  	s3 =	sand.u32 $0x4000, s31;
	s1 =	sadd.s32 s1, s30  }
0xbb: {  	s0 =	sor.u32 s3, s0;
	s1 =	sshll.u32 s1, $0x11  }
0xbc: {  	s0 =	sor.u32 s1, s0  }
0xbd: {  	s0 =	sadd.s32 $0x8F2B, s0  }
0xbe: {  	[sflag:s0] =	ssyncadd.remote.s32 $0x1  }
0xbf: {  	_ =	sfence.sel $0xFFFF  }
0xc0: {  	[dreg:$0x0] =	wrdreg $0xFFFFFFFF;
	(pc) =	sbr.abs _section_cstart, $3  }
0xc1: {  	[dreg:$0x1] =	wrdreg $0xFFFFFFFF  }
0xc2: {  	_ =	task.clear_ibuf [dreg:s7], $0x2FFFF;
	_ =	strace $0x9FFFFFFF  }
0xc3: {  	(tm) =	ssettm $0x7FFFFFFF  }
tec
execute0_lowered:
.L_overlay_start_1:
0x0: {  	(tag) =	ssettag $0x1  }
0x1: {  	s1 =	rddreg [dreg:$0x0]  }
0x2: {  	s0 =	srdreg.scid;
	s2 =	rddreg [dreg:$0x1]  }
0x3: {  	s15 =	stileid.u32;
	s3 =	rddreg [dreg:$0x2]  }
0x4: {  	s12 =	simm.s32 $0x50;
	s13 =	simm.s32 $0x9C40;
	s14 =	simm.s32 $0xB040  }
0x5: {  	s16 =	simm.s32 $0xC440;
	s18 =	simm.s32 $0xD840;
	s20 =	simm.s32 $0xEC40  }
0x6: {  	s23 =	simm.s32 $0x1;
	s24 =	simm.s32 $0x2;
	s25 =	simm.s32 $0x3  }
0x7: {  	s26 =	simm.s32 $0x4;
	s28 =	simm.s32 $0x5;
	s6 =	smul.u32 $0x9C4, s15  }
0x8: {  	s31 =	simm.s32 $0x9B50;
	s17 =	simm.s32 $0x0;
	s7 =	smul.u32 $0x14000, s15  }
0x9: {  	s0 =	sand.u32 $0x1, s0;
	s8 =	smul.u32 $0xA000, s15;
	s30 =	sshll.u32 s15, $0x6  }
0xa: {  	s4 =	sshll.u32 s0, $0x4;
	s9 =	sshll.u32 s0, $0x6;
	s0 =	ssub.s32 $0x2, s0  }
0xb: {  	s21 =	sor.u32 $0x1C06, s30;
	s5 =	sor.u32 s15, s4;
	s4 =	simm.s32 $0x0  }
0xc: {  	s6 =	sadd.s32 s6, s2;
	s7 =	sor.u32 s9, s7;
	s29 =	sshrl.u32 s8, $0x3  }
0xd: {  	s10 =	sshrl.u32 s0, $0x1;
	s11 =	sadd.s32 s8, s3;
	s15 =	simm.s32 $0x8  }
0xe: {  	s5 =	smul.u32 $0x9C4, s5;
	[smem:$0x7FF] =	sst s4;
	s7 =	sshrl.u32 s7, $0x3  }
0xf: {  	s9 =	sadd.s32 s29, s2;
	s0 =	ssub.s32 s0, s10;
	s6 =	sadd.s32 $0x4400, s6  }
0x10: {  	s10 =	simm.s32 $0x6;
	s22 =	sshrl.u32 s11, $0x3;
	s11 =	simm.s32 $0x10  }
0x11: {  	_ =	strace $0x80000047;
	s5 =	sadd.s32 s5, s2;
	s2 =	sadd.s32 s7, s2  }
0x12: {  	s7 =	sadd.s32 $0x21C00, s9;
	s9 =	smax.u32 s0, $0x1;
	s0 =	simm.s32 $0x9BF0  }
0x13: {  	s5 =	sadd.s32 $0xE200, s5;
	s8 =	sadd.s32 $0x35C00, s2;
	s2 =	simm.s32 $0x9BA0  }
.LBB2_1:
0x14: {  	[tilespmem:s4], [sflag:$0x6] =	stream.linear.gather [hbm4b:s5+s4], $0x4E20, $0x38;
	[tilespmem:$0x1A040] =	vst v63  }
0x15: {  	_ =	swait.ge [sflag:s10], $0x4E20  }
0x16: {  	[sflag:s10] =	ssyncset.done $0x0  }
0x17: {  	s19 =	simm.s32 $0x4E20;
	[sflag:s10] =	ssyncadd.s32 $0xFFFFB1E0  }
0x18: {  	[tilespmem:s19], [sflag:$0x6] =	stream.linear.gather [hbm4b:s6+s4], $0x4E20, $0x38;
	[tilespmem:$0x1A040] =	vst v63  }
0x19: {  	_ =	swait.ge [sflag:s10], $0x4E20  }
0x1a: {  	[sflag:s10] =	ssyncset.done $0x0  }
0x1b: {  	[sflag:s10] =	ssyncadd.s32 $0xFFFFB1E0  }
0x1c: {  	[tilespmem:s13], [sflag:$0x1] =	stream.indirect.gather [hbm4b:s1+s12], $0x40, s4, s12, $0xb8;
	[tilespmem:$0x1A040] =	vst v63  }
0x1d: {  	_ = 	snop  }
0x1e: {  	[tilespmem:s14], [sflag:$0x2] =	stream.indirect.gather [hbm4b:s1+s12], $0x40, s12, s12, $0xb8;
	[tilespmem:$0x1A040] =	vst v63  }
0x1f: {  	s30 =	simm.s32 $0xA0  }
0x20: {  	[tilespmem:s16], [sflag:$0x3] =	stream.indirect.gather [hbm4b:s1+s12], $0x40, s30, s12, $0xb8;
	[tilespmem:$0x1A040] =	vst v63  }
0x21: {  	s30 =	simm.s32 $0xF0  }
0x22: {  	[tilespmem:s18], [sflag:$0x4] =	stream.indirect.gather [hbm4b:s1+s12], $0x40, s30, s12, $0xb8;
	[tilespmem:$0x1A040] =	vst v63  }
0x23: {  	s30 =	simm.s32 $0x140  }
0x24: {  	[tilespmem:s20], [sflag:$0x5] =	stream.indirect.gather [hbm4b:s1+s12], $0x40, s30, s12, $0xb8;
	[tilespmem:$0x1A040] =	vst v63  }
0x25: {  	[spmem:s22], [sflag:s21] =	dma.local [hbm:s7], $0x1400  }
0x26: {  	_ =	swait.ge [sflag:s10], $0x1400  }
0x27: {  	[sflag:s10] =	ssyncset.done $0x0  }
0x28: {  	[sflag:s10] =	ssyncadd.s32 $0xFFFFEC00  }
0x29: {  	[bflag:$0x0] =	sbarrier.arrive $0xFFFF  }
0x2a: {  	_ =	swait.ge [sflag:s23], $0x1400  }
0x2b: {  	[sflag:s23] =	ssyncset.done $0x0  }
0x2c: {  	s30 =	simm.s32 $0x4E20;
	[sflag:s23] =	ssyncadd.s32 $0xFFFFEC00  }
0x2d: {  	[spmem:s3] =	stream.indirect.scatter.add.f32 [tilespmem:s13], [sflag:$0x6], $0x40, s30, s12, $0xb8;
	[tilespmem:$0x1A040] =	vst v63  }
0x2e: {  	_ =	swait.ge [sflag:s10], $0x1400  }
0x2f: {  	[sflag:s10] =	ssyncset.done $0x0  }
0x30: {  	s30 =	simm.s32 $0x190;
	[sflag:s10] =	ssyncadd.s32 $0xFFFFEC00  }
0x31: {  	[tilespmem:s13], [sflag:$0x1] =	stream.indirect.gather [hbm4b:s1+s12], $0x40, s30, s12, $0xb8;
	[tilespmem:$0x1A040] =	vst v63  }
0x32: {  	_ =	swait.ge [sflag:s24], $0x1400  }
0x33: {  	[sflag:s24] =	ssyncset.done $0x0  }
0x34: {  	s30 =	simm.s32 $0x4E70;
	[sflag:s24] =	ssyncadd.s32 $0xFFFFEC00  }
0x35: {  	[spmem:s3] =	stream.indirect.scatter.add.f32 [tilespmem:s14], [sflag:$0x6], $0x40, s30, s12, $0xb8;
	[tilespmem:$0x1A040] =	vst v63  }
0x36: {  	_ =	swait.ge [sflag:s10], $0x1400  }
0x37: {  	[sflag:s10] =	ssyncset.done $0x0  }
0x38: {  	s30 =	simm.s32 $0x1E0;
	[sflag:s10] =	ssyncadd.s32 $0xFFFFEC00  }
0x39: {  	[tilespmem:s14], [sflag:$0x2] =	stream.indirect.gather [hbm4b:s1+s12], $0x40, s30, s12, $0xb8;
	[tilespmem:$0x1A040] =	vst v63  }
0x3a: {  	_ =	swait.ge [sflag:s25], $0x1400  }
0x3b: {  	[sflag:s25] =	ssyncset.done $0x0  }
0x3c: {  	s30 =	simm.s32 $0x4EC0;
	[sflag:s25] =	ssyncadd.s32 $0xFFFFEC00  }
0x3d: {  	[spmem:s3] =	stream.indirect.scatter.add.f32 [tilespmem:s16], [sflag:$0x6], $0x40, s30, s12, $0xb8;
	[tilespmem:$0x1A040] =	vst v63  }
0x3e: {  	_ =	swait.ge [sflag:s10], $0x1400  }
0x3f: {  	[sflag:s10] =	ssyncset.done $0x0  }
0x40: {  	s30 =	simm.s32 $0x230;
	[sflag:s10] =	ssyncadd.s32 $0xFFFFEC00  }
0x41: {  	[tilespmem:s16], [sflag:$0x3] =	stream.indirect.gather [hbm4b:s1+s12], $0x40, s30, s12, $0xb8;
	[tilespmem:$0x1A040] =	vst v63  }
0x42: {  	_ =	swait.ge [sflag:s26], $0x1400  }
0x43: {  	[sflag:s26] =	ssyncset.done $0x0  }
0x44: {  	s30 =	simm.s32 $0x4F10;
	[sflag:s26] =	ssyncadd.s32 $0xFFFFEC00  }
0x45: {  	[spmem:s3] =	stream.indirect.scatter.add.f32 [tilespmem:s18], [sflag:$0x6], $0x40, s30, s12, $0xb8;
	[tilespmem:$0x1A040] =	vst v63  }
0x46: {  	_ =	swait.ge [sflag:s10], $0x1400  }
0x47: {  	[sflag:s10] =	ssyncset.done $0x0  }
0x48: {  	s30 =	simm.s32 $0x280;
	[sflag:s10] =	ssyncadd.s32 $0xFFFFEC00  }
0x49: {  	[tilespmem:s18], [sflag:$0x4] =	stream.indirect.gather [hbm4b:s1+s12], $0x40, s30, s12, $0xb8;
	[tilespmem:$0x1A040] =	vst v63  }
0x4a: {  	_ =	swait.ge [sflag:s28], $0x1400  }
0x4b: {  	[sflag:s28] =	ssyncset.done $0x0  }
0x4c: {  	s30 =	simm.s32 $0x4F60;
	[sflag:s28] =	ssyncadd.s32 $0xFFFFEC00  }
0x4d: {  	[spmem:s3] =	stream.indirect.scatter.add.f32 [tilespmem:s20], [sflag:$0x6], $0x40, s30, s12, $0xb8;
	[tilespmem:$0x1A040] =	vst v63  }
0x4e: {  	_ =	swait.ge [sflag:s10], $0x1400  }
0x4f: {  	[sflag:s10] =	ssyncset.done $0x0  }
0x50: {  	s29 =	simm.s32 $0x2D0;
	s19 =	simm.s32 $0x640;
	[sflag:s10] =	ssyncadd.s32 $0xFFFFEC00  }
.LBB2_2:
0x51: {  	[tilespmem:s20], [sflag:$0x5] =	stream.indirect.gather [hbm4b:s1+s12], $0x40, s29, s12, $0xb8;
	[tilespmem:$0x1A040] =	vst v63  }
0x52: {  	s29 =	smov.u32 s19  }
0x53: {  	p0 =	sne.s32 s19, $0x12C00;
	s19 =	sadd.s32 $0x640, s19;
	_ =	swait.ge [sflag:s23], $0x1400  }
0x54: {  	s29 =	sshra.s32 s29, $0x2;
	[sflag:s23] =	ssyncset.done $0x0  }
0x55: {  	s30 =	sadd.s32 $0x4E20, s29;
	[sflag:s23] =	ssyncadd.s32 $0xFFFFEC00  }
0x56: {  	[spmem:s3] =	stream.indirect.scatter.add.f32 [tilespmem:s13], [sflag:$0x6], $0x40, s30, s12, $0xb8;
	[tilespmem:$0x1A040] =	vst v63  }
0x57: {  	_ =	swait.ge [sflag:s10], $0x1400  }
0x58: {  	[sflag:s10] =	ssyncset.done $0x0  }
0x59: {  	s30 =	sadd.s32 $0x190, s29;
	[sflag:s10] =	ssyncadd.s32 $0xFFFFEC00  }
0x5a: {  	[tilespmem:s13], [sflag:$0x1] =	stream.indirect.gather [hbm4b:s1+s12], $0x40, s30, s12, $0xb8;
	[tilespmem:$0x1A040] =	vst v63  }
0x5b: {  	_ =	swait.ge [sflag:s24], $0x1400  }
0x5c: {  	[sflag:s24] =	ssyncset.done $0x0  }
0x5d: {  	s30 =	sadd.s32 $0x4E70, s29;
	[sflag:s24] =	ssyncadd.s32 $0xFFFFEC00  }
0x5e: {  	[spmem:s3] =	stream.indirect.scatter.add.f32 [tilespmem:s14], [sflag:$0x6], $0x40, s30, s12, $0xb8;
	[tilespmem:$0x1A040] =	vst v63  }
0x5f: {  	_ =	swait.ge [sflag:s10], $0x1400  }
0x60: {  	[sflag:s10] =	ssyncset.done $0x0  }
0x61: {  	s30 =	sadd.s32 $0x1E0, s29;
	[sflag:s10] =	ssyncadd.s32 $0xFFFFEC00  }
0x62: {  	[tilespmem:s14], [sflag:$0x2] =	stream.indirect.gather [hbm4b:s1+s12], $0x40, s30, s12, $0xb8;
	[tilespmem:$0x1A040] =	vst v63  }
0x63: {  	_ =	swait.ge [sflag:s25], $0x1400  }
0x64: {  	[sflag:s25] =	ssyncset.done $0x0  }
0x65: {  	s30 =	sadd.s32 $0x4EC0, s29;
	[sflag:s25] =	ssyncadd.s32 $0xFFFFEC00  }
0x66: {  	[spmem:s3] =	stream.indirect.scatter.add.f32 [tilespmem:s16], [sflag:$0x6], $0x40, s30, s12, $0xb8;
	[tilespmem:$0x1A040] =	vst v63  }
0x67: {  	_ =	swait.ge [sflag:s10], $0x1400  }
0x68: {  	[sflag:s10] =	ssyncset.done $0x0  }
0x69: {  	s30 =	sadd.s32 $0x230, s29;
	[sflag:s10] =	ssyncadd.s32 $0xFFFFEC00  }
0x6a: {  	[tilespmem:s16], [sflag:$0x3] =	stream.indirect.gather [hbm4b:s1+s12], $0x40, s30, s12, $0xb8;
	[tilespmem:$0x1A040] =	vst v63  }
0x6b: {  	_ =	swait.ge [sflag:s26], $0x1400  }
0x6c: {  	[sflag:s26] =	ssyncset.done $0x0  }
0x6d: {  	s30 =	sadd.s32 $0x4F10, s29;
	[sflag:s26] =	ssyncadd.s32 $0xFFFFEC00  }
0x6e: {  	[spmem:s3] =	stream.indirect.scatter.add.f32 [tilespmem:s18], [sflag:$0x6], $0x40, s30, s12, $0xb8;
	[tilespmem:$0x1A040] =	vst v63  }
0x6f: {  	_ =	swait.ge [sflag:s10], $0x1400  }
0x70: {  	[sflag:s10] =	ssyncset.done $0x0  }
0x71: {  	s30 =	sadd.s32 $0x280, s29;
	[sflag:s10] =	ssyncadd.s32 $0xFFFFEC00  }
0x72: {  	[tilespmem:s18], [sflag:$0x4] =	stream.indirect.gather [hbm4b:s1+s12], $0x40, s30, s12, $0xb8;
	[tilespmem:$0x1A040] =	vst v63  }
0x73: {  	_ =	swait.ge [sflag:s28], $0x1400  }
0x74: {  	[sflag:s28] =	ssyncset.done $0x0  }
.Ltmp0:
0x75: {  	s30 =	sadd.s32 $0x4F60, s29;
	[sflag:s28] =	ssyncadd.s32 $0xFFFFEC00;
	(pc) =	sbr.rel @p0 .LBB2_2-.Ltmp0, $4  }
0x76: {  	[spmem:s3] =	stream.indirect.scatter.add.f32 [tilespmem:s20], [sflag:$0x6], $0x40, s30, s12, $0xb8;
	[tilespmem:$0x1A040] =	vst v63  }
0x77: {  	_ =	swait.ge [sflag:s10], $0x1400  }
0x78: {  	[sflag:s10] =	ssyncset.done $0x0  }
0x79: {  	s29 =	sadd.s32 $0x2D0, s29;
	[sflag:s10] =	ssyncadd.s32 $0xFFFFEC00  }
0x7a: {  	[tilespmem:s20], [sflag:$0x5] =	stream.indirect.gather [hbm4b:s1+s12], $0x40, s29, s12, $0xb8;
	[tilespmem:$0x1A040] =	vst v63  }
0x7b: {  	_ =	swait.ge [sflag:s23], $0x1400  }
0x7c: {  	[sflag:s23] =	ssyncset.done $0x0  }
0x7d: {  	s19 =	simm.s32 $0x9AB0;
	[sflag:s23] =	ssyncadd.s32 $0xFFFFEC00  }
0x7e: {  	[spmem:s3] =	stream.indirect.scatter.add.f32 [tilespmem:s13], [sflag:$0x6], $0x40, s19, s12, $0xb8;
	[tilespmem:$0x1A040] =	vst v63  }
0x7f: {  	_ =	swait.ge [sflag:s10], $0x1400  }
0x80: {  	[sflag:s10] =	ssyncset.done $0x0  }
0x81: {  	[sflag:s10] =	ssyncadd.s32 $0xFFFFEC00  }
0x82: {  	_ =	swait.ge [sflag:s24], $0x1400  }
0x83: {  	[sflag:s24] =	ssyncset.done $0x0  }
0x84: {  	s30 =	simm.s32 $0x9B00;
	[sflag:s24] =	ssyncadd.s32 $0xFFFFEC00  }
0x85: {  	[spmem:s3] =	stream.indirect.scatter.add.f32 [tilespmem:s14], [sflag:$0x6], $0x40, s30, s12, $0xb8;
	[tilespmem:$0x1A040] =	vst v63  }
0x86: {  	_ =	swait.ge [sflag:s10], $0x1400  }
0x87: {  	[sflag:s10] =	ssyncset.done $0x0  }
0x88: {  	[sflag:s10] =	ssyncadd.s32 $0xFFFFEC00  }
0x89: {  	_ =	swait.ge [sflag:s25], $0x1400  }
0x8a: {  	[sflag:s25] =	ssyncset.done $0x0  }
0x8b: {  	[sflag:s25] =	ssyncadd.s32 $0xFFFFEC00  }
0x8c: {  	[spmem:s3] =	stream.indirect.scatter.add.f32 [tilespmem:s16], [sflag:$0x6], $0x40, s31, s12, $0xb8;
	[tilespmem:$0x1A040] =	vst v63  }
0x8d: {  	_ =	swait.ge [sflag:s10], $0x1400  }
0x8e: {  	[sflag:s10] =	ssyncset.done $0x0  }
0x8f: {  	[sflag:s10] =	ssyncadd.s32 $0xFFFFEC00  }
0x90: {  	_ =	swait.ge [sflag:s26], $0x1400  }
0x91: {  	[sflag:s26] =	ssyncset.done $0x0  }
0x92: {  	[sflag:s26] =	ssyncadd.s32 $0xFFFFEC00  }
0x93: {  	[spmem:s3] =	stream.indirect.scatter.add.f32 [tilespmem:s18], [sflag:$0x6], $0x40, s2, s12, $0xb8;
	[tilespmem:$0x1A040] =	vst v63  }
0x94: {  	_ =	swait.ge [sflag:s10], $0x1400  }
0x95: {  	[sflag:s10] =	ssyncset.done $0x0  }
0x96: {  	[sflag:s10] =	ssyncadd.s32 $0xFFFFEC00  }
0x97: {  	_ =	swait.ge [sflag:s28], $0x1400  }
0x98: {  	[sflag:s28] =	ssyncset.done $0x0  }
0x99: {  	[sflag:s28] =	ssyncadd.s32 $0xFFFFEC00  }
0x9a: {  	[spmem:s3] =	stream.indirect.scatter.add.f32 [tilespmem:s20], [sflag:$0x6], $0x40, s0, s12, $0xb8;
	[tilespmem:$0x1A040] =	vst v63  }
0x9b: {  	_ =	swait.ge [sflag:s10], $0x1400  }
0x9c: {  	s17 =	sadd.s32 $0x1, s17;
	[sflag:s10] =	ssyncset.done $0x0  }
0x9d: {  	p0 =	sne.s32 s17, s9;
	[sflag:s10] =	ssyncadd.s32 $0xFFFFEC00  }
.Ltmp1:
0x9e: {  	[bflag:$0x0] =	sbarrier.arrive $0xFFFF;
	(pc) =	sbr.rel @p0 .LBB2_1-.Ltmp1, $4  }
0x9f: {  	[hbm:s8@s11], [sflag:s21] =	dma.strided [spmem:s22@s15], $0x1400, s23, $0x8   }
0xa0: {  	_ =	swait.ge [sflag:s10], $0x1400  }
0xa1: {  	[sflag:s10] =	ssyncset.done $0x0  }
0xa2: {  	[sflag:s10] =	ssyncadd.s32 $0xFFFFEC00  }
0xa3: {  	_ =	sfence.sel $0x180000  }
0xa4: {  	[bflag:$0x0] =	sbarrier.arrive $0xFFFF  }
0xa5: {  	_ =	strace $0x90000047  }
0xa6: {  	s0 =	stileid.u32;
	[bflag:$0x2] =	sbarrier.arrive $0xFFFF  }
0xa7: {  	p0 =	sne.s32 s0, $0x0;
	s0 =	rddreg [dreg:$0x3]  }
0xa8: {  	s0 =	sadd.s32 @!p0 $0x100000, s0  }
0xa9: {  	[sflag:s0] =	ssyncadd.tile.s32 @!p0 $0x1;
	_ =	shalt  }
.Lfunc_end2:
_tile_overlayer_lowered:
.L_overlay_start_2:
0xaa: {  	(tag) =	ssettag $0x2  }
0xab: {  	s0 =	rddreg [dreg:$0x0];
	s2 =	stileid.u32  }
0xac: {  	s1 =	rddreg [dreg:$0x1];
	p0 =	sne.s32 s2, $0x0  }
0xad: {  	s3 =	rddreg [dreg:$0x2];
	[bflag:$0x3] =	sbarrier.arrive $0xFFFF;
	s2 =	simm.s32 @!p0 $0x1C06  }
0xae: {  	[timem:s3], [sflag:s2] =	dma.local @!p0 [hbm:s0], s1  }
0xaf: {  	s0 =	simm.s32 @!p0 $0x6  }
0xb0: {  	_ =	swait.ge @!p0 [sflag:s0], s1  }
0xb1: {  	s1 =	ssub.s32 @!p0 $0x0, s1;
	[sflag:s0] =	ssyncset.done @!p0 $0x0  }
0xb2: {  	[sflag:s0] =	ssyncadd.s32 @!p0 s1  }
0xb3: {  	[bflag:$0x3] =	sbarrier.arrive $0xFFFF  }
0xb4: {  	_ =	shalt  }

</sc_bundles>
